<compile_context>
chip_gen: v7x
topology: tpu7x:2x2x1
jax: 0.10.2.dev20260603
libtpu: 0.0.44.dev20260713+nightly
codegen_flags: <defaults>
</compile_context>

<pallas_src>
import functools

import jax
import jax.numpy as jnp
from jax import lax
from jax.experimental import pallas as pl
from jax.experimental.pallas import tpu as pltpu
from jax.experimental.pallas import tpu_sc as plsc

_NUM_CORES = 2
_NUM_SUBCORES = 16
_NW = _NUM_CORES * _NUM_SUBCORES


@functools.lru_cache(maxsize=None)
def _build_gather(seq: int, batch: int, d_model: int):
    s_per_w = seq // _NW
    s_grp = 32
    n_grp = (s_per_w // s_grp) * batch
    nbuf = 3

    mesh = plsc.VectorSubcoreMesh(
        core_axis_name="c",
        subcore_axis_name="s",
        num_cores=_NUM_CORES,
        num_subcores=_NUM_SUBCORES,
    )

    @functools.partial(
        pl.kernel,
        mesh=mesh,
        out_type=jax.ShapeDtypeStruct((seq, batch, d_model), jnp.float32),
        scratch_types=[
            pltpu.VMEM((batch * s_per_w,), jnp.int32),
            pltpu.VMEM((nbuf, s_grp, d_model), jnp.float32),
            pltpu.SemaphoreType.DMA,
            pltpu.SemaphoreType.DMA,
        ],
    )
    def gather_kernel(idx_hbm, table_hbm, out_hbm, idx_v, rows_v, sem_g, sem_w):
        wid = lax.axis_index("s") * _NUM_CORES + lax.axis_index("c")
        s_base = wid * s_per_w
        h_i = [
            pltpu.async_copy(
                idx_hbm.at[b, pl.ds(s_base, s_per_w)],
                idx_v.at[pl.ds(b * s_per_w, s_per_w)],
                sem_w,
            )
            for b in range(batch)
        ]

        def gather(g):
            b, sblk = g % batch, g // batch
            return pltpu.async_copy(
                table_hbm.at[idx_v.at[pl.ds(b * s_per_w + sblk * s_grp, s_grp)]],
                rows_v.at[g % nbuf],
                sem_g,
            )

        def write(g):
            b, sblk = g % batch, g // batch
            return pltpu.async_copy(
                rows_v.at[g % nbuf],
                out_hbm.at[pl.ds(s_base + sblk * s_grp, s_grp), b],
                sem_w,
            )

        h_g = [None] * n_grp
        h_w = [None] * n_grp
        for g in range(nbuf - 1):
            h_i[g % batch].wait()
            h_g[g] = gather(g)
        for b in range(min(nbuf - 1, batch), batch):
            h_i[b].wait()
        for g in range(n_grp):
            h_g[g].wait()
            h_w[g] = write(g)
            nxt = g + nbuf - 1
            if nxt < n_grp:
                if g >= 1:
                    h_w[g - 1].wait()
                h_g[nxt] = gather(nxt)
        for g in range(n_grp - nbuf, n_grp):
            h_w[g].wait()

    return gather_kernel


def kernel(input_ids, input_mask, table):
    del input_mask
    batch, seq = input_ids.shape
    _, d_model = table.shape
    return _build_gather(seq, batch, d_model)(input_ids, table)

# --- scband reference (transcript-rebuilt; emitter-appended) ---
"""Pipeline reference for scband-embedding-6863357739613 (READ-ONLY COPY).

The authoritative reference and input builder live on the scoring server;
editing this copy changes nothing except your own understanding.
"""

import jax, jax.numpy as jnp
import numpy as np

VOCAB = 100000
D_MODEL = 1024
BATCH = 4
SEQ = 4096


def setup_inputs(seed: int = 0) -> dict:
    key = jax.random.key(seed)
    k_ids, k_tab = jax.random.split(key)
    input_ids = jax.random.randint(k_ids, (BATCH, SEQ), 0, VOCAB, dtype=jnp.int32)
    input_mask = jnp.ones((BATCH, SEQ), dtype=jnp.bool_)
    # Embedding table; padding_idx=0 row initialized to zeros (nn.Embedding semantics)
    table = jax.random.normal(k_tab, (VOCAB, D_MODEL), dtype=jnp.float32)
    table = table.at[0].set(0.0)
    return {"input_ids": input_ids, "input_mask": input_mask, "table": table}


def reference(input_ids, input_mask, table):
    # Store is None in a standalone (non-inference-cache) forward, so the
    # past_length bookkeeping branch is skipped; input_mask is otherwise unused
    # in the returned computation (it only feeds the inference store).
    ids_t = input_ids.T  # [seq_len, batch] -- matches input_ids.transpose(0, 1)
    input_embeds = jnp.take(table, ids_t, axis=0)  # [seq_len, batch, d_model]
    return input_embeds

if __name__ == "__main__":
    import jax
    _d = setup_inputs()
    print(jax.jit(kernel)(*tuple(_d.values())))

</pallas_src>

<mosaic_0001>
#map = affine_map<(d0, d1) -> (0, 0)>
#map1 = affine_map<(d0, d1) -> (0, 0, 0)>
module attributes {stable_mosaic.version = 14 : i64} {
  func.func @gather_kernel(%arg0: i32, %arg1: i32, %arg2: memref<4x4096xi32, #tpu.memory_space<hbm>>, %arg3: memref<100000x1024xf32, #tpu.memory_space<hbm>>, %arg4: memref<4096x4x1024xf32, #tpu.memory_space<hbm>>, %arg5: memref<512xi32, #tpu.memory_space<vmem>>, %arg6: memref<3x32x1024xf32, #tpu.memory_space<vmem>>, %arg7: memref<!tpu.dma_semaphore, #tpu.memory_space<semaphore_mem>>, %arg8: memref<!tpu.dma_semaphore, #tpu.memory_space<semaphore_mem>>) attributes {dimension_semantics = [#tpu.dimension_semantics<core_parallel>, #tpu.dimension_semantics<subcore_parallel>], iteration_bounds = array<i64: 2, 16>, scalar_prefetch = 0 : i64, scratch_operands = 4 : i64, tpu.core_type = #tpu.core_type<sc_vector_subcore>, window_params = [{transform_indices = #map}, {transform_indices = #map}, {transform_indices = #map1}]} {
    %mul3A = arith.constant 2 : i32
    %mul3A_0 = arith.muli %arg1, %mul3A : i32
    %add3A = arith.addi %mul3A_0, %arg0 : i32
    %mul3A_1 = arith.constant 128 : i32
    %mul3A_2 = arith.muli %add3A, %mul3A_1 : i32
    %dma_start3A = arith.constant 0 : i32
    %dma_start3A_3 = arith.constant 0 : i32
    %dma_start3A_4 = tpu.memref_slice %arg5[%dma_start3A_3] : memref<512xi32, #tpu.memory_space<vmem>> -> memref<128xi32, #tpu.memory_space<vmem>>
    %dma_start3A_5 = tpu.memref_slice %arg2[%dma_start3A, %mul3A_2] : memref<4x4096xi32, #tpu.memory_space<hbm>> -> memref<1x128xi32, #tpu.memory_space<hbm>>
    %dma_start3A_6 = tpu.memref_squeeze %dma_start3A_5 : memref<1x128xi32, #tpu.memory_space<hbm>> -> memref<128xi32, #tpu.memory_space<hbm>>
    %dma_start3A_7 = arith.constant 0 : i32
    %dma_start3A_8 = tpu.memref_slice %arg5[%dma_start3A_7] : memref<512xi32, #tpu.memory_space<vmem>> -> memref<128xi32, #tpu.memory_space<vmem>>
    %dma_start3A_9 = tpu.memref_slice %arg2[%dma_start3A, %mul3A_2] : memref<4x4096xi32, #tpu.memory_space<hbm>> -> memref<1x128xi32, #tpu.memory_space<hbm>>
    %dma_start3A_10 = tpu.memref_squeeze %dma_start3A_9 : memref<1x128xi32, #tpu.memory_space<hbm>> -> memref<128xi32, #tpu.memory_space<hbm>>
    tpu.enqueue_dma source(%dma_start3A_10 : memref<128xi32, #tpu.memory_space<hbm>>) target(%dma_start3A_8 : memref<128xi32, #tpu.memory_space<vmem>>) target_semaphore(%arg8 : memref<!tpu.dma_semaphore, #tpu.memory_space<semaphore_mem>>)
    %dma_start3A_11 = arith.constant 1 : i32
    %dma_start3A_12 = arith.constant 128 : i32
    %dma_start3A_13 = tpu.memref_slice %arg5[%dma_start3A_12] : memref<512xi32, #tpu.memory_space<vmem>> -> memref<128xi32, #tpu.memory_space<vmem>>
    %dma_start3A_14 = tpu.memref_slice %arg2[%dma_start3A_11, %mul3A_2] : memref<4x4096xi32, #tpu.memory_space<hbm>> -> memref<1x128xi32, #tpu.memory_space<hbm>>
    %dma_start3A_15 = tpu.memref_squeeze %dma_start3A_14 : memref<1x128xi32, #tpu.memory_space<hbm>> -> memref<128xi32, #tpu.memory_space<hbm>>
    %dma_start3A_16 = arith.constant 128 : i32
    %dma_start3A_17 = tpu.memref_slice %arg5[%dma_start3A_16] : memref<512xi32, #tpu.memory_space<vmem>> -> memref<128xi32, #tpu.memory_space<vmem>>
    %dma_start3A_18 = tpu.memref_slice %arg2[%dma_start3A_11, %mul3A_2] : memref<4x4096xi32, #tpu.memory_space<hbm>> -> memref<1x128xi32, #tpu.memory_space<hbm>>
    %dma_start3A_19 = tpu.memref_squeeze %dma_start3A_18 : memref<1x128xi32, #tpu.memory_space<hbm>> -> memref<128xi32, #tpu.memory_space<hbm>>
    tpu.enqueue_dma source(%dma_start3A_19 : memref<128xi32, #tpu.memory_space<hbm>>) target(%dma_start3A_17 : memref<128xi32, #tpu.memory_space<vmem>>) target_semaphore(%arg8 : memref<!tpu.dma_semaphore, #tpu.memory_space<semaphore_mem>>)
    %dma_start3A_20 = arith.constant 2 : i32
    %dma_start3A_21 = arith.constant 256 : i32
    %dma_start3A_22 = tpu.memref_slice %arg5[%dma_start3A_21] : memref<512xi32, #tpu.memory_space<vmem>> -> memref<128xi32, #tpu.memory_space<vmem>>
    %dma_start3A_23 = tpu.memref_slice %arg2[%dma_start3A_20, %mul3A_2] : memref<4x4096xi32, #tpu.memory_space<hbm>> -> memref<1x128xi32, #tpu.memory_space<hbm>>
    %dma_start3A_24 = tpu.memref_squeeze %dma_start3A_23 : memref<1x128xi32, #tpu.memory_space<hbm>> -> memref<128xi32, #tpu.memory_space<hbm>>
    %dma_start3A_25 = arith.constant 256 : i32
    %dma_start3A_26 = tpu.memref_slice %arg5[%dma_start3A_25] : memref<512xi32, #tpu.memory_space<vmem>> -> memref<128xi32, #tpu.memory_space<vmem>>
    %dma_start3A_27 = tpu.memref_slice %arg2[%dma_start3A_20, %mul3A_2] : memref<4x4096xi32, #tpu.memory_space<hbm>> -> memref<1x128xi32, #tpu.memory_space<hbm>>
    %dma_start3A_28 = tpu.memref_squeeze %dma_start3A_27 : memref<1x128xi32, #tpu.memory_space<hbm>> -> memref<128xi32, #tpu.memory_space<hbm>>
    tpu.enqueue_dma source(%dma_start3A_28 : memref<128xi32, #tpu.memory_space<hbm>>) target(%dma_start3A_26 : memref<128xi32, #tpu.memory_space<vmem>>) target_semaphore(%arg8 : memref<!tpu.dma_semaphore, #tpu.memory_space<semaphore_mem>>)
    %dma_start3A_29 = arith.constant 3 : i32
    %dma_start3A_30 = arith.constant 384 : i32
    %dma_start3A_31 = tpu.memref_slice %arg5[%dma_start3A_30] : memref<512xi32, #tpu.memory_space<vmem>> -> memref<128xi32, #tpu.memory_space<vmem>>
    %dma_start3A_32 = tpu.memref_slice %arg2[%dma_start3A_29, %mul3A_2] : memref<4x4096xi32, #tpu.memory_space<hbm>> -> memref<1x128xi32, #tpu.memory_space<hbm>>
    %dma_start3A_33 = tpu.memref_squeeze %dma_start3A_32 : memref<1x128xi32, #tpu.memory_space<hbm>> -> memref<128xi32, #tpu.memory_space<hbm>>
    %dma_start3A_34 = arith.constant 384 : i32
    %dma_start3A_35 = tpu.memref_slice %arg5[%dma_start3A_34] : memref<512xi32, #tpu.memory_space<vmem>> -> memref<128xi32, #tpu.memory_space<vmem>>
    %dma_start3A_36 = tpu.memref_slice %arg2[%dma_start3A_29, %mul3A_2] : memref<4x4096xi32, #tpu.memory_space<hbm>> -> memref<1x128xi32, #tpu.memory_space<hbm>>
    %dma_start3A_37 = tpu.memref_squeeze %dma_start3A_36 : memref<1x128xi32, #tpu.memory_space<hbm>> -> memref<128xi32, #tpu.memory_space<hbm>>
    tpu.enqueue_dma source(%dma_start3A_37 : memref<128xi32, #tpu.memory_space<hbm>>) target(%dma_start3A_35 : memref<128xi32, #tpu.memory_space<vmem>>) target_semaphore(%arg8 : memref<!tpu.dma_semaphore, #tpu.memory_space<semaphore_mem>>)
    %dma_wait3A = arith.constant 0 : i32
    %dma_wait3A_38 = arith.constant 0 : i32
    %dma_wait3A_39 = tpu.memref_slice %arg5[%dma_wait3A_38] : memref<512xi32, #tpu.memory_space<vmem>> -> memref<128xi32, #tpu.memory_space<vmem>>
    %dma_wait3A_40 = tpu.memref_slice %arg2[%dma_wait3A, %mul3A_2] : memref<4x4096xi32, #tpu.memory_space<hbm>> -> memref<1x128xi32, #tpu.memory_space<hbm>>
    %dma_wait3A_41 = tpu.memref_squeeze %dma_wait3A_40 : memref<1x128xi32, #tpu.memory_space<hbm>> -> memref<128xi32, #tpu.memory_space<hbm>>
    %dma_wait3A_42 = arith.constant 0 : i32
    %dma_wait3A_43 = tpu.memref_slice %arg5[%dma_wait3A_42] : memref<512xi32, #tpu.memory_space<vmem>> -> memref<128xi32, #tpu.memory_space<vmem>>
    %dma_wait3A_44 = tpu.memref_slice %arg2[%dma_wait3A, %mul3A_2] : memref<4x4096xi32, #tpu.memory_space<hbm>> -> memref<1x128xi32, #tpu.memory_space<hbm>>
    %dma_wait3A_45 = tpu.memref_squeeze %dma_wait3A_44 : memref<1x128xi32, #tpu.memory_space<hbm>> -> memref<128xi32, #tpu.memory_space<hbm>>
    tpu.wait_dma2 semaphore(%arg8 : memref<!tpu.dma_semaphore, #tpu.memory_space<semaphore_mem>>) src(%dma_wait3A_45 : memref<128xi32, #tpu.memory_space<hbm>>) dst(%dma_wait3A_43 : memref<128xi32, #tpu.memory_space<vmem>>)
    %dma_start3A_46 = arith.constant 0 : i32
    %dma_start3A_47 = arith.constant 0 : i32
    %dma_start3A_48 = arith.constant 0 : i32
    %dma_start3A_49 = tpu.memref_slice %arg6[%dma_start3A_46, %dma_start3A_47, %dma_start3A_48] : memref<3x32x1024xf32, #tpu.memory_space<vmem>> -> memref<1x32x1024xf32, #tpu.memory_space<vmem>>
    %dma_start3A_50 = tpu.memref_squeeze %dma_start3A_49 : memref<1x32x1024xf32, #tpu.memory_space<vmem>> -> memref<32x1024xf32, #tpu.memory_space<vmem>>
    %dma_start3A_51 = arith.constant 0 : i32
    %dma_start3A_52 = tpu.memref_slice %arg5[%dma_start3A_51] : memref<512xi32, #tpu.memory_space<vmem>> -> memref<32xi32, #tpu.memory_space<vmem>>
    %dma_start3A_53 = arith.constant 0 : i32
    %dma_start3A_54 = arith.constant 0 : i32
    %dma_start3A_55 = tpu.memref_slice %arg3[%dma_start3A_53, %dma_start3A_54] : memref<100000x1024xf32, #tpu.memory_space<hbm>> -> memref<100000x1024xf32, #tpu.memory_space<hbm>>
    tpu.enqueue_indirect_dma source(%dma_start3A_55 : memref<100000x1024xf32, #tpu.memory_space<hbm>>) target(%dma_start3A_50 : memref<32x1024xf32, #tpu.memory_space<vmem>>) offsets(%dma_start3A_52 : memref<32xi32, #tpu.memory_space<vmem>>) semaphore(%arg7 : memref<!tpu.dma_semaphore, #tpu.memory_space<semaphore_mem>>)
    %dma_wait3A_56 = arith.constant 1 : i32
    %dma_wait3A_57 = arith.constant 128 : i32
    %dma_wait3A_58 = tpu.memref_slice %arg5[%dma_wait3A_57] : memref<512xi32, #tpu.memory_space<vmem>> -> memref<128xi32, #tpu.memory_space<vmem>>
    %dma_wait3A_59 = tpu.memref_slice %arg2[%dma_wait3A_56, %mul3A_2] : memref<4x4096xi32, #tpu.memory_space<hbm>> -> memref<1x128xi32, #tpu.memory_space<hbm>>
    %dma_wait3A_60 = tpu.memref_squeeze %dma_wait3A_59 : memref<1x128xi32, #tpu.memory_space<hbm>> -> memref<128xi32, #tpu.memory_space<hbm>>
    %dma_wait3A_61 = arith.constant 128 : i32
    %dma_wait3A_62 = tpu.memref_slice %arg5[%dma_wait3A_61] : memref<512xi32, #tpu.memory_space<vmem>> -> memref<128xi32, #tpu.memory_space<vmem>>
    %dma_wait3A_63 = tpu.memref_slice %arg2[%dma_wait3A_56, %mul3A_2] : memref<4x4096xi32, #tpu.memory_space<hbm>> -> memref<1x128xi32, #tpu.memory_space<hbm>>
    %dma_wait3A_64 = tpu.memref_squeeze %dma_wait3A_63 : memref<1x128xi32, #tpu.memory_space<hbm>> -> memref<128xi32, #tpu.memory_space<hbm>>
    tpu.wait_dma2 semaphore(%arg8 : memref<!tpu.dma_semaphore, #tpu.memory_space<semaphore_mem>>) src(%dma_wait3A_64 : memref<128xi32, #tpu.memory_space<hbm>>) dst(%dma_wait3A_62 : memref<128xi32, #tpu.memory_space<vmem>>)
    %dma_start3A_65 = arith.constant 1 : i32
    %dma_start3A_66 = arith.constant 0 : i32
    %dma_start3A_67 = arith.constant 0 : i32
    %dma_start3A_68 = tpu.memref_slice %arg6[%dma_start3A_65, %dma_start3A_66, %dma_start3A_67] : memref<3x32x1024xf32, #tpu.memory_space<vmem>> -> memref<1x32x1024xf32, #tpu.memory_space<vmem>>
    %dma_start3A_69 = tpu.memref_squeeze %dma_start3A_68 : memref<1x32x1024xf32, #tpu.memory_space<vmem>> -> memref<32x1024xf32, #tpu.memory_space<vmem>>
    %dma_start3A_70 = arith.constant 128 : i32
    %dma_start3A_71 = tpu.memref_slice %arg5[%dma_start3A_70] : memref<512xi32, #tpu.memory_space<vmem>> -> memref<32xi32, #tpu.memory_space<vmem>>
    %dma_start3A_72 = arith.constant 0 : i32
    %dma_start3A_73 = arith.constant 0 : i32
    %dma_start3A_74 = tpu.memref_slice %arg3[%dma_start3A_72, %dma_start3A_73] : memref<100000x1024xf32, #tpu.memory_space<hbm>> -> memref<100000x1024xf32, #tpu.memory_space<hbm>>
    tpu.enqueue_indirect_dma source(%dma_start3A_74 : memref<100000x1024xf32, #tpu.memory_space<hbm>>) target(%dma_start3A_69 : memref<32x1024xf32, #tpu.memory_space<vmem>>) offsets(%dma_start3A_71 : memref<32xi32, #tpu.memory_space<vmem>>) semaphore(%arg7 : memref<!tpu.dma_semaphore, #tpu.memory_space<semaphore_mem>>)
    %dma_wait3A_75 = arith.constant 2 : i32
    %dma_wait3A_76 = arith.constant 256 : i32
    %dma_wait3A_77 = tpu.memref_slice %arg5[%dma_wait3A_76] : memref<512xi32, #tpu.memory_space<vmem>> -> memref<128xi32, #tpu.memory_space<vmem>>
    %dma_wait3A_78 = tpu.memref_slice %arg2[%dma_wait3A_75, %mul3A_2] : memref<4x4096xi32, #tpu.memory_space<hbm>> -> memref<1x128xi32, #tpu.memory_space<hbm>>
    %dma_wait3A_79 = tpu.memref_squeeze %dma_wait3A_78 : memref<1x128xi32, #tpu.memory_space<hbm>> -> memref<128xi32, #tpu.memory_space<hbm>>
    %dma_wait3A_80 = arith.constant 256 : i32
    %dma_wait3A_81 = tpu.memref_slice %arg5[%dma_wait3A_80] : memref<512xi32, #tpu.memory_space<vmem>> -> memref<128xi32, #tpu.memory_space<vmem>>
    %dma_wait3A_82 = tpu.memref_slice %arg2[%dma_wait3A_75, %mul3A_2] : memref<4x4096xi32, #tpu.memory_space<hbm>> -> memref<1x128xi32, #tpu.memory_space<hbm>>
    %dma_wait3A_83 = tpu.memref_squeeze %dma_wait3A_82 : memref<1x128xi32, #tpu.memory_space<hbm>> -> memref<128xi32, #tpu.memory_space<hbm>>
    tpu.wait_dma2 semaphore(%arg8 : memref<!tpu.dma_semaphore, #tpu.memory_space<semaphore_mem>>) src(%dma_wait3A_83 : memref<128xi32, #tpu.memory_space<hbm>>) dst(%dma_wait3A_81 : memref<128xi32, #tpu.memory_space<vmem>>)
    %dma_wait3A_84 = arith.constant 3 : i32
    %dma_wait3A_85 = arith.constant 384 : i32
    %dma_wait3A_86 = tpu.memref_slice %arg5[%dma_wait3A_85] : memref<512xi32, #tpu.memory_space<vmem>> -> memref<128xi32, #tpu.memory_space<vmem>>
    %dma_wait3A_87 = tpu.memref_slice %arg2[%dma_wait3A_84, %mul3A_2] : memref<4x4096xi32, #tpu.memory_space<hbm>> -> memref<1x128xi32, #tpu.memory_space<hbm>>
    %dma_wait3A_88 = tpu.memref_squeeze %dma_wait3A_87 : memref<1x128xi32, #tpu.memory_space<hbm>> -> memref<128xi32, #tpu.memory_space<hbm>>
    %dma_wait3A_89 = arith.constant 384 : i32
    %dma_wait3A_90 = tpu.memref_slice %arg5[%dma_wait3A_89] : memref<512xi32, #tpu.memory_space<vmem>> -> memref<128xi32, #tpu.memory_space<vmem>>
    %dma_wait3A_91 = tpu.memref_slice %arg2[%dma_wait3A_84, %mul3A_2] : memref<4x4096xi32, #tpu.memory_space<hbm>> -> memref<1x128xi32, #tpu.memory_space<hbm>>
    %dma_wait3A_92 = tpu.memref_squeeze %dma_wait3A_91 : memref<1x128xi32, #tpu.memory_space<hbm>> -> memref<128xi32, #tpu.memory_space<hbm>>
    tpu.wait_dma2 semaphore(%arg8 : memref<!tpu.dma_semaphore, #tpu.memory_space<semaphore_mem>>) src(%dma_wait3A_92 : memref<128xi32, #tpu.memory_space<hbm>>) dst(%dma_wait3A_90 : memref<128xi32, #tpu.memory_space<vmem>>)
    %dma_wait3A_93 = arith.constant 0 : i32
    %dma_wait3A_94 = arith.constant 0 : i32
    %dma_wait3A_95 = arith.constant 0 : i32
    %dma_wait3A_96 = tpu.memref_slice %arg6[%dma_wait3A_93, %dma_wait3A_94, %dma_wait3A_95] : memref<3x32x1024xf32, #tpu.memory_space<vmem>> -> memref<1x32x1024xf32, #tpu.memory_space<vmem>>
    %dma_wait3A_97 = tpu.memref_squeeze %dma_wait3A_96 : memref<1x32x1024xf32, #tpu.memory_space<vmem>> -> memref<32x1024xf32, #tpu.memory_space<vmem>>
    %dma_wait3A_98 = arith.constant 0 : i32
    %dma_wait3A_99 = tpu.memref_slice %arg5[%dma_wait3A_98] : memref<512xi32, #tpu.memory_space<vmem>> -> memref<32xi32, #tpu.memory_space<vmem>>
    %dma_wait3A_100 = arith.constant 0 : i32
    %dma_wait3A_101 = arith.constant 0 : i32
    %dma_wait3A_102 = tpu.memref_slice %arg3[%dma_wait3A_100, %dma_wait3A_101] : memref<100000x1024xf32, #tpu.memory_space<hbm>> -> memref<100000x1024xf32, #tpu.memory_space<hbm>>
    tpu.wait_indirect_dma semaphore(%arg7 : memref<!tpu.dma_semaphore, #tpu.memory_space<semaphore_mem>>) src(%dma_wait3A_102 : memref<100000x1024xf32, #tpu.memory_space<hbm>>) dst(%dma_wait3A_97 : memref<32x1024xf32, #tpu.memory_space<vmem>>)
    %add3A_103 = arith.constant 0 : i32
    %add3A_104 = arith.addi %mul3A_2, %add3A_103 : i32
    %dma_start3A_105 = arith.constant 0 : i32
    %dma_start3A_106 = arith.constant 0 : i32
    %dma_start3A_107 = arith.constant 0 : i32
    %dma_start3A_108 = arith.constant 0 : i32
    %dma_start3A_109 = tpu.memref_slice %arg6[%dma_start3A_105, %dma_start3A_107, %dma_start3A_108] : memref<3x32x1024xf32, #tpu.memory_space<vmem>> -> memref<1x32x1024xf32, #tpu.memory_space<vmem>>
    %dma_start3A_110 = tpu.memref_squeeze %dma_start3A_109 : memref<1x32x1024xf32, #tpu.memory_space<vmem>> -> memref<32x1024xf32, #tpu.memory_space<vmem>>
    %dma_start3A_111 = arith.constant 0 : i32
    %dma_start3A_112 = tpu.memref_slice %arg4[%add3A_104, %dma_start3A_106, %dma_start3A_111] : memref<4096x4x1024xf32, #tpu.memory_space<hbm>> -> memref<32x1x1024xf32, #tpu.memory_space<hbm>>
    %dma_start3A_113 = tpu.memref_squeeze %dma_start3A_112 : memref<32x1x1024xf32, #tpu.memory_space<hbm>> -> memref<32x1024xf32, #tpu.memory_space<hbm>>
    %dma_start3A_114 = arith.constant 0 : i32
    %dma_start3A_115 = tpu.memref_slice %arg4[%add3A_104, %dma_start3A_106, %dma_start3A_114] : memref<4096x4x1024xf32, #tpu.memory_space<hbm>> -> memref<32x1x1024xf32, #tpu.memory_space<hbm>>
    %dma_start3A_116 = tpu.memref_squeeze %dma_start3A_115 : memref<32x1x1024xf32, #tpu.memory_space<hbm>> -> memref<32x1024xf32, #tpu.memory_space<hbm>>
    %dma_start3A_117 = arith.constant 0 : i32
    %dma_start3A_118 = arith.constant 0 : i32
    %dma_start3A_119 = tpu.memref_slice %arg6[%dma_start3A_105, %dma_start3A_117, %dma_start3A_118] : memref<3x32x1024xf32, #tpu.memory_space<vmem>> -> memref<1x32x1024xf32, #tpu.memory_space<vmem>>
    %dma_start3A_120 = tpu.memref_squeeze %dma_start3A_119 : memref<1x32x1024xf32, #tpu.memory_space<vmem>> -> memref<32x1024xf32, #tpu.memory_space<vmem>>
    tpu.enqueue_dma source(%dma_start3A_120 : memref<32x1024xf32, #tpu.memory_space<vmem>>) target(%dma_start3A_116 : memref<32x1024xf32, #tpu.memory_space<hbm>>) target_semaphore(%arg8 : memref<!tpu.dma_semaphore, #tpu.memory_space<semaphore_mem>>)
    %dma_start3A_121 = arith.constant 2 : i32
    %dma_start3A_122 = arith.constant 0 : i32
    %dma_start3A_123 = arith.constant 0 : i32
    %dma_start3A_124 = tpu.memref_slice %arg6[%dma_start3A_121, %dma_start3A_122, %dma_start3A_123] : memref<3x32x1024xf32, #tpu.memory_space<vmem>> -> memref<1x32x1024xf32, #tpu.memory_space<vmem>>
    %dma_start3A_125 = tpu.memref_squeeze %dma_start3A_124 : memref<1x32x1024xf32, #tpu.memory_space<vmem>> -> memref<32x1024xf32, #tpu.memory_space<vmem>>
    %dma_start3A_126 = arith.constant 256 : i32
    %dma_start3A_127 = tpu.memref_slice %arg5[%dma_start3A_126] : memref<512xi32, #tpu.memory_space<vmem>> -> memref<32xi32, #tpu.memory_space<vmem>>
    %dma_start3A_128 = arith.constant 0 : i32
    %dma_start3A_129 = arith.constant 0 : i32
    %dma_start3A_130 = tpu.memref_slice %arg3[%dma_start3A_128, %dma_start3A_129] : memref<100000x1024xf32, #tpu.memory_space<hbm>> -> memref<100000x1024xf32, #tpu.memory_space<hbm>>
    tpu.enqueue_indirect_dma source(%dma_start3A_130 : memref<100000x1024xf32, #tpu.memory_space<hbm>>) target(%dma_start3A_125 : memref<32x1024xf32, #tpu.memory_space<vmem>>) offsets(%dma_start3A_127 : memref<32xi32, #tpu.memory_space<vmem>>) semaphore(%arg7 : memref<!tpu.dma_semaphore, #tpu.memory_space<semaphore_mem>>)
    %dma_wait3A_131 = arith.constant 1 : i32
    %dma_wait3A_132 = arith.constant 0 : i32
    %dma_wait3A_133 = arith.constant 0 : i32
    %dma_wait3A_134 = tpu.memref_slice %arg6[%dma_wait3A_131, %dma_wait3A_132, %dma_wait3A_133] : memref<3x32x1024xf32, #tpu.memory_space<vmem>> -> memref<1x32x1024xf32, #tpu.memory_space<vmem>>
    %dma_wait3A_135 = tpu.memref_squeeze %dma_wait3A_134 : memref<1x32x1024xf32, #tpu.memory_space<vmem>> -> memref<32x1024xf32, #tpu.memory_space<vmem>>
    %dma_wait3A_136 = arith.constant 128 : i32
    %dma_wait3A_137 = tpu.memref_slice %arg5[%dma_wait3A_136] : memref<512xi32, #tpu.memory_space<vmem>> -> memref<32xi32, #tpu.memory_space<vmem>>
    %dma_wait3A_138 = arith.constant 0 : i32
    %dma_wait3A_139 = arith.constant 0 : i32
    %dma_wait3A_140 = tpu.memref_slice %arg3[%dma_wait3A_138, %dma_wait3A_139] : memref<100000x1024xf32, #tpu.memory_space<hbm>> -> memref<100000x1024xf32, #tpu.memory_space<hbm>>
    tpu.wait_indirect_dma semaphore(%arg7 : memref<!tpu.dma_semaphore, #tpu.memory_space<semaphore_mem>>) src(%dma_wait3A_140 : memref<100000x1024xf32, #tpu.memory_space<hbm>>) dst(%dma_wait3A_135 : memref<32x1024xf32, #tpu.memory_space<vmem>>)
    %add3A_141 = arith.constant 0 : i32
    %add3A_142 = arith.addi %mul3A_2, %add3A_141 : i32
    %dma_start3A_143 = arith.constant 1 : i32
    %dma_start3A_144 = arith.constant 1 : i32
    %dma_start3A_145 = arith.constant 0 : i32
    %dma_start3A_146 = arith.constant 0 : i32
    %dma_start3A_147 = tpu.memref_slice %arg6[%dma_start3A_143, %dma_start3A_145, %dma_start3A_146] : memref<3x32x1024xf32, #tpu.memory_space<vmem>> -> memref<1x32x1024xf32, #tpu.memory_space<vmem>>
    %dma_start3A_148 = tpu.memref_squeeze %dma_start3A_147 : memref<1x32x1024xf32, #tpu.memory_space<vmem>> -> memref<32x1024xf32, #tpu.memory_space<vmem>>
    %dma_start3A_149 = arith.constant 0 : i32
    %dma_start3A_150 = tpu.memref_slice %arg4[%add3A_142, %dma_start3A_144, %dma_start3A_149] : memref<4096x4x1024xf32, #tpu.memory_space<hbm>> -> memref<32x1x1024xf32, #tpu.memory_space<hbm>>
    %dma_start3A_151 = tpu.memref_squeeze %dma_start3A_150 : memref<32x1x1024xf32, #tpu.memory_space<hbm>> -> memref<32x1024xf32, #tpu.memory_space<hbm>>
    %dma_start3A_152 = arith.constant 0 : i32
    %dma_start3A_153 = tpu.memref_slice %arg4[%add3A_142, %dma_start3A_144, %dma_start3A_152] : memref<4096x4x1024xf32, #tpu.memory_space<hbm>> -> memref<32x1x1024xf32, #tpu.memory_space<hbm>>
    %dma_start3A_154 = tpu.memref_squeeze %dma_start3A_153 : memref<32x1x1024xf32, #tpu.memory_space<hbm>> -> memref<32x1024xf32, #tpu.memory_space<hbm>>
    %dma_start3A_155 = arith.constant 0 : i32
    %dma_start3A_156 = arith.constant 0 : i32
    %dma_start3A_157 = tpu.memref_slice %arg6[%dma_start3A_143, %dma_start3A_155, %dma_start3A_156] : memref<3x32x1024xf32, #tpu.memory_space<vmem>> -> memref<1x32x1024xf32, #tpu.memory_space<vmem>>
    %dma_start3A_158 = tpu.memref_squeeze %dma_start3A_157 : memref<1x32x1024xf32, #tpu.memory_space<vmem>> -> memref<32x1024xf32, #tpu.memory_space<vmem>>
    tpu.enqueue_dma source(%dma_start3A_158 : memref<32x1024xf32, #tpu.memory_space<vmem>>) target(%dma_start3A_154 : memref<32x1024xf32, #tpu.memory_space<hbm>>) target_semaphore(%arg8 : memref<!tpu.dma_semaphore, #tpu.memory_space<semaphore_mem>>)
    %dma_wait3A_159 = arith.constant 0 : i32
    %dma_wait3A_160 = arith.constant 0 : i32
    %dma_wait3A_161 = arith.constant 0 : i32
    %dma_wait3A_162 = arith.constant 0 : i32
    %dma_wait3A_163 = tpu.memref_slice %arg6[%dma_wait3A_159, %dma_wait3A_161, %dma_wait3A_162] : memref<3x32x1024xf32, #tpu.memory_space<vmem>> -> memref<1x32x1024xf32, #tpu.memory_space<vmem>>
    %dma_wait3A_164 = tpu.memref_squeeze %dma_wait3A_163 : memref<1x32x1024xf32, #tpu.memory_space<vmem>> -> memref<32x1024xf32, #tpu.memory_space<vmem>>
    %dma_wait3A_165 = arith.constant 0 : i32
    %dma_wait3A_166 = tpu.memref_slice %arg4[%add3A_104, %dma_wait3A_160, %dma_wait3A_165] : memref<4096x4x1024xf32, #tpu.memory_space<hbm>> -> memref<32x1x1024xf32, #tpu.memory_space<hbm>>
    %dma_wait3A_167 = tpu.memref_squeeze %dma_wait3A_166 : memref<32x1x1024xf32, #tpu.memory_space<hbm>> -> memref<32x1024xf32, #tpu.memory_space<hbm>>
    %dma_wait3A_168 = arith.constant 0 : i32
    %dma_wait3A_169 = tpu.memref_slice %arg4[%add3A_104, %dma_wait3A_160, %dma_wait3A_168] : memref<4096x4x1024xf32, #tpu.memory_space<hbm>> -> memref<32x1x1024xf32, #tpu.memory_space<hbm>>
    %dma_wait3A_170 = tpu.memref_squeeze %dma_wait3A_169 : memref<32x1x1024xf32, #tpu.memory_space<hbm>> -> memref<32x1024xf32, #tpu.memory_space<hbm>>
    %dma_wait3A_171 = arith.constant 0 : i32
    %dma_wait3A_172 = arith.constant 0 : i32
    %dma_wait3A_173 = tpu.memref_slice %arg6[%dma_wait3A_159, %dma_wait3A_171, %dma_wait3A_172] : memref<3x32x1024xf32, #tpu.memory_space<vmem>> -> memref<1x32x1024xf32, #tpu.memory_space<vmem>>
    %dma_wait3A_174 = tpu.memref_squeeze %dma_wait3A_173 : memref<1x32x1024xf32, #tpu.memory_space<vmem>> -> memref<32x1024xf32, #tpu.memory_space<vmem>>
    tpu.wait_dma2 semaphore(%arg8 : memref<!tpu.dma_semaphore, #tpu.memory_space<semaphore_mem>>) src(%dma_wait3A_174 : memref<32x1024xf32, #tpu.memory_space<vmem>>) dst(%dma_wait3A_170 : memref<32x1024xf32, #tpu.memory_space<hbm>>)
    %dma_start3A_175 = arith.constant 0 : i32
    %dma_start3A_176 = arith.constant 0 : i32
    %dma_start3A_177 = arith.constant 0 : i32
    %dma_start3A_178 = tpu.memref_slice %arg6[%dma_start3A_175, %dma_start3A_176, %dma_start3A_177] : memref<3x32x1024xf32, #tpu.memory_space<vmem>> -> memref<1x32x1024xf32, #tpu.memory_space<vmem>>
    %dma_start3A_179 = tpu.memref_squeeze %dma_start3A_178 : memref<1x32x1024xf32, #tpu.memory_space<vmem>> -> memref<32x1024xf32, #tpu.memory_space<vmem>>
    %dma_start3A_180 = arith.constant 384 : i32
    %dma_start3A_181 = tpu.memref_slice %arg5[%dma_start3A_180] : memref<512xi32, #tpu.memory_space<vmem>> -> memref<32xi32, #tpu.memory_space<vmem>>
    %dma_start3A_182 = arith.constant 0 : i32
    %dma_start3A_183 = arith.constant 0 : i32
    %dma_start3A_184 = tpu.memref_slice %arg3[%dma_start3A_182, %dma_start3A_183] : memref<100000x1024xf32, #tpu.memory_space<hbm>> -> memref<100000x1024xf32, #tpu.memory_space<hbm>>
    tpu.enqueue_indirect_dma source(%dma_start3A_184 : memref<100000x1024xf32, #tpu.memory_space<hbm>>) target(%dma_start3A_179 : memref<32x1024xf32, #tpu.memory_space<vmem>>) offsets(%dma_start3A_181 : memref<32xi32, #tpu.memory_space<vmem>>) semaphore(%arg7 : memref<!tpu.dma_semaphore, #tpu.memory_space<semaphore_mem>>)
    %dma_wait3A_185 = arith.constant 2 : i32
    %dma_wait3A_186 = arith.constant 0 : i32
    %dma_wait3A_187 = arith.constant 0 : i32
    %dma_wait3A_188 = tpu.memref_slice %arg6[%dma_wait3A_185, %dma_wait3A_186, %dma_wait3A_187] : memref<3x32x1024xf32, #tpu.memory_space<vmem>> -> memref<1x32x1024xf32, #tpu.memory_space<vmem>>
    %dma_wait3A_189 = tpu.memref_squeeze %dma_wait3A_188 : memref<1x32x1024xf32, #tpu.memory_space<vmem>> -> memref<32x1024xf32, #tpu.memory_space<vmem>>
    %dma_wait3A_190 = arith.constant 256 : i32
    %dma_wait3A_191 = tpu.memref_slice %arg5[%dma_wait3A_190] : memref<512xi32, #tpu.memory_space<vmem>> -> memref<32xi32, #tpu.memory_space<vmem>>
    %dma_wait3A_192 = arith.constant 0 : i32
    %dma_wait3A_193 = arith.constant 0 : i32
    %dma_wait3A_194 = tpu.memref_slice %arg3[%dma_wait3A_192, %dma_wait3A_193] : memref<100000x1024xf32, #tpu.memory_space<hbm>> -> memref<100000x1024xf32, #tpu.memory_space<hbm>>
    tpu.wait_indirect_dma semaphore(%arg7 : memref<!tpu.dma_semaphore, #tpu.memory_space<semaphore_mem>>) src(%dma_wait3A_194 : memref<100000x1024xf32, #tpu.memory_space<hbm>>) dst(%dma_wait3A_189 : memref<32x1024xf32, #tpu.memory_space<vmem>>)
    %add3A_195 = arith.constant 0 : i32
    %add3A_196 = arith.addi %mul3A_2, %add3A_195 : i32
    %dma_start3A_197 = arith.constant 2 : i32
    %dma_start3A_198 = arith.constant 2 : i32
    %dma_start3A_199 = arith.constant 0 : i32
    %dma_start3A_200 = arith.constant 0 : i32
    %dma_start3A_201 = tpu.memref_slice %arg6[%dma_start3A_197, %dma_start3A_199, %dma_start3A_200] : memref<3x32x1024xf32, #tpu.memory_space<vmem>> -> memref<1x32x1024xf32, #tpu.memory_space<vmem>>
    %dma_start3A_202 = tpu.memref_squeeze %dma_start3A_201 : memref<1x32x1024xf32, #tpu.memory_space<vmem>> -> memref<32x1024xf32, #tpu.memory_space<vmem>>
    %dma_start3A_203 = arith.constant 0 : i32
    %dma_start3A_204 = tpu.memref_slice %arg4[%add3A_196, %dma_start3A_198, %dma_start3A_203] : memref<4096x4x1024xf32, #tpu.memory_space<hbm>> -> memref<32x1x1024xf32, #tpu.memory_space<hbm>>
    %dma_start3A_205 = tpu.memref_squeeze %dma_start3A_204 : memref<32x1x1024xf32, #tpu.memory_space<hbm>> -> memref<32x1024xf32, #tpu.memory_space<hbm>>
    %dma_start3A_206 = arith.constant 0 : i32
    %dma_start3A_207 = tpu.memref_slice %arg4[%add3A_196, %dma_start3A_198, %dma_start3A_206] : memref<4096x4x1024xf32, #tpu.memory_space<hbm>> -> memref<32x1x1024xf32, #tpu.memory_space<hbm>>
    %dma_start3A_208 = tpu.memref_squeeze %dma_start3A_207 : memref<32x1x1024xf32, #tpu.memory_space<hbm>> -> memref<32x1024xf32, #tpu.memory_space<hbm>>
    %dma_start3A_209 = arith.constant 0 : i32
    %dma_start3A_210 = arith.constant 0 : i32
    %dma_start3A_211 = tpu.memref_slice %arg6[%dma_start3A_197, %dma_start3A_209, %dma_start3A_210] : memref<3x32x1024xf32, #tpu.memory_space<vmem>> -> memref<1x32x1024xf32, #tpu.memory_space<vmem>>
    %dma_start3A_212 = tpu.memref_squeeze %dma_start3A_211 : memref<1x32x1024xf32, #tpu.memory_space<vmem>> -> memref<32x1024xf32, #tpu.memory_space<vmem>>
    tpu.enqueue_dma source(%dma_start3A_212 : memref<32x1024xf32, #tpu.memory_space<vmem>>) target(%dma_start3A_208 : memref<32x1024xf32, #tpu.memory_space<hbm>>) target_semaphore(%arg8 : memref<!tpu.dma_semaphore, #tpu.memory_space<semaphore_mem>>)
    %dma_wait3A_213 = arith.constant 1 : i32
    %dma_wait3A_214 = arith.constant 1 : i32
    %dma_wait3A_215 = arith.constant 0 : i32
    %dma_wait3A_216 = arith.constant 0 : i32
    %dma_wait3A_217 = tpu.memref_slice %arg6[%dma_wait3A_213, %dma_wait3A_215, %dma_wait3A_216] : memref<3x32x1024xf32, #tpu.memory_space<vmem>> -> memref<1x32x1024xf32, #tpu.memory_space<vmem>>
    %dma_wait3A_218 = tpu.memref_squeeze %dma_wait3A_217 : memref<1x32x1024xf32, #tpu.memory_space<vmem>> -> memref<32x1024xf32, #tpu.memory_space<vmem>>
    %dma_wait3A_219 = arith.constant 0 : i32
    %dma_wait3A_220 = tpu.memref_slice %arg4[%add3A_142, %dma_wait3A_214, %dma_wait3A_219] : memref<4096x4x1024xf32, #tpu.memory_space<hbm>> -> memref<32x1x1024xf32, #tpu.memory_space<hbm>>
    %dma_wait3A_221 = tpu.memref_squeeze %dma_wait3A_220 : memref<32x1x1024xf32, #tpu.memory_space<hbm>> -> memref<32x1024xf32, #tpu.memory_space<hbm>>
    %dma_wait3A_222 = arith.constant 0 : i32
    %dma_wait3A_223 = tpu.memref_slice %arg4[%add3A_142, %dma_wait3A_214, %dma_wait3A_222] : memref<4096x4x1024xf32, #tpu.memory_space<hbm>> -> memref<32x1x1024xf32, #tpu.memory_space<hbm>>
    %dma_wait3A_224 = tpu.memref_squeeze %dma_wait3A_223 : memref<32x1x1024xf32, #tpu.memory_space<hbm>> -> memref<32x1024xf32, #tpu.memory_space<hbm>>
    %dma_wait3A_225 = arith.constant 0 : i32
    %dma_wait3A_226 = arith.constant 0 : i32
    %dma_wait3A_227 = tpu.memref_slice %arg6[%dma_wait3A_213, %dma_wait3A_225, %dma_wait3A_226] : memref<3x32x1024xf32, #tpu.memory_space<vmem>> -> memref<1x32x1024xf32, #tpu.memory_space<vmem>>
    %dma_wait3A_228 = tpu.memref_squeeze %dma_wait3A_227 : memref<1x32x1024xf32, #tpu.memory_space<vmem>> -> memref<32x1024xf32, #tpu.memory_space<vmem>>
    tpu.wait_dma2 semaphore(%arg8 : memref<!tpu.dma_semaphore, #tpu.memory_space<semaphore_mem>>) src(%dma_wait3A_228 : memref<32x1024xf32, #tpu.memory_space<vmem>>) dst(%dma_wait3A_224 : memref<32x1024xf32, #tpu.memory_space<hbm>>)
    %dma_start3A_229 = arith.constant 1 : i32
    %dma_start3A_230 = arith.constant 0 : i32
    %dma_start3A_231 = arith.constant 0 : i32
    %dma_start3A_232 = tpu.memref_slice %arg6[%dma_start3A_229, %dma_start3A_230, %dma_start3A_231] : memref<3x32x1024xf32, #tpu.memory_space<vmem>> -> memref<1x32x1024xf32, #tpu.memory_space<vmem>>
    %dma_start3A_233 = tpu.memref_squeeze %dma_start3A_232 : memref<1x32x1024xf32, #tpu.memory_space<vmem>> -> memref<32x1024xf32, #tpu.memory_space<vmem>>
    %dma_start3A_234 = arith.constant 32 : i32
    %dma_start3A_235 = tpu.memref_slice %arg5[%dma_start3A_234] : memref<512xi32, #tpu.memory_space<vmem>> -> memref<32xi32, #tpu.memory_space<vmem>>
    %dma_start3A_236 = arith.constant 0 : i32
    %dma_start3A_237 = arith.constant 0 : i32
    %dma_start3A_238 = tpu.memref_slice %arg3[%dma_start3A_236, %dma_start3A_237] : memref<100000x1024xf32, #tpu.memory_space<hbm>> -> memref<100000x1024xf32, #tpu.memory_space<hbm>>
    tpu.enqueue_indirect_dma source(%dma_start3A_238 : memref<100000x1024xf32, #tpu.memory_space<hbm>>) target(%dma_start3A_233 : memref<32x1024xf32, #tpu.memory_space<vmem>>) offsets(%dma_start3A_235 : memref<32xi32, #tpu.memory_space<vmem>>) semaphore(%arg7 : memref<!tpu.dma_semaphore, #tpu.memory_space<semaphore_mem>>)
    %dma_wait3A_239 = arith.constant 0 : i32
    %dma_wait3A_240 = arith.constant 0 : i32
    %dma_wait3A_241 = arith.constant 0 : i32
    %dma_wait3A_242 = tpu.memref_slice %arg6[%dma_wait3A_239, %dma_wait3A_240, %dma_wait3A_241] : memref<3x32x1024xf32, #tpu.memory_space<vmem>> -> memref<1x32x1024xf32, #tpu.memory_space<vmem>>
    %dma_wait3A_243 = tpu.memref_squeeze %dma_wait3A_242 : memref<1x32x1024xf32, #tpu.memory_space<vmem>> -> memref<32x1024xf32, #tpu.memory_space<vmem>>
    %dma_wait3A_244 = arith.constant 384 : i32
    %dma_wait3A_245 = tpu.memref_slice %arg5[%dma_wait3A_244] : memref<512xi32, #tpu.memory_space<vmem>> -> memref<32xi32, #tpu.memory_space<vmem>>
    %dma_wait3A_246 = arith.constant 0 : i32
    %dma_wait3A_247 = arith.constant 0 : i32
    %dma_wait3A_248 = tpu.memref_slice %arg3[%dma_wait3A_246, %dma_wait3A_247] : memref<100000x1024xf32, #tpu.memory_space<hbm>> -> memref<100000x1024xf32, #tpu.memory_space<hbm>>
    tpu.wait_indirect_dma semaphore(%arg7 : memref<!tpu.dma_semaphore, #tpu.memory_space<semaphore_mem>>) src(%dma_wait3A_248 : memref<100000x1024xf32, #tpu.memory_space<hbm>>) dst(%dma_wait3A_243 : memref<32x1024xf32, #tpu.memory_space<vmem>>)
    %add3A_249 = arith.constant 0 : i32
    %add3A_250 = arith.addi %mul3A_2, %add3A_249 : i32
    %dma_start3A_251 = arith.constant 0 : i32
    %dma_start3A_252 = arith.constant 3 : i32
    %dma_start3A_253 = arith.constant 0 : i32
    %dma_start3A_254 = arith.constant 0 : i32
    %dma_start3A_255 = tpu.memref_slice %arg6[%dma_start3A_251, %dma_start3A_253, %dma_start3A_254] : memref<3x32x1024xf32, #tpu.memory_space<vmem>> -> memref<1x32x1024xf32, #tpu.memory_space<vmem>>
    %dma_start3A_256 = tpu.memref_squeeze %dma_start3A_255 : memref<1x32x1024xf32, #tpu.memory_space<vmem>> -> memref<32x1024xf32, #tpu.memory_space<vmem>>
    %dma_start3A_257 = arith.constant 0 : i32
    %dma_start3A_258 = tpu.memref_slice %arg4[%add3A_250, %dma_start3A_252, %dma_start3A_257] : memref<4096x4x1024xf32, #tpu.memory_space<hbm>> -> memref<32x1x1024xf32, #tpu.memory_space<hbm>>
    %dma_start3A_259 = tpu.memref_squeeze %dma_start3A_258 : memref<32x1x1024xf32, #tpu.memory_space<hbm>> -> memref<32x1024xf32, #tpu.memory_space<hbm>>
    %dma_start3A_260 = arith.constant 0 : i32
    %dma_start3A_261 = tpu.memref_slice %arg4[%add3A_250, %dma_start3A_252, %dma_start3A_260] : memref<4096x4x1024xf32, #tpu.memory_space<hbm>> -> memref<32x1x1024xf32, #tpu.memory_space<hbm>>
    %dma_start3A_262 = tpu.memref_squeeze %dma_start3A_261 : memref<32x1x1024xf32, #tpu.memory_space<hbm>> -> memref<32x1024xf32, #tpu.memory_space<hbm>>
    %dma_start3A_263 = arith.constant 0 : i32
    %dma_start3A_264 = arith.constant 0 : i32
    %dma_start3A_265 = tpu.memref_slice %arg6[%dma_start3A_251, %dma_start3A_263, %dma_start3A_264] : memref<3x32x1024xf32, #tpu.memory_space<vmem>> -> memref<1x32x1024xf32, #tpu.memory_space<vmem>>
    %dma_start3A_266 = tpu.memref_squeeze %dma_start3A_265 : memref<1x32x1024xf32, #tpu.memory_space<vmem>> -> memref<32x1024xf32, #tpu.memory_space<vmem>>
    tpu.enqueue_dma source(%dma_start3A_266 : memref<32x1024xf32, #tpu.memory_space<vmem>>) target(%dma_start3A_262 : memref<32x1024xf32, #tpu.memory_space<hbm>>) target_semaphore(%arg8 : memref<!tpu.dma_semaphore, #tpu.memory_space<semaphore_mem>>)
    %dma_wait3A_267 = arith.constant 2 : i32
    %dma_wait3A_268 = arith.constant 2 : i32
    %dma_wait3A_269 = arith.constant 0 : i32
    %dma_wait3A_270 = arith.constant 0 : i32
    %dma_wait3A_271 = tpu.memref_slice %arg6[%dma_wait3A_267, %dma_wait3A_269, %dma_wait3A_270] : memref<3x32x1024xf32, #tpu.memory_space<vmem>> -> memref<1x32x1024xf32, #tpu.memory_space<vmem>>
    %dma_wait3A_272 = tpu.memref_squeeze %dma_wait3A_271 : memref<1x32x1024xf32, #tpu.memory_space<vmem>> -> memref<32x1024xf32, #tpu.memory_space<vmem>>
    %dma_wait3A_273 = arith.constant 0 : i32
    %dma_wait3A_274 = tpu.memref_slice %arg4[%add3A_196, %dma_wait3A_268, %dma_wait3A_273] : memref<4096x4x1024xf32, #tpu.memory_space<hbm>> -> memref<32x1x1024xf32, #tpu.memory_space<hbm>>
    %dma_wait3A_275 = tpu.memref_squeeze %dma_wait3A_274 : memref<32x1x1024xf32, #tpu.memory_space<hbm>> -> memref<32x1024xf32, #tpu.memory_space<hbm>>
    %dma_wait3A_276 = arith.constant 0 : i32
    %dma_wait3A_277 = tpu.memref_slice %arg4[%add3A_196, %dma_wait3A_268, %dma_wait3A_276] : memref<4096x4x1024xf32, #tpu.memory_space<hbm>> -> memref<32x1x1024xf32, #tpu.memory_space<hbm>>
    %dma_wait3A_278 = tpu.memref_squeeze %dma_wait3A_277 : memref<32x1x1024xf32, #tpu.memory_space<hbm>> -> memref<32x1024xf32, #tpu.memory_space<hbm>>
    %dma_wait3A_279 = arith.constant 0 : i32
    %dma_wait3A_280 = arith.constant 0 : i32
    %dma_wait3A_281 = tpu.memref_slice %arg6[%dma_wait3A_267, %dma_wait3A_279, %dma_wait3A_280] : memref<3x32x1024xf32, #tpu.memory_space<vmem>> -> memref<1x32x1024xf32, #tpu.memory_space<vmem>>
    %dma_wait3A_282 = tpu.memref_squeeze %dma_wait3A_281 : memref<1x32x1024xf32, #tpu.memory_space<vmem>> -> memref<32x1024xf32, #tpu.memory_space<vmem>>
    tpu.wait_dma2 semaphore(%arg8 : memref<!tpu.dma_semaphore, #tpu.memory_space<semaphore_mem>>) src(%dma_wait3A_282 : memref<32x1024xf32, #tpu.memory_space<vmem>>) dst(%dma_wait3A_278 : memref<32x1024xf32, #tpu.memory_space<hbm>>)
    %dma_start3A_283 = arith.constant 2 : i32
    %dma_start3A_284 = arith.constant 0 : i32
    %dma_start3A_285 = arith.constant 0 : i32
    %dma_start3A_286 = tpu.memref_slice %arg6[%dma_start3A_283, %dma_start3A_284, %dma_start3A_285] : memref<3x32x1024xf32, #tpu.memory_space<vmem>> -> memref<1x32x1024xf32, #tpu.memory_space<vmem>>
    %dma_start3A_287 = tpu.memref_squeeze %dma_start3A_286 : memref<1x32x1024xf32, #tpu.memory_space<vmem>> -> memref<32x1024xf32, #tpu.memory_space<vmem>>
    %dma_start3A_288 = arith.constant 160 : i32
    %dma_start3A_289 = tpu.memref_slice %arg5[%dma_start3A_288] : memref<512xi32, #tpu.memory_space<vmem>> -> memref<32xi32, #tpu.memory_space<vmem>>
    %dma_start3A_290 = arith.constant 0 : i32
    %dma_start3A_291 = arith.constant 0 : i32
    %dma_start3A_292 = tpu.memref_slice %arg3[%dma_start3A_290, %dma_start3A_291] : memref<100000x1024xf32, #tpu.memory_space<hbm>> -> memref<100000x1024xf32, #tpu.memory_space<hbm>>
    tpu.enqueue_indirect_dma source(%dma_start3A_292 : memref<100000x1024xf32, #tpu.memory_space<hbm>>) target(%dma_start3A_287 : memref<32x1024xf32, #tpu.memory_space<vmem>>) offsets(%dma_start3A_289 : memref<32xi32, #tpu.memory_space<vmem>>) semaphore(%arg7 : memref<!tpu.dma_semaphore, #tpu.memory_space<semaphore_mem>>)
    %dma_wait3A_293 = arith.constant 1 : i32
    %dma_wait3A_294 = arith.constant 0 : i32
    %dma_wait3A_295 = arith.constant 0 : i32
    %dma_wait3A_296 = tpu.memref_slice %arg6[%dma_wait3A_293, %dma_wait3A_294, %dma_wait3A_295] : memref<3x32x1024xf32, #tpu.memory_space<vmem>> -> memref<1x32x1024xf32, #tpu.memory_space<vmem>>
    %dma_wait3A_297 = tpu.memref_squeeze %dma_wait3A_296 : memref<1x32x1024xf32, #tpu.memory_space<vmem>> -> memref<32x1024xf32, #tpu.memory_space<vmem>>
    %dma_wait3A_298 = arith.constant 32 : i32
    %dma_wait3A_299 = tpu.memref_slice %arg5[%dma_wait3A_298] : memref<512xi32, #tpu.memory_space<vmem>> -> memref<32xi32, #tpu.memory_space<vmem>>
    %dma_wait3A_300 = arith.constant 0 : i32
    %dma_wait3A_301 = arith.constant 0 : i32
    %dma_wait3A_302 = tpu.memref_slice %arg3[%dma_wait3A_300, %dma_wait3A_301] : memref<100000x1024xf32, #tpu.memory_space<hbm>> -> memref<100000x1024xf32, #tpu.memory_space<hbm>>
    tpu.wait_indirect_dma semaphore(%arg7 : memref<!tpu.dma_semaphore, #tpu.memory_space<semaphore_mem>>) src(%dma_wait3A_302 : memref<100000x1024xf32, #tpu.memory_space<hbm>>) dst(%dma_wait3A_297 : memref<32x1024xf32, #tpu.memory_space<vmem>>)
    %add3A_303 = arith.constant 32 : i32
    %add3A_304 = arith.addi %mul3A_2, %add3A_303 : i32
    %dma_start3A_305 = arith.constant 1 : i32
    %dma_start3A_306 = arith.constant 0 : i32
    %dma_start3A_307 = arith.constant 0 : i32
    %dma_start3A_308 = arith.constant 0 : i32
    %dma_start3A_309 = tpu.memref_slice %arg6[%dma_start3A_305, %dma_start3A_307, %dma_start3A_308] : memref<3x32x1024xf32, #tpu.memory_space<vmem>> -> memref<1x32x1024xf32, #tpu.memory_space<vmem>>
    %dma_start3A_310 = tpu.memref_squeeze %dma_start3A_309 : memref<1x32x1024xf32, #tpu.memory_space<vmem>> -> memref<32x1024xf32, #tpu.memory_space<vmem>>
    %dma_start3A_311 = arith.constant 0 : i32
    %dma_start3A_312 = tpu.memref_slice %arg4[%add3A_304, %dma_start3A_306, %dma_start3A_311] : memref<4096x4x1024xf32, #tpu.memory_space<hbm>> -> memref<32x1x1024xf32, #tpu.memory_space<hbm>>
    %dma_start3A_313 = tpu.memref_squeeze %dma_start3A_312 : memref<32x1x1024xf32, #tpu.memory_space<hbm>> -> memref<32x1024xf32, #tpu.memory_space<hbm>>
    %dma_start3A_314 = arith.constant 0 : i32
    %dma_start3A_315 = tpu.memref_slice %arg4[%add3A_304, %dma_start3A_306, %dma_start3A_314] : memref<4096x4x1024xf32, #tpu.memory_space<hbm>> -> memref<32x1x1024xf32, #tpu.memory_space<hbm>>
    %dma_start3A_316 = tpu.memref_squeeze %dma_start3A_315 : memref<32x1x1024xf32, #tpu.memory_space<hbm>> -> memref<32x1024xf32, #tpu.memory_space<hbm>>
    %dma_start3A_317 = arith.constant 0 : i32
    %dma_start3A_318 = arith.constant 0 : i32
    %dma_start3A_319 = tpu.memref_slice %arg6[%dma_start3A_305, %dma_start3A_317, %dma_start3A_318] : memref<3x32x1024xf32, #tpu.memory_space<vmem>> -> memref<1x32x1024xf32, #tpu.memory_space<vmem>>
    %dma_start3A_320 = tpu.memref_squeeze %dma_start3A_319 : memref<1x32x1024xf32, #tpu.memory_space<vmem>> -> memref<32x1024xf32, #tpu.memory_space<vmem>>
    tpu.enqueue_dma source(%dma_start3A_320 : memref<32x1024xf32, #tpu.memory_space<vmem>>) target(%dma_start3A_316 : memref<32x1024xf32, #tpu.memory_space<hbm>>) target_semaphore(%arg8 : memref<!tpu.dma_semaphore, #tpu.memory_space<semaphore_mem>>)
    %dma_wait3A_321 = arith.constant 0 : i32
    %dma_wait3A_322 = arith.constant 3 : i32
    %dma_wait3A_323 = arith.constant 0 : i32
    %dma_wait3A_324 = arith.constant 0 : i32
    %dma_wait3A_325 = tpu.memref_slice %arg6[%dma_wait3A_321, %dma_wait3A_323, %dma_wait3A_324] : memref<3x32x1024xf32, #tpu.memory_space<vmem>> -> memref<1x32x1024xf32, #tpu.memory_space<vmem>>
    %dma_wait3A_326 = tpu.memref_squeeze %dma_wait3A_325 : memref<1x32x1024xf32, #tpu.memory_space<vmem>> -> memref<32x1024xf32, #tpu.memory_space<vmem>>
    %dma_wait3A_327 = arith.constant 0 : i32
    %dma_wait3A_328 = tpu.memref_slice %arg4[%add3A_250, %dma_wait3A_322, %dma_wait3A_327] : memref<4096x4x1024xf32, #tpu.memory_space<hbm>> -> memref<32x1x1024xf32, #tpu.memory_space<hbm>>
    %dma_wait3A_329 = tpu.memref_squeeze %dma_wait3A_328 : memref<32x1x1024xf32, #tpu.memory_space<hbm>> -> memref<32x1024xf32, #tpu.memory_space<hbm>>
    %dma_wait3A_330 = arith.constant 0 : i32
    %dma_wait3A_331 = tpu.memref_slice %arg4[%add3A_250, %dma_wait3A_322, %dma_wait3A_330] : memref<4096x4x1024xf32, #tpu.memory_space<hbm>> -> memref<32x1x1024xf32, #tpu.memory_space<hbm>>
    %dma_wait3A_332 = tpu.memref_squeeze %dma_wait3A_331 : memref<32x1x1024xf32, #tpu.memory_space<hbm>> -> memref<32x1024xf32, #tpu.memory_space<hbm>>
    %dma_wait3A_333 = arith.constant 0 : i32
    %dma_wait3A_334 = arith.constant 0 : i32
    %dma_wait3A_335 = tpu.memref_slice %arg6[%dma_wait3A_321, %dma_wait3A_333, %dma_wait3A_334] : memref<3x32x1024xf32, #tpu.memory_space<vmem>> -> memref<1x32x1024xf32, #tpu.memory_space<vmem>>
    %dma_wait3A_336 = tpu.memref_squeeze %dma_wait3A_335 : memref<1x32x1024xf32, #tpu.memory_space<vmem>> -> memref<32x1024xf32, #tpu.memory_space<vmem>>
    tpu.wait_dma2 semaphore(%arg8 : memref<!tpu.dma_semaphore, #tpu.memory_space<semaphore_mem>>) src(%dma_wait3A_336 : memref<32x1024xf32, #tpu.memory_space<vmem>>) dst(%dma_wait3A_332 : memref<32x1024xf32, #tpu.memory_space<hbm>>)
    %dma_start3A_337 = arith.constant 0 : i32
    %dma_start3A_338 = arith.constant 0 : i32
    %dma_start3A_339 = arith.constant 0 : i32
    %dma_start3A_340 = tpu.memref_slice %arg6[%dma_start3A_337, %dma_start3A_338, %dma_start3A_339] : memref<3x32x1024xf32, #tpu.memory_space<vmem>> -> memref<1x32x1024xf32, #tpu.memory_space<vmem>>
    %dma_start3A_341 = tpu.memref_squeeze %dma_start3A_340 : memref<1x32x1024xf32, #tpu.memory_space<vmem>> -> memref<32x1024xf32, #tpu.memory_space<vmem>>
    %dma_start3A_342 = arith.constant 288 : i32
    %dma_start3A_343 = tpu.memref_slice %arg5[%dma_start3A_342] : memref<512xi32, #tpu.memory_space<vmem>> -> memref<32xi32, #tpu.memory_space<vmem>>
    %dma_start3A_344 = arith.constant 0 : i32
    %dma_start3A_345 = arith.constant 0 : i32
    %dma_start3A_346 = tpu.memref_slice %arg3[%dma_start3A_344, %dma_start3A_345] : memref<100000x1024xf32, #tpu.memory_space<hbm>> -> memref<100000x1024xf32, #tpu.memory_space<hbm>>
    tpu.enqueue_indirect_dma source(%dma_start3A_346 : memref<100000x1024xf32, #tpu.memory_space<hbm>>) target(%dma_start3A_341 : memref<32x1024xf32, #tpu.memory_space<vmem>>) offsets(%dma_start3A_343 : memref<32xi32, #tpu.memory_space<vmem>>) semaphore(%arg7 : memref<!tpu.dma_semaphore, #tpu.memory_space<semaphore_mem>>)
    %dma_wait3A_347 = arith.constant 2 : i32
    %dma_wait3A_348 = arith.constant 0 : i32
    %dma_wait3A_349 = arith.constant 0 : i32
    %dma_wait3A_350 = tpu.memref_slice %arg6[%dma_wait3A_347, %dma_wait3A_348, %dma_wait3A_349] : memref<3x32x1024xf32, #tpu.memory_space<vmem>> -> memref<1x32x1024xf32, #tpu.memory_space<vmem>>
    %dma_wait3A_351 = tpu.memref_squeeze %dma_wait3A_350 : memref<1x32x1024xf32, #tpu.memory_space<vmem>> -> memref<32x1024xf32, #tpu.memory_space<vmem>>
    %dma_wait3A_352 = arith.constant 160 : i32
    %dma_wait3A_353 = tpu.memref_slice %arg5[%dma_wait3A_352] : memref<512xi32, #tpu.memory_space<vmem>> -> memref<32xi32, #tpu.memory_space<vmem>>
    %dma_wait3A_354 = arith.constant 0 : i32
    %dma_wait3A_355 = arith.constant 0 : i32
    %dma_wait3A_356 = tpu.memref_slice %arg3[%dma_wait3A_354, %dma_wait3A_355] : memref<100000x1024xf32, #tpu.memory_space<hbm>> -> memref<100000x1024xf32, #tpu.memory_space<hbm>>
    tpu.wait_indirect_dma semaphore(%arg7 : memref<!tpu.dma_semaphore, #tpu.memory_space<semaphore_mem>>) src(%dma_wait3A_356 : memref<100000x1024xf32, #tpu.memory_space<hbm>>) dst(%dma_wait3A_351 : memref<32x1024xf32, #tpu.memory_space<vmem>>)
    %add3A_357 = arith.constant 32 : i32
    %add3A_358 = arith.addi %mul3A_2, %add3A_357 : i32
    %dma_start3A_359 = arith.constant 2 : i32
    %dma_start3A_360 = arith.constant 1 : i32
    %dma_start3A_361 = arith.constant 0 : i32
    %dma_start3A_362 = arith.constant 0 : i32
    %dma_start3A_363 = tpu.memref_slice %arg6[%dma_start3A_359, %dma_start3A_361, %dma_start3A_362] : memref<3x32x1024xf32, #tpu.memory_space<vmem>> -> memref<1x32x1024xf32, #tpu.memory_space<vmem>>
    %dma_start3A_364 = tpu.memref_squeeze %dma_start3A_363 : memref<1x32x1024xf32, #tpu.memory_space<vmem>> -> memref<32x1024xf32, #tpu.memory_space<vmem>>
    %dma_start3A_365 = arith.constant 0 : i32
    %dma_start3A_366 = tpu.memref_slice %arg4[%add3A_358, %dma_start3A_360, %dma_start3A_365] : memref<4096x4x1024xf32, #tpu.memory_space<hbm>> -> memref<32x1x1024xf32, #tpu.memory_space<hbm>>
    %dma_start3A_367 = tpu.memref_squeeze %dma_start3A_366 : memref<32x1x1024xf32, #tpu.memory_space<hbm>> -> memref<32x1024xf32, #tpu.memory_space<hbm>>
    %dma_start3A_368 = arith.constant 0 : i32
    %dma_start3A_369 = tpu.memref_slice %arg4[%add3A_358, %dma_start3A_360, %dma_start3A_368] : memref<4096x4x1024xf32, #tpu.memory_space<hbm>> -> memref<32x1x1024xf32, #tpu.memory_space<hbm>>
    %dma_start3A_370 = tpu.memref_squeeze %dma_start3A_369 : memref<32x1x1024xf32, #tpu.memory_space<hbm>> -> memref<32x1024xf32, #tpu.memory_space<hbm>>
    %dma_start3A_371 = arith.constant 0 : i32
    %dma_start3A_372 = arith.constant 0 : i32
    %dma_start3A_373 = tpu.memref_slice %arg6[%dma_start3A_359, %dma_start3A_371, %dma_start3A_372] : memref<3x32x1024xf32, #tpu.memory_space<vmem>> -> memref<1x32x1024xf32, #tpu.memory_space<vmem>>
    %dma_start3A_374 = tpu.memref_squeeze %dma_start3A_373 : memref<1x32x1024xf32, #tpu.memory_space<vmem>> -> memref<32x1024xf32, #tpu.memory_space<vmem>>
    tpu.enqueue_dma source(%dma_start3A_374 : memref<32x1024xf32, #tpu.memory_space<vmem>>) target(%dma_start3A_370 : memref<32x1024xf32, #tpu.memory_space<hbm>>) target_semaphore(%arg8 : memref<!tpu.dma_semaphore, #tpu.memory_space<semaphore_mem>>)
    %dma_wait3A_375 = arith.constant 1 : i32
    %dma_wait3A_376 = arith.constant 0 : i32
    %dma_wait3A_377 = arith.constant 0 : i32
    %dma_wait3A_378 = arith.constant 0 : i32
    %dma_wait3A_379 = tpu.memref_slice %arg6[%dma_wait3A_375, %dma_wait3A_377, %dma_wait3A_378] : memref<3x32x1024xf32, #tpu.memory_space<vmem>> -> memref<1x32x1024xf32, #tpu.memory_space<vmem>>
    %dma_wait3A_380 = tpu.memref_squeeze %dma_wait3A_379 : memref<1x32x1024xf32, #tpu.memory_space<vmem>> -> memref<32x1024xf32, #tpu.memory_space<vmem>>
    %dma_wait3A_381 = arith.constant 0 : i32
    %dma_wait3A_382 = tpu.memref_slice %arg4[%add3A_304, %dma_wait3A_376, %dma_wait3A_381] : memref<4096x4x1024xf32, #tpu.memory_space<hbm>> -> memref<32x1x1024xf32, #tpu.memory_space<hbm>>
    %dma_wait3A_383 = tpu.memref_squeeze %dma_wait3A_382 : memref<32x1x1024xf32, #tpu.memory_space<hbm>> -> memref<32x1024xf32, #tpu.memory_space<hbm>>
    %dma_wait3A_384 = arith.constant 0 : i32
    %dma_wait3A_385 = tpu.memref_slice %arg4[%add3A_304, %dma_wait3A_376, %dma_wait3A_384] : memref<4096x4x1024xf32, #tpu.memory_space<hbm>> -> memref<32x1x1024xf32, #tpu.memory_space<hbm>>
    %dma_wait3A_386 = tpu.memref_squeeze %dma_wait3A_385 : memref<32x1x1024xf32, #tpu.memory_space<hbm>> -> memref<32x1024xf32, #tpu.memory_space<hbm>>
    %dma_wait3A_387 = arith.constant 0 : i32
    %dma_wait3A_388 = arith.constant 0 : i32
    %dma_wait3A_389 = tpu.memref_slice %arg6[%dma_wait3A_375, %dma_wait3A_387, %dma_wait3A_388] : memref<3x32x1024xf32, #tpu.memory_space<vmem>> -> memref<1x32x1024xf32, #tpu.memory_space<vmem>>
    %dma_wait3A_390 = tpu.memref_squeeze %dma_wait3A_389 : memref<1x32x1024xf32, #tpu.memory_space<vmem>> -> memref<32x1024xf32, #tpu.memory_space<vmem>>
    tpu.wait_dma2 semaphore(%arg8 : memref<!tpu.dma_semaphore, #tpu.memory_space<semaphore_mem>>) src(%dma_wait3A_390 : memref<32x1024xf32, #tpu.memory_space<vmem>>) dst(%dma_wait3A_386 : memref<32x1024xf32, #tpu.memory_space<hbm>>)
    %dma_start3A_391 = arith.constant 1 : i32
    %dma_start3A_392 = arith.constant 0 : i32
    %dma_start3A_393 = arith.constant 0 : i32
    %dma_start3A_394 = tpu.memref_slice %arg6[%dma_start3A_391, %dma_start3A_392, %dma_start3A_393] : memref<3x32x1024xf32, #tpu.memory_space<vmem>> -> memref<1x32x1024xf32, #tpu.memory_space<vmem>>
    %dma_start3A_395 = tpu.memref_squeeze %dma_start3A_394 : memref<1x32x1024xf32, #tpu.memory_space<vmem>> -> memref<32x1024xf32, #tpu.memory_space<vmem>>
    %dma_start3A_396 = arith.constant 416 : i32
    %dma_start3A_397 = tpu.memref_slice %arg5[%dma_start3A_396] : memref<512xi32, #tpu.memory_space<vmem>> -> memref<32xi32, #tpu.memory_space<vmem>>
    %dma_start3A_398 = arith.constant 0 : i32
    %dma_start3A_399 = arith.constant 0 : i32
    %dma_start3A_400 = tpu.memref_slice %arg3[%dma_start3A_398, %dma_start3A_399] : memref<100000x1024xf32, #tpu.memory_space<hbm>> -> memref<100000x1024xf32, #tpu.memory_space<hbm>>
    tpu.enqueue_indirect_dma source(%dma_start3A_400 : memref<100000x1024xf32, #tpu.memory_space<hbm>>) target(%dma_start3A_395 : memref<32x1024xf32, #tpu.memory_space<vmem>>) offsets(%dma_start3A_397 : memref<32xi32, #tpu.memory_space<vmem>>) semaphore(%arg7 : memref<!tpu.dma_semaphore, #tpu.memory_space<semaphore_mem>>)
    %dma_wait3A_401 = arith.constant 0 : i32
    %dma_wait3A_402 = arith.constant 0 : i32
    %dma_wait3A_403 = arith.constant 0 : i32
    %dma_wait3A_404 = tpu.memref_slice %arg6[%dma_wait3A_401, %dma_wait3A_402, %dma_wait3A_403] : memref<3x32x1024xf32, #tpu.memory_space<vmem>> -> memref<1x32x1024xf32, #tpu.memory_space<vmem>>
    %dma_wait3A_405 = tpu.memref_squeeze %dma_wait3A_404 : memref<1x32x1024xf32, #tpu.memory_space<vmem>> -> memref<32x1024xf32, #tpu.memory_space<vmem>>
    %dma_wait3A_406 = arith.constant 288 : i32
    %dma_wait3A_407 = tpu.memref_slice %arg5[%dma_wait3A_406] : memref<512xi32, #tpu.memory_space<vmem>> -> memref<32xi32, #tpu.memory_space<vmem>>
    %dma_wait3A_408 = arith.constant 0 : i32
    %dma_wait3A_409 = arith.constant 0 : i32
    %dma_wait3A_410 = tpu.memref_slice %arg3[%dma_wait3A_408, %dma_wait3A_409] : memref<100000x1024xf32, #tpu.memory_space<hbm>> -> memref<100000x1024xf32, #tpu.memory_space<hbm>>
    tpu.wait_indirect_dma semaphore(%arg7 : memref<!tpu.dma_semaphore, #tpu.memory_space<semaphore_mem>>) src(%dma_wait3A_410 : memref<100000x1024xf32, #tpu.memory_space<hbm>>) dst(%dma_wait3A_405 : memref<32x1024xf32, #tpu.memory_space<vmem>>)
    %add3A_411 = arith.constant 32 : i32
    %add3A_412 = arith.addi %mul3A_2, %add3A_411 : i32
    %dma_start3A_413 = arith.constant 0 : i32
    %dma_start3A_414 = arith.constant 2 : i32
    %dma_start3A_415 = arith.constant 0 : i32
    %dma_start3A_416 = arith.constant 0 : i32
    %dma_start3A_417 = tpu.memref_slice %arg6[%dma_start3A_413, %dma_start3A_415, %dma_start3A_416] : memref<3x32x1024xf32, #tpu.memory_space<vmem>> -> memref<1x32x1024xf32, #tpu.memory_space<vmem>>
    %dma_start3A_418 = tpu.memref_squeeze %dma_start3A_417 : memref<1x32x1024xf32, #tpu.memory_space<vmem>> -> memref<32x1024xf32, #tpu.memory_space<vmem>>
    %dma_start3A_419 = arith.constant 0 : i32
    %dma_start3A_420 = tpu.memref_slice %arg4[%add3A_412, %dma_start3A_414, %dma_start3A_419] : memref<4096x4x1024xf32, #tpu.memory_space<hbm>> -> memref<32x1x1024xf32, #tpu.memory_space<hbm>>
    %dma_start3A_421 = tpu.memref_squeeze %dma_start3A_420 : memref<32x1x1024xf32, #tpu.memory_space<hbm>> -> memref<32x1024xf32, #tpu.memory_space<hbm>>
    %dma_start3A_422 = arith.constant 0 : i32
    %dma_start3A_423 = tpu.memref_slice %arg4[%add3A_412, %dma_start3A_414, %dma_start3A_422] : memref<4096x4x1024xf32, #tpu.memory_space<hbm>> -> memref<32x1x1024xf32, #tpu.memory_space<hbm>>
    %dma_start3A_424 = tpu.memref_squeeze %dma_start3A_423 : memref<32x1x1024xf32, #tpu.memory_space<hbm>> -> memref<32x1024xf32, #tpu.memory_space<hbm>>
    %dma_start3A_425 = arith.constant 0 : i32
    %dma_start3A_426 = arith.constant 0 : i32
    %dma_start3A_427 = tpu.memref_slice %arg6[%dma_start3A_413, %dma_start3A_425, %dma_start3A_426] : memref<3x32x1024xf32, #tpu.memory_space<vmem>> -> memref<1x32x1024xf32, #tpu.memory_space<vmem>>
    %dma_start3A_428 = tpu.memref_squeeze %dma_start3A_427 : memref<1x32x1024xf32, #tpu.memory_space<vmem>> -> memref<32x1024xf32, #tpu.memory_space<vmem>>
    tpu.enqueue_dma source(%dma_start3A_428 : memref<32x1024xf32, #tpu.memory_space<vmem>>) target(%dma_start3A_424 : memref<32x1024xf32, #tpu.memory_space<hbm>>) target_semaphore(%arg8 : memref<!tpu.dma_semaphore, #tpu.memory_space<semaphore_mem>>)
    %dma_wait3A_429 = arith.constant 2 : i32
    %dma_wait3A_430 = arith.constant 1 : i32
    %dma_wait3A_431 = arith.constant 0 : i32
    %dma_wait3A_432 = arith.constant 0 : i32
    %dma_wait3A_433 = tpu.memref_slice %arg6[%dma_wait3A_429, %dma_wait3A_431, %dma_wait3A_432] : memref<3x32x1024xf32, #tpu.memory_space<vmem>> -> memref<1x32x1024xf32, #tpu.memory_space<vmem>>
    %dma_wait3A_434 = tpu.memref_squeeze %dma_wait3A_433 : memref<1x32x1024xf32, #tpu.memory_space<vmem>> -> memref<32x1024xf32, #tpu.memory_space<vmem>>
    %dma_wait3A_435 = arith.constant 0 : i32
    %dma_wait3A_436 = tpu.memref_slice %arg4[%add3A_358, %dma_wait3A_430, %dma_wait3A_435] : memref<4096x4x1024xf32, #tpu.memory_space<hbm>> -> memref<32x1x1024xf32, #tpu.memory_space<hbm>>
    %dma_wait3A_437 = tpu.memref_squeeze %dma_wait3A_436 : memref<32x1x1024xf32, #tpu.memory_space<hbm>> -> memref<32x1024xf32, #tpu.memory_space<hbm>>
    %dma_wait3A_438 = arith.constant 0 : i32
    %dma_wait3A_439 = tpu.memref_slice %arg4[%add3A_358, %dma_wait3A_430, %dma_wait3A_438] : memref<4096x4x1024xf32, #tpu.memory_space<hbm>> -> memref<32x1x1024xf32, #tpu.memory_space<hbm>>
    %dma_wait3A_440 = tpu.memref_squeeze %dma_wait3A_439 : memref<32x1x1024xf32, #tpu.memory_space<hbm>> -> memref<32x1024xf32, #tpu.memory_space<hbm>>
    %dma_wait3A_441 = arith.constant 0 : i32
    %dma_wait3A_442 = arith.constant 0 : i32
    %dma_wait3A_443 = tpu.memref_slice %arg6[%dma_wait3A_429, %dma_wait3A_441, %dma_wait3A_442] : memref<3x32x1024xf32, #tpu.memory_space<vmem>> -> memref<1x32x1024xf32, #tpu.memory_space<vmem>>
    %dma_wait3A_444 = tpu.memref_squeeze %dma_wait3A_443 : memref<1x32x1024xf32, #tpu.memory_space<vmem>> -> memref<32x1024xf32, #tpu.memory_space<vmem>>
    tpu.wait_dma2 semaphore(%arg8 : memref<!tpu.dma_semaphore, #tpu.memory_space<semaphore_mem>>) src(%dma_wait3A_444 : memref<32x1024xf32, #tpu.memory_space<vmem>>) dst(%dma_wait3A_440 : memref<32x1024xf32, #tpu.memory_space<hbm>>)
    %dma_start3A_445 = arith.constant 2 : i32
    %dma_start3A_446 = arith.constant 0 : i32
    %dma_start3A_447 = arith.constant 0 : i32
    %dma_start3A_448 = tpu.memref_slice %arg6[%dma_start3A_445, %dma_start3A_446, %dma_start3A_447] : memref<3x32x1024xf32, #tpu.memory_space<vmem>> -> memref<1x32x1024xf32, #tpu.memory_space<vmem>>
    %dma_start3A_449 = tpu.memref_squeeze %dma_start3A_448 : memref<1x32x1024xf32, #tpu.memory_space<vmem>> -> memref<32x1024xf32, #tpu.memory_space<vmem>>
    %dma_start3A_450 = arith.constant 64 : i32
    %dma_start3A_451 = tpu.memref_slice %arg5[%dma_start3A_450] : memref<512xi32, #tpu.memory_space<vmem>> -> memref<32xi32, #tpu.memory_space<vmem>>
    %dma_start3A_452 = arith.constant 0 : i32
    %dma_start3A_453 = arith.constant 0 : i32
    %dma_start3A_454 = tpu.memref_slice %arg3[%dma_start3A_452, %dma_start3A_453] : memref<100000x1024xf32, #tpu.memory_space<hbm>> -> memref<100000x1024xf32, #tpu.memory_space<hbm>>
    tpu.enqueue_indirect_dma source(%dma_start3A_454 : memref<100000x1024xf32, #tpu.memory_space<hbm>>) target(%dma_start3A_449 : memref<32x1024xf32, #tpu.memory_space<vmem>>) offsets(%dma_start3A_451 : memref<32xi32, #tpu.memory_space<vmem>>) semaphore(%arg7 : memref<!tpu.dma_semaphore, #tpu.memory_space<semaphore_mem>>)
    %dma_wait3A_455 = arith.constant 1 : i32
    %dma_wait3A_456 = arith.constant 0 : i32
    %dma_wait3A_457 = arith.constant 0 : i32
    %dma_wait3A_458 = tpu.memref_slice %arg6[%dma_wait3A_455, %dma_wait3A_456, %dma_wait3A_457] : memref<3x32x1024xf32, #tpu.memory_space<vmem>> -> memref<1x32x1024xf32, #tpu.memory_space<vmem>>
    %dma_wait3A_459 = tpu.memref_squeeze %dma_wait3A_458 : memref<1x32x1024xf32, #tpu.memory_space<vmem>> -> memref<32x1024xf32, #tpu.memory_space<vmem>>
    %dma_wait3A_460 = arith.constant 416 : i32
    %dma_wait3A_461 = tpu.memref_slice %arg5[%dma_wait3A_460] : memref<512xi32, #tpu.memory_space<vmem>> -> memref<32xi32, #tpu.memory_space<vmem>>
    %dma_wait3A_462 = arith.constant 0 : i32
    %dma_wait3A_463 = arith.constant 0 : i32
    %dma_wait3A_464 = tpu.memref_slice %arg3[%dma_wait3A_462, %dma_wait3A_463] : memref<100000x1024xf32, #tpu.memory_space<hbm>> -> memref<100000x1024xf32, #tpu.memory_space<hbm>>
    tpu.wait_indirect_dma semaphore(%arg7 : memref<!tpu.dma_semaphore, #tpu.memory_space<semaphore_mem>>) src(%dma_wait3A_464 : memref<100000x1024xf32, #tpu.memory_space<hbm>>) dst(%dma_wait3A_459 : memref<32x1024xf32, #tpu.memory_space<vmem>>)
    %add3A_465 = arith.constant 32 : i32
    %add3A_466 = arith.addi %mul3A_2, %add3A_465 : i32
    %dma_start3A_467 = arith.constant 1 : i32
    %dma_start3A_468 = arith.constant 3 : i32
    %dma_start3A_469 = arith.constant 0 : i32
    %dma_start3A_470 = arith.constant 0 : i32
    %dma_start3A_471 = tpu.memref_slice %arg6[%dma_start3A_467, %dma_start3A_469, %dma_start3A_470] : memref<3x32x1024xf32, #tpu.memory_space<vmem>> -> memref<1x32x1024xf32, #tpu.memory_space<vmem>>
    %dma_start3A_472 = tpu.memref_squeeze %dma_start3A_471 : memref<1x32x1024xf32, #tpu.memory_space<vmem>> -> memref<32x1024xf32, #tpu.memory_space<vmem>>
    %dma_start3A_473 = arith.constant 0 : i32
    %dma_start3A_474 = tpu.memref_slice %arg4[%add3A_466, %dma_start3A_468, %dma_start3A_473] : memref<4096x4x1024xf32, #tpu.memory_space<hbm>> -> memref<32x1x1024xf32, #tpu.memory_space<hbm>>
    %dma_start3A_475 = tpu.memref_squeeze %dma_start3A_474 : memref<32x1x1024xf32, #tpu.memory_space<hbm>> -> memref<32x1024xf32, #tpu.memory_space<hbm>>
    %dma_start3A_476 = arith.constant 0 : i32
    %dma_start3A_477 = tpu.memref_slice %arg4[%add3A_466, %dma_start3A_468, %dma_start3A_476] : memref<4096x4x1024xf32, #tpu.memory_space<hbm>> -> memref<32x1x1024xf32, #tpu.memory_space<hbm>>
    %dma_start3A_478 = tpu.memref_squeeze %dma_start3A_477 : memref<32x1x1024xf32, #tpu.memory_space<hbm>> -> memref<32x1024xf32, #tpu.memory_space<hbm>>
    %dma_start3A_479 = arith.constant 0 : i32
    %dma_start3A_480 = arith.constant 0 : i32
    %dma_start3A_481 = tpu.memref_slice %arg6[%dma_start3A_467, %dma_start3A_479, %dma_start3A_480] : memref<3x32x1024xf32, #tpu.memory_space<vmem>> -> memref<1x32x1024xf32, #tpu.memory_space<vmem>>
    %dma_start3A_482 = tpu.memref_squeeze %dma_start3A_481 : memref<1x32x1024xf32, #tpu.memory_space<vmem>> -> memref<32x1024xf32, #tpu.memory_space<vmem>>
    tpu.enqueue_dma source(%dma_start3A_482 : memref<32x1024xf32, #tpu.memory_space<vmem>>) target(%dma_start3A_478 : memref<32x1024xf32, #tpu.memory_space<hbm>>) target_semaphore(%arg8 : memref<!tpu.dma_semaphore, #tpu.memory_space<semaphore_mem>>)
    %dma_wait3A_483 = arith.constant 0 : i32
    %dma_wait3A_484 = arith.constant 2 : i32
    %dma_wait3A_485 = arith.constant 0 : i32
    %dma_wait3A_486 = arith.constant 0 : i32
    %dma_wait3A_487 = tpu.memref_slice %arg6[%dma_wait3A_483, %dma_wait3A_485, %dma_wait3A_486] : memref<3x32x1024xf32, #tpu.memory_space<vmem>> -> memref<1x32x1024xf32, #tpu.memory_space<vmem>>
    %dma_wait3A_488 = tpu.memref_squeeze %dma_wait3A_487 : memref<1x32x1024xf32, #tpu.memory_space<vmem>> -> memref<32x1024xf32, #tpu.memory_space<vmem>>
    %dma_wait3A_489 = arith.constant 0 : i32
    %dma_wait3A_490 = tpu.memref_slice %arg4[%add3A_412, %dma_wait3A_484, %dma_wait3A_489] : memref<4096x4x1024xf32, #tpu.memory_space<hbm>> -> memref<32x1x1024xf32, #tpu.memory_space<hbm>>
    %dma_wait3A_491 = tpu.memref_squeeze %dma_wait3A_490 : memref<32x1x1024xf32, #tpu.memory_space<hbm>> -> memref<32x1024xf32, #tpu.memory_space<hbm>>
    %dma_wait3A_492 = arith.constant 0 : i32
    %dma_wait3A_493 = tpu.memref_slice %arg4[%add3A_412, %dma_wait3A_484, %dma_wait3A_492] : memref<4096x4x1024xf32, #tpu.memory_space<hbm>> -> memref<32x1x1024xf32, #tpu.memory_space<hbm>>
    %dma_wait3A_494 = tpu.memref_squeeze %dma_wait3A_493 : memref<32x1x1024xf32, #tpu.memory_space<hbm>> -> memref<32x1024xf32, #tpu.memory_space<hbm>>
    %dma_wait3A_495 = arith.constant 0 : i32
    %dma_wait3A_496 = arith.constant 0 : i32
    %dma_wait3A_497 = tpu.memref_slice %arg6[%dma_wait3A_483, %dma_wait3A_495, %dma_wait3A_496] : memref<3x32x1024xf32, #tpu.memory_space<vmem>> -> memref<1x32x1024xf32, #tpu.memory_space<vmem>>
    %dma_wait3A_498 = tpu.memref_squeeze %dma_wait3A_497 : memref<1x32x1024xf32, #tpu.memory_space<vmem>> -> memref<32x1024xf32, #tpu.memory_space<vmem>>
    tpu.wait_dma2 semaphore(%arg8 : memref<!tpu.dma_semaphore, #tpu.memory_space<semaphore_mem>>) src(%dma_wait3A_498 : memref<32x1024xf32, #tpu.memory_space<vmem>>) dst(%dma_wait3A_494 : memref<32x1024xf32, #tpu.memory_space<hbm>>)
    %dma_start3A_499 = arith.constant 0 : i32
    %dma_start3A_500 = arith.constant 0 : i32
    %dma_start3A_501 = arith.constant 0 : i32
    %dma_start3A_502 = tpu.memref_slice %arg6[%dma_start3A_499, %dma_start3A_500, %dma_start3A_501] : memref<3x32x1024xf32, #tpu.memory_space<vmem>> -> memref<1x32x1024xf32, #tpu.memory_space<vmem>>
    %dma_start3A_503 = tpu.memref_squeeze %dma_start3A_502 : memref<1x32x1024xf32, #tpu.memory_space<vmem>> -> memref<32x1024xf32, #tpu.memory_space<vmem>>
    %dma_start3A_504 = arith.constant 192 : i32
    %dma_start3A_505 = tpu.memref_slice %arg5[%dma_start3A_504] : memref<512xi32, #tpu.memory_space<vmem>> -> memref<32xi32, #tpu.memory_space<vmem>>
    %dma_start3A_506 = arith.constant 0 : i32
    %dma_start3A_507 = arith.constant 0 : i32
    %dma_start3A_508 = tpu.memref_slice %arg3[%dma_start3A_506, %dma_start3A_507] : memref<100000x1024xf32, #tpu.memory_space<hbm>> -> memref<100000x1024xf32, #tpu.memory_space<hbm>>
    tpu.enqueue_indirect_dma source(%dma_start3A_508 : memref<100000x1024xf32, #tpu.memory_space<hbm>>) target(%dma_start3A_503 : memref<32x1024xf32, #tpu.memory_space<vmem>>) offsets(%dma_start3A_505 : memref<32xi32, #tpu.memory_space<vmem>>) semaphore(%arg7 : memref<!tpu.dma_semaphore, #tpu.memory_space<semaphore_mem>>)
    %dma_wait3A_509 = arith.constant 2 : i32
    %dma_wait3A_510 = arith.constant 0 : i32
    %dma_wait3A_511 = arith.constant 0 : i32
    %dma_wait3A_512 = tpu.memref_slice %arg6[%dma_wait3A_509, %dma_wait3A_510, %dma_wait3A_511] : memref<3x32x1024xf32, #tpu.memory_space<vmem>> -> memref<1x32x1024xf32, #tpu.memory_space<vmem>>
    %dma_wait3A_513 = tpu.memref_squeeze %dma_wait3A_512 : memref<1x32x1024xf32, #tpu.memory_space<vmem>> -> memref<32x1024xf32, #tpu.memory_space<vmem>>
    %dma_wait3A_514 = arith.constant 64 : i32
    %dma_wait3A_515 = tpu.memref_slice %arg5[%dma_wait3A_514] : memref<512xi32, #tpu.memory_space<vmem>> -> memref<32xi32, #tpu.memory_space<vmem>>
    %dma_wait3A_516 = arith.constant 0 : i32
    %dma_wait3A_517 = arith.constant 0 : i32
    %dma_wait3A_518 = tpu.memref_slice %arg3[%dma_wait3A_516, %dma_wait3A_517] : memref<100000x1024xf32, #tpu.memory_space<hbm>> -> memref<100000x1024xf32, #tpu.memory_space<hbm>>
    tpu.wait_indirect_dma semaphore(%arg7 : memref<!tpu.dma_semaphore, #tpu.memory_space<semaphore_mem>>) src(%dma_wait3A_518 : memref<100000x1024xf32, #tpu.memory_space<hbm>>) dst(%dma_wait3A_513 : memref<32x1024xf32, #tpu.memory_space<vmem>>)
    %add3A_519 = arith.constant 64 : i32
    %add3A_520 = arith.addi %mul3A_2, %add3A_519 : i32
    %dma_start3A_521 = arith.constant 2 : i32
    %dma_start3A_522 = arith.constant 0 : i32
    %dma_start3A_523 = arith.constant 0 : i32
    %dma_start3A_524 = arith.constant 0 : i32
    %dma_start3A_525 = tpu.memref_slice %arg6[%dma_start3A_521, %dma_start3A_523, %dma_start3A_524] : memref<3x32x1024xf32, #tpu.memory_space<vmem>> -> memref<1x32x1024xf32, #tpu.memory_space<vmem>>
    %dma_start3A_526 = tpu.memref_squeeze %dma_start3A_525 : memref<1x32x1024xf32, #tpu.memory_space<vmem>> -> memref<32x1024xf32, #tpu.memory_space<vmem>>
    %dma_start3A_527 = arith.constant 0 : i32
    %dma_start3A_528 = tpu.memref_slice %arg4[%add3A_520, %dma_start3A_522, %dma_start3A_527] : memref<4096x4x1024xf32, #tpu.memory_space<hbm>> -> memref<32x1x1024xf32, #tpu.memory_space<hbm>>
    %dma_start3A_529 = tpu.memref_squeeze %dma_start3A_528 : memref<32x1x1024xf32, #tpu.memory_space<hbm>> -> memref<32x1024xf32, #tpu.memory_space<hbm>>
    %dma_start3A_530 = arith.constant 0 : i32
    %dma_start3A_531 = tpu.memref_slice %arg4[%add3A_520, %dma_start3A_522, %dma_start3A_530] : memref<4096x4x1024xf32, #tpu.memory_space<hbm>> -> memref<32x1x1024xf32, #tpu.memory_space<hbm>>
    %dma_start3A_532 = tpu.memref_squeeze %dma_start3A_531 : memref<32x1x1024xf32, #tpu.memory_space<hbm>> -> memref<32x1024xf32, #tpu.memory_space<hbm>>
    %dma_start3A_533 = arith.constant 0 : i32
    %dma_start3A_534 = arith.constant 0 : i32
    %dma_start3A_535 = tpu.memref_slice %arg6[%dma_start3A_521, %dma_start3A_533, %dma_start3A_534] : memref<3x32x1024xf32, #tpu.memory_space<vmem>> -> memref<1x32x1024xf32, #tpu.memory_space<vmem>>
    %dma_start3A_536 = tpu.memref_squeeze %dma_start3A_535 : memref<1x32x1024xf32, #tpu.memory_space<vmem>> -> memref<32x1024xf32, #tpu.memory_space<vmem>>
    tpu.enqueue_dma source(%dma_start3A_536 : memref<32x1024xf32, #tpu.memory_space<vmem>>) target(%dma_start3A_532 : memref<32x1024xf32, #tpu.memory_space<hbm>>) target_semaphore(%arg8 : memref<!tpu.dma_semaphore, #tpu.memory_space<semaphore_mem>>)
    %dma_wait3A_537 = arith.constant 1 : i32
    %dma_wait3A_538 = arith.constant 3 : i32
    %dma_wait3A_539 = arith.constant 0 : i32
    %dma_wait3A_540 = arith.constant 0 : i32
    %dma_wait3A_541 = tpu.memref_slice %arg6[%dma_wait3A_537, %dma_wait3A_539, %dma_wait3A_540] : memref<3x32x1024xf32, #tpu.memory_space<vmem>> -> memref<1x32x1024xf32, #tpu.memory_space<vmem>>
    %dma_wait3A_542 = tpu.memref_squeeze %dma_wait3A_541 : memref<1x32x1024xf32, #tpu.memory_space<vmem>> -> memref<32x1024xf32, #tpu.memory_space<vmem>>
    %dma_wait3A_543 = arith.constant 0 : i32
    %dma_wait3A_544 = tpu.memref_slice %arg4[%add3A_466, %dma_wait3A_538, %dma_wait3A_543] : memref<4096x4x1024xf32, #tpu.memory_space<hbm>> -> memref<32x1x1024xf32, #tpu.memory_space<hbm>>
    %dma_wait3A_545 = tpu.memref_squeeze %dma_wait3A_544 : memref<32x1x1024xf32, #tpu.memory_space<hbm>> -> memref<32x1024xf32, #tpu.memory_space<hbm>>
    %dma_wait3A_546 = arith.constant 0 : i32
    %dma_wait3A_547 = tpu.memref_slice %arg4[%add3A_466, %dma_wait3A_538, %dma_wait3A_546] : memref<4096x4x1024xf32, #tpu.memory_space<hbm>> -> memref<32x1x1024xf32, #tpu.memory_space<hbm>>
    %dma_wait3A_548 = tpu.memref_squeeze %dma_wait3A_547 : memref<32x1x1024xf32, #tpu.memory_space<hbm>> -> memref<32x1024xf32, #tpu.memory_space<hbm>>
    %dma_wait3A_549 = arith.constant 0 : i32
    %dma_wait3A_550 = arith.constant 0 : i32
    %dma_wait3A_551 = tpu.memref_slice %arg6[%dma_wait3A_537, %dma_wait3A_549, %dma_wait3A_550] : memref<3x32x1024xf32, #tpu.memory_space<vmem>> -> memref<1x32x1024xf32, #tpu.memory_space<vmem>>
    %dma_wait3A_552 = tpu.memref_squeeze %dma_wait3A_551 : memref<1x32x1024xf32, #tpu.memory_space<vmem>> -> memref<32x1024xf32, #tpu.memory_space<vmem>>
    tpu.wait_dma2 semaphore(%arg8 : memref<!tpu.dma_semaphore, #tpu.memory_space<semaphore_mem>>) src(%dma_wait3A_552 : memref<32x1024xf32, #tpu.memory_space<vmem>>) dst(%dma_wait3A_548 : memref<32x1024xf32, #tpu.memory_space<hbm>>)
    %dma_start3A_553 = arith.constant 1 : i32
    %dma_start3A_554 = arith.constant 0 : i32
    %dma_start3A_555 = arith.constant 0 : i32
    %dma_start3A_556 = tpu.memref_slice %arg6[%dma_start3A_553, %dma_start3A_554, %dma_start3A_555] : memref<3x32x1024xf32, #tpu.memory_space<vmem>> -> memref<1x32x1024xf32, #tpu.memory_space<vmem>>
    %dma_start3A_557 = tpu.memref_squeeze %dma_start3A_556 : memref<1x32x1024xf32, #tpu.memory_space<vmem>> -> memref<32x1024xf32, #tpu.memory_space<vmem>>
    %dma_start3A_558 = arith.constant 320 : i32
    %dma_start3A_559 = tpu.memref_slice %arg5[%dma_start3A_558] : memref<512xi32, #tpu.memory_space<vmem>> -> memref<32xi32, #tpu.memory_space<vmem>>
    %dma_start3A_560 = arith.constant 0 : i32
    %dma_start3A_561 = arith.constant 0 : i32
    %dma_start3A_562 = tpu.memref_slice %arg3[%dma_start3A_560, %dma_start3A_561] : memref<100000x1024xf32, #tpu.memory_space<hbm>> -> memref<100000x1024xf32, #tpu.memory_space<hbm>>
    tpu.enqueue_indirect_dma source(%dma_start3A_562 : memref<100000x1024xf32, #tpu.memory_space<hbm>>) target(%dma_start3A_557 : memref<32x1024xf32, #tpu.memory_space<vmem>>) offsets(%dma_start3A_559 : memref<32xi32, #tpu.memory_space<vmem>>) semaphore(%arg7 : memref<!tpu.dma_semaphore, #tpu.memory_space<semaphore_mem>>)
    %dma_wait3A_563 = arith.constant 0 : i32
    %dma_wait3A_564 = arith.constant 0 : i32
    %dma_wait3A_565 = arith.constant 0 : i32
    %dma_wait3A_566 = tpu.memref_slice %arg6[%dma_wait3A_563, %dma_wait3A_564, %dma_wait3A_565] : memref<3x32x1024xf32, #tpu.memory_space<vmem>> -> memref<1x32x1024xf32, #tpu.memory_space<vmem>>
    %dma_wait3A_567 = tpu.memref_squeeze %dma_wait3A_566 : memref<1x32x1024xf32, #tpu.memory_space<vmem>> -> memref<32x1024xf32, #tpu.memory_space<vmem>>
    %dma_wait3A_568 = arith.constant 192 : i32
    %dma_wait3A_569 = tpu.memref_slice %arg5[%dma_wait3A_568] : memref<512xi32, #tpu.memory_space<vmem>> -> memref<32xi32, #tpu.memory_space<vmem>>
    %dma_wait3A_570 = arith.constant 0 : i32
    %dma_wait3A_571 = arith.constant 0 : i32
    %dma_wait3A_572 = tpu.memref_slice %arg3[%dma_wait3A_570, %dma_wait3A_571] : memref<100000x1024xf32, #tpu.memory_space<hbm>> -> memref<100000x1024xf32, #tpu.memory_space<hbm>>
    tpu.wait_indirect_dma semaphore(%arg7 : memref<!tpu.dma_semaphore, #tpu.memory_space<semaphore_mem>>) src(%dma_wait3A_572 : memref<100000x1024xf32, #tpu.memory_space<hbm>>) dst(%dma_wait3A_567 : memref<32x1024xf32, #tpu.memory_space<vmem>>)
    %add3A_573 = arith.constant 64 : i32
    %add3A_574 = arith.addi %mul3A_2, %add3A_573 : i32
    %dma_start3A_575 = arith.constant 0 : i32
    %dma_start3A_576 = arith.constant 1 : i32
    %dma_start3A_577 = arith.constant 0 : i32
    %dma_start3A_578 = arith.constant 0 : i32
    %dma_start3A_579 = tpu.memref_slice %arg6[%dma_start3A_575, %dma_start3A_577, %dma_start3A_578] : memref<3x32x1024xf32, #tpu.memory_space<vmem>> -> memref<1x32x1024xf32, #tpu.memory_space<vmem>>
    %dma_start3A_580 = tpu.memref_squeeze %dma_start3A_579 : memref<1x32x1024xf32, #tpu.memory_space<vmem>> -> memref<32x1024xf32, #tpu.memory_space<vmem>>
    %dma_start3A_581 = arith.constant 0 : i32
    %dma_start3A_582 = tpu.memref_slice %arg4[%add3A_574, %dma_start3A_576, %dma_start3A_581] : memref<4096x4x1024xf32, #tpu.memory_space<hbm>> -> memref<32x1x1024xf32, #tpu.memory_space<hbm>>
    %dma_start3A_583 = tpu.memref_squeeze %dma_start3A_582 : memref<32x1x1024xf32, #tpu.memory_space<hbm>> -> memref<32x1024xf32, #tpu.memory_space<hbm>>
    %dma_start3A_584 = arith.constant 0 : i32
    %dma_start3A_585 = tpu.memref_slice %arg4[%add3A_574, %dma_start3A_576, %dma_start3A_584] : memref<4096x4x1024xf32, #tpu.memory_space<hbm>> -> memref<32x1x1024xf32, #tpu.memory_space<hbm>>
    %dma_start3A_586 = tpu.memref_squeeze %dma_start3A_585 : memref<32x1x1024xf32, #tpu.memory_space<hbm>> -> memref<32x1024xf32, #tpu.memory_space<hbm>>
    %dma_start3A_587 = arith.constant 0 : i32
    %dma_start3A_588 = arith.constant 0 : i32
    %dma_start3A_589 = tpu.memref_slice %arg6[%dma_start3A_575, %dma_start3A_587, %dma_start3A_588] : memref<3x32x1024xf32, #tpu.memory_space<vmem>> -> memref<1x32x1024xf32, #tpu.memory_space<vmem>>
    %dma_start3A_590 = tpu.memref_squeeze %dma_start3A_589 : memref<1x32x1024xf32, #tpu.memory_space<vmem>> -> memref<32x1024xf32, #tpu.memory_space<vmem>>
    tpu.enqueue_dma source(%dma_start3A_590 : memref<32x1024xf32, #tpu.memory_space<vmem>>) target(%dma_start3A_586 : memref<32x1024xf32, #tpu.memory_space<hbm>>) target_semaphore(%arg8 : memref<!tpu.dma_semaphore, #tpu.memory_space<semaphore_mem>>)
    %dma_wait3A_591 = arith.constant 2 : i32
    %dma_wait3A_592 = arith.constant 0 : i32
    %dma_wait3A_593 = arith.constant 0 : i32
    %dma_wait3A_594 = arith.constant 0 : i32
    %dma_wait3A_595 = tpu.memref_slice %arg6[%dma_wait3A_591, %dma_wait3A_593, %dma_wait3A_594] : memref<3x32x1024xf32, #tpu.memory_space<vmem>> -> memref<1x32x1024xf32, #tpu.memory_space<vmem>>
    %dma_wait3A_596 = tpu.memref_squeeze %dma_wait3A_595 : memref<1x32x1024xf32, #tpu.memory_space<vmem>> -> memref<32x1024xf32, #tpu.memory_space<vmem>>
    %dma_wait3A_597 = arith.constant 0 : i32
    %dma_wait3A_598 = tpu.memref_slice %arg4[%add3A_520, %dma_wait3A_592, %dma_wait3A_597] : memref<4096x4x1024xf32, #tpu.memory_space<hbm>> -> memref<32x1x1024xf32, #tpu.memory_space<hbm>>
    %dma_wait3A_599 = tpu.memref_squeeze %dma_wait3A_598 : memref<32x1x1024xf32, #tpu.memory_space<hbm>> -> memref<32x1024xf32, #tpu.memory_space<hbm>>
    %dma_wait3A_600 = arith.constant 0 : i32
    %dma_wait3A_601 = tpu.memref_slice %arg4[%add3A_520, %dma_wait3A_592, %dma_wait3A_600] : memref<4096x4x1024xf32, #tpu.memory_space<hbm>> -> memref<32x1x1024xf32, #tpu.memory_space<hbm>>
    %dma_wait3A_602 = tpu.memref_squeeze %dma_wait3A_601 : memref<32x1x1024xf32, #tpu.memory_space<hbm>> -> memref<32x1024xf32, #tpu.memory_space<hbm>>
    %dma_wait3A_603 = arith.constant 0 : i32
    %dma_wait3A_604 = arith.constant 0 : i32
    %dma_wait3A_605 = tpu.memref_slice %arg6[%dma_wait3A_591, %dma_wait3A_603, %dma_wait3A_604] : memref<3x32x1024xf32, #tpu.memory_space<vmem>> -> memref<1x32x1024xf32, #tpu.memory_space<vmem>>
    %dma_wait3A_606 = tpu.memref_squeeze %dma_wait3A_605 : memref<1x32x1024xf32, #tpu.memory_space<vmem>> -> memref<32x1024xf32, #tpu.memory_space<vmem>>
    tpu.wait_dma2 semaphore(%arg8 : memref<!tpu.dma_semaphore, #tpu.memory_space<semaphore_mem>>) src(%dma_wait3A_606 : memref<32x1024xf32, #tpu.memory_space<vmem>>) dst(%dma_wait3A_602 : memref<32x1024xf32, #tpu.memory_space<hbm>>)
    %dma_start3A_607 = arith.constant 2 : i32
    %dma_start3A_608 = arith.constant 0 : i32
    %dma_start3A_609 = arith.constant 0 : i32
    %dma_start3A_610 = tpu.memref_slice %arg6[%dma_start3A_607, %dma_start3A_608, %dma_start3A_609] : memref<3x32x1024xf32, #tpu.memory_space<vmem>> -> memref<1x32x1024xf32, #tpu.memory_space<vmem>>
    %dma_start3A_611 = tpu.memref_squeeze %dma_start3A_610 : memref<1x32x1024xf32, #tpu.memory_space<vmem>> -> memref<32x1024xf32, #tpu.memory_space<vmem>>
    %dma_start3A_612 = arith.constant 448 : i32
    %dma_start3A_613 = tpu.memref_slice %arg5[%dma_start3A_612] : memref<512xi32, #tpu.memory_space<vmem>> -> memref<32xi32, #tpu.memory_space<vmem>>
    %dma_start3A_614 = arith.constant 0 : i32
    %dma_start3A_615 = arith.constant 0 : i32
    %dma_start3A_616 = tpu.memref_slice %arg3[%dma_start3A_614, %dma_start3A_615] : memref<100000x1024xf32, #tpu.memory_space<hbm>> -> memref<100000x1024xf32, #tpu.memory_space<hbm>>
    tpu.enqueue_indirect_dma source(%dma_start3A_616 : memref<100000x1024xf32, #tpu.memory_space<hbm>>) target(%dma_start3A_611 : memref<32x1024xf32, #tpu.memory_space<vmem>>) offsets(%dma_start3A_613 : memref<32xi32, #tpu.memory_space<vmem>>) semaphore(%arg7 : memref<!tpu.dma_semaphore, #tpu.memory_space<semaphore_mem>>)
    %dma_wait3A_617 = arith.constant 1 : i32
    %dma_wait3A_618 = arith.constant 0 : i32
    %dma_wait3A_619 = arith.constant 0 : i32
    %dma_wait3A_620 = tpu.memref_slice %arg6[%dma_wait3A_617, %dma_wait3A_618, %dma_wait3A_619] : memref<3x32x1024xf32, #tpu.memory_space<vmem>> -> memref<1x32x1024xf32, #tpu.memory_space<vmem>>
    %dma_wait3A_621 = tpu.memref_squeeze %dma_wait3A_620 : memref<1x32x1024xf32, #tpu.memory_space<vmem>> -> memref<32x1024xf32, #tpu.memory_space<vmem>>
    %dma_wait3A_622 = arith.constant 320 : i32
    %dma_wait3A_623 = tpu.memref_slice %arg5[%dma_wait3A_622] : memref<512xi32, #tpu.memory_space<vmem>> -> memref<32xi32, #tpu.memory_space<vmem>>
    %dma_wait3A_624 = arith.constant 0 : i32
    %dma_wait3A_625 = arith.constant 0 : i32
    %dma_wait3A_626 = tpu.memref_slice %arg3[%dma_wait3A_624, %dma_wait3A_625] : memref<100000x1024xf32, #tpu.memory_space<hbm>> -> memref<100000x1024xf32, #tpu.memory_space<hbm>>
    tpu.wait_indirect_dma semaphore(%arg7 : memref<!tpu.dma_semaphore, #tpu.memory_space<semaphore_mem>>) src(%dma_wait3A_626 : memref<100000x1024xf32, #tpu.memory_space<hbm>>) dst(%dma_wait3A_621 : memref<32x1024xf32, #tpu.memory_space<vmem>>)
    %add3A_627 = arith.constant 64 : i32
    %add3A_628 = arith.addi %mul3A_2, %add3A_627 : i32
    %dma_start3A_629 = arith.constant 1 : i32
    %dma_start3A_630 = arith.constant 2 : i32
    %dma_start3A_631 = arith.constant 0 : i32
    %dma_start3A_632 = arith.constant 0 : i32
    %dma_start3A_633 = tpu.memref_slice %arg6[%dma_start3A_629, %dma_start3A_631, %dma_start3A_632] : memref<3x32x1024xf32, #tpu.memory_space<vmem>> -> memref<1x32x1024xf32, #tpu.memory_space<vmem>>
    %dma_start3A_634 = tpu.memref_squeeze %dma_start3A_633 : memref<1x32x1024xf32, #tpu.memory_space<vmem>> -> memref<32x1024xf32, #tpu.memory_space<vmem>>
    %dma_start3A_635 = arith.constant 0 : i32
    %dma_start3A_636 = tpu.memref_slice %arg4[%add3A_628, %dma_start3A_630, %dma_start3A_635] : memref<4096x4x1024xf32, #tpu.memory_space<hbm>> -> memref<32x1x1024xf32, #tpu.memory_space<hbm>>
    %dma_start3A_637 = tpu.memref_squeeze %dma_start3A_636 : memref<32x1x1024xf32, #tpu.memory_space<hbm>> -> memref<32x1024xf32, #tpu.memory_space<hbm>>
    %dma_start3A_638 = arith.constant 0 : i32
    %dma_start3A_639 = tpu.memref_slice %arg4[%add3A_628, %dma_start3A_630, %dma_start3A_638] : memref<4096x4x1024xf32, #tpu.memory_space<hbm>> -> memref<32x1x1024xf32, #tpu.memory_space<hbm>>
    %dma_start3A_640 = tpu.memref_squeeze %dma_start3A_639 : memref<32x1x1024xf32, #tpu.memory_space<hbm>> -> memref<32x1024xf32, #tpu.memory_space<hbm>>
    %dma_start3A_641 = arith.constant 0 : i32
    %dma_start3A_642 = arith.constant 0 : i32
    %dma_start3A_643 = tpu.memref_slice %arg6[%dma_start3A_629, %dma_start3A_641, %dma_start3A_642] : memref<3x32x1024xf32, #tpu.memory_space<vmem>> -> memref<1x32x1024xf32, #tpu.memory_space<vmem>>
    %dma_start3A_644 = tpu.memref_squeeze %dma_start3A_643 : memref<1x32x1024xf32, #tpu.memory_space<vmem>> -> memref<32x1024xf32, #tpu.memory_space<vmem>>
    tpu.enqueue_dma source(%dma_start3A_644 : memref<32x1024xf32, #tpu.memory_space<vmem>>) target(%dma_start3A_640 : memref<32x1024xf32, #tpu.memory_space<hbm>>) target_semaphore(%arg8 : memref<!tpu.dma_semaphore, #tpu.memory_space<semaphore_mem>>)
    %dma_wait3A_645 = arith.constant 0 : i32
    %dma_wait3A_646 = arith.constant 1 : i32
    %dma_wait3A_647 = arith.constant 0 : i32
    %dma_wait3A_648 = arith.constant 0 : i32
    %dma_wait3A_649 = tpu.memref_slice %arg6[%dma_wait3A_645, %dma_wait3A_647, %dma_wait3A_648] : memref<3x32x1024xf32, #tpu.memory_space<vmem>> -> memref<1x32x1024xf32, #tpu.memory_space<vmem>>
    %dma_wait3A_650 = tpu.memref_squeeze %dma_wait3A_649 : memref<1x32x1024xf32, #tpu.memory_space<vmem>> -> memref<32x1024xf32, #tpu.memory_space<vmem>>
    %dma_wait3A_651 = arith.constant 0 : i32
    %dma_wait3A_652 = tpu.memref_slice %arg4[%add3A_574, %dma_wait3A_646, %dma_wait3A_651] : memref<4096x4x1024xf32, #tpu.memory_space<hbm>> -> memref<32x1x1024xf32, #tpu.memory_space<hbm>>
    %dma_wait3A_653 = tpu.memref_squeeze %dma_wait3A_652 : memref<32x1x1024xf32, #tpu.memory_space<hbm>> -> memref<32x1024xf32, #tpu.memory_space<hbm>>
    %dma_wait3A_654 = arith.constant 0 : i32
    %dma_wait3A_655 = tpu.memref_slice %arg4[%add3A_574, %dma_wait3A_646, %dma_wait3A_654] : memref<4096x4x1024xf32, #tpu.memory_space<hbm>> -> memref<32x1x1024xf32, #tpu.memory_space<hbm>>
    %dma_wait3A_656 = tpu.memref_squeeze %dma_wait3A_655 : memref<32x1x1024xf32, #tpu.memory_space<hbm>> -> memref<32x1024xf32, #tpu.memory_space<hbm>>
    %dma_wait3A_657 = arith.constant 0 : i32
    %dma_wait3A_658 = arith.constant 0 : i32
    %dma_wait3A_659 = tpu.memref_slice %arg6[%dma_wait3A_645, %dma_wait3A_657, %dma_wait3A_658] : memref<3x32x1024xf32, #tpu.memory_space<vmem>> -> memref<1x32x1024xf32, #tpu.memory_space<vmem>>
    %dma_wait3A_660 = tpu.memref_squeeze %dma_wait3A_659 : memref<1x32x1024xf32, #tpu.memory_space<vmem>> -> memref<32x1024xf32, #tpu.memory_space<vmem>>
    tpu.wait_dma2 semaphore(%arg8 : memref<!tpu.dma_semaphore, #tpu.memory_space<semaphore_mem>>) src(%dma_wait3A_660 : memref<32x1024xf32, #tpu.memory_space<vmem>>) dst(%dma_wait3A_656 : memref<32x1024xf32, #tpu.memory_space<hbm>>)
    %dma_start3A_661 = arith.constant 0 : i32
    %dma_start3A_662 = arith.constant 0 : i32
    %dma_start3A_663 = arith.constant 0 : i32
    %dma_start3A_664 = tpu.memref_slice %arg6[%dma_start3A_661, %dma_start3A_662, %dma_start3A_663] : memref<3x32x1024xf32, #tpu.memory_space<vmem>> -> memref<1x32x1024xf32, #tpu.memory_space<vmem>>
    %dma_start3A_665 = tpu.memref_squeeze %dma_start3A_664 : memref<1x32x1024xf32, #tpu.memory_space<vmem>> -> memref<32x1024xf32, #tpu.memory_space<vmem>>
    %dma_start3A_666 = arith.constant 96 : i32
    %dma_start3A_667 = tpu.memref_slice %arg5[%dma_start3A_666] : memref<512xi32, #tpu.memory_space<vmem>> -> memref<32xi32, #tpu.memory_space<vmem>>
    %dma_start3A_668 = arith.constant 0 : i32
    %dma_start3A_669 = arith.constant 0 : i32
    %dma_start3A_670 = tpu.memref_slice %arg3[%dma_start3A_668, %dma_start3A_669] : memref<100000x1024xf32, #tpu.memory_space<hbm>> -> memref<100000x1024xf32, #tpu.memory_space<hbm>>
    tpu.enqueue_indirect_dma source(%dma_start3A_670 : memref<100000x1024xf32, #tpu.memory_space<hbm>>) target(%dma_start3A_665 : memref<32x1024xf32, #tpu.memory_space<vmem>>) offsets(%dma_start3A_667 : memref<32xi32, #tpu.memory_space<vmem>>) semaphore(%arg7 : memref<!tpu.dma_semaphore, #tpu.memory_space<semaphore_mem>>)
    %dma_wait3A_671 = arith.constant 2 : i32
    %dma_wait3A_672 = arith.constant 0 : i32
    %dma_wait3A_673 = arith.constant 0 : i32
    %dma_wait3A_674 = tpu.memref_slice %arg6[%dma_wait3A_671, %dma_wait3A_672, %dma_wait3A_673] : memref<3x32x1024xf32, #tpu.memory_space<vmem>> -> memref<1x32x1024xf32, #tpu.memory_space<vmem>>
    %dma_wait3A_675 = tpu.memref_squeeze %dma_wait3A_674 : memref<1x32x1024xf32, #tpu.memory_space<vmem>> -> memref<32x1024xf32, #tpu.memory_space<vmem>>
    %dma_wait3A_676 = arith.constant 448 : i32
    %dma_wait3A_677 = tpu.memref_slice %arg5[%dma_wait3A_676] : memref<512xi32, #tpu.memory_space<vmem>> -> memref<32xi32, #tpu.memory_space<vmem>>
    %dma_wait3A_678 = arith.constant 0 : i32
    %dma_wait3A_679 = arith.constant 0 : i32
    %dma_wait3A_680 = tpu.memref_slice %arg3[%dma_wait3A_678, %dma_wait3A_679] : memref<100000x1024xf32, #tpu.memory_space<hbm>> -> memref<100000x1024xf32, #tpu.memory_space<hbm>>
    tpu.wait_indirect_dma semaphore(%arg7 : memref<!tpu.dma_semaphore, #tpu.memory_space<semaphore_mem>>) src(%dma_wait3A_680 : memref<100000x1024xf32, #tpu.memory_space<hbm>>) dst(%dma_wait3A_675 : memref<32x1024xf32, #tpu.memory_space<vmem>>)
    %add3A_681 = arith.constant 64 : i32
    %add3A_682 = arith.addi %mul3A_2, %add3A_681 : i32
    %dma_start3A_683 = arith.constant 2 : i32
    %dma_start3A_684 = arith.constant 3 : i32
    %dma_start3A_685 = arith.constant 0 : i32
    %dma_start3A_686 = arith.constant 0 : i32
    %dma_start3A_687 = tpu.memref_slice %arg6[%dma_start3A_683, %dma_start3A_685, %dma_start3A_686] : memref<3x32x1024xf32, #tpu.memory_space<vmem>> -> memref<1x32x1024xf32, #tpu.memory_space<vmem>>
    %dma_start3A_688 = tpu.memref_squeeze %dma_start3A_687 : memref<1x32x1024xf32, #tpu.memory_space<vmem>> -> memref<32x1024xf32, #tpu.memory_space<vmem>>
    %dma_start3A_689 = arith.constant 0 : i32
    %dma_start3A_690 = tpu.memref_slice %arg4[%add3A_682, %dma_start3A_684, %dma_start3A_689] : memref<4096x4x1024xf32, #tpu.memory_space<hbm>> -> memref<32x1x1024xf32, #tpu.memory_space<hbm>>
    %dma_start3A_691 = tpu.memref_squeeze %dma_start3A_690 : memref<32x1x1024xf32, #tpu.memory_space<hbm>> -> memref<32x1024xf32, #tpu.memory_space<hbm>>
    %dma_start3A_692 = arith.constant 0 : i32
    %dma_start3A_693 = tpu.memref_slice %arg4[%add3A_682, %dma_start3A_684, %dma_start3A_692] : memref<4096x4x1024xf32, #tpu.memory_space<hbm>> -> memref<32x1x1024xf32, #tpu.memory_space<hbm>>
    %dma_start3A_694 = tpu.memref_squeeze %dma_start3A_693 : memref<32x1x1024xf32, #tpu.memory_space<hbm>> -> memref<32x1024xf32, #tpu.memory_space<hbm>>
    %dma_start3A_695 = arith.constant 0 : i32
    %dma_start3A_696 = arith.constant 0 : i32
    %dma_start3A_697 = tpu.memref_slice %arg6[%dma_start3A_683, %dma_start3A_695, %dma_start3A_696] : memref<3x32x1024xf32, #tpu.memory_space<vmem>> -> memref<1x32x1024xf32, #tpu.memory_space<vmem>>
    %dma_start3A_698 = tpu.memref_squeeze %dma_start3A_697 : memref<1x32x1024xf32, #tpu.memory_space<vmem>> -> memref<32x1024xf32, #tpu.memory_space<vmem>>
    tpu.enqueue_dma source(%dma_start3A_698 : memref<32x1024xf32, #tpu.memory_space<vmem>>) target(%dma_start3A_694 : memref<32x1024xf32, #tpu.memory_space<hbm>>) target_semaphore(%arg8 : memref<!tpu.dma_semaphore, #tpu.memory_space<semaphore_mem>>)
    %dma_wait3A_699 = arith.constant 1 : i32
    %dma_wait3A_700 = arith.constant 2 : i32
    %dma_wait3A_701 = arith.constant 0 : i32
    %dma_wait3A_702 = arith.constant 0 : i32
    %dma_wait3A_703 = tpu.memref_slice %arg6[%dma_wait3A_699, %dma_wait3A_701, %dma_wait3A_702] : memref<3x32x1024xf32, #tpu.memory_space<vmem>> -> memref<1x32x1024xf32, #tpu.memory_space<vmem>>
    %dma_wait3A_704 = tpu.memref_squeeze %dma_wait3A_703 : memref<1x32x1024xf32, #tpu.memory_space<vmem>> -> memref<32x1024xf32, #tpu.memory_space<vmem>>
    %dma_wait3A_705 = arith.constant 0 : i32
    %dma_wait3A_706 = tpu.memref_slice %arg4[%add3A_628, %dma_wait3A_700, %dma_wait3A_705] : memref<4096x4x1024xf32, #tpu.memory_space<hbm>> -> memref<32x1x1024xf32, #tpu.memory_space<hbm>>
    %dma_wait3A_707 = tpu.memref_squeeze %dma_wait3A_706 : memref<32x1x1024xf32, #tpu.memory_space<hbm>> -> memref<32x1024xf32, #tpu.memory_space<hbm>>
    %dma_wait3A_708 = arith.constant 0 : i32
    %dma_wait3A_709 = tpu.memref_slice %arg4[%add3A_628, %dma_wait3A_700, %dma_wait3A_708] : memref<4096x4x1024xf32, #tpu.memory_space<hbm>> -> memref<32x1x1024xf32, #tpu.memory_space<hbm>>
    %dma_wait3A_710 = tpu.memref_squeeze %dma_wait3A_709 : memref<32x1x1024xf32, #tpu.memory_space<hbm>> -> memref<32x1024xf32, #tpu.memory_space<hbm>>
    %dma_wait3A_711 = arith.constant 0 : i32
    %dma_wait3A_712 = arith.constant 0 : i32
    %dma_wait3A_713 = tpu.memref_slice %arg6[%dma_wait3A_699, %dma_wait3A_711, %dma_wait3A_712] : memref<3x32x1024xf32, #tpu.memory_space<vmem>> -> memref<1x32x1024xf32, #tpu.memory_space<vmem>>
    %dma_wait3A_714 = tpu.memref_squeeze %dma_wait3A_713 : memref<1x32x1024xf32, #tpu.memory_space<vmem>> -> memref<32x1024xf32, #tpu.memory_space<vmem>>
    tpu.wait_dma2 semaphore(%arg8 : memref<!tpu.dma_semaphore, #tpu.memory_space<semaphore_mem>>) src(%dma_wait3A_714 : memref<32x1024xf32, #tpu.memory_space<vmem>>) dst(%dma_wait3A_710 : memref<32x1024xf32, #tpu.memory_space<hbm>>)
    %dma_start3A_715 = arith.constant 1 : i32
    %dma_start3A_716 = arith.constant 0 : i32
    %dma_start3A_717 = arith.constant 0 : i32
    %dma_start3A_718 = tpu.memref_slice %arg6[%dma_start3A_715, %dma_start3A_716, %dma_start3A_717] : memref<3x32x1024xf32, #tpu.memory_space<vmem>> -> memref<1x32x1024xf32, #tpu.memory_space<vmem>>
    %dma_start3A_719 = tpu.memref_squeeze %dma_start3A_718 : memref<1x32x1024xf32, #tpu.memory_space<vmem>> -> memref<32x1024xf32, #tpu.memory_space<vmem>>
    %dma_start3A_720 = arith.constant 224 : i32
    %dma_start3A_721 = tpu.memref_slice %arg5[%dma_start3A_720] : memref<512xi32, #tpu.memory_space<vmem>> -> memref<32xi32, #tpu.memory_space<vmem>>
    %dma_start3A_722 = arith.constant 0 : i32
    %dma_start3A_723 = arith.constant 0 : i32
    %dma_start3A_724 = tpu.memref_slice %arg3[%dma_start3A_722, %dma_start3A_723] : memref<100000x1024xf32, #tpu.memory_space<hbm>> -> memref<100000x1024xf32, #tpu.memory_space<hbm>>
    tpu.enqueue_indirect_dma source(%dma_start3A_724 : memref<100000x1024xf32, #tpu.memory_space<hbm>>) target(%dma_start3A_719 : memref<32x1024xf32, #tpu.memory_space<vmem>>) offsets(%dma_start3A_721 : memref<32xi32, #tpu.memory_space<vmem>>) semaphore(%arg7 : memref<!tpu.dma_semaphore, #tpu.memory_space<semaphore_mem>>)
    %dma_wait3A_725 = arith.constant 0 : i32
    %dma_wait3A_726 = arith.constant 0 : i32
    %dma_wait3A_727 = arith.constant 0 : i32
    %dma_wait3A_728 = tpu.memref_slice %arg6[%dma_wait3A_725, %dma_wait3A_726, %dma_wait3A_727] : memref<3x32x1024xf32, #tpu.memory_space<vmem>> -> memref<1x32x1024xf32, #tpu.memory_space<vmem>>
    %dma_wait3A_729 = tpu.memref_squeeze %dma_wait3A_728 : memref<1x32x1024xf32, #tpu.memory_space<vmem>> -> memref<32x1024xf32, #tpu.memory_space<vmem>>
    %dma_wait3A_730 = arith.constant 96 : i32
    %dma_wait3A_731 = tpu.memref_slice %arg5[%dma_wait3A_730] : memref<512xi32, #tpu.memory_space<vmem>> -> memref<32xi32, #tpu.memory_space<vmem>>
    %dma_wait3A_732 = arith.constant 0 : i32
    %dma_wait3A_733 = arith.constant 0 : i32
    %dma_wait3A_734 = tpu.memref_slice %arg3[%dma_wait3A_732, %dma_wait3A_733] : memref<100000x1024xf32, #tpu.memory_space<hbm>> -> memref<100000x1024xf32, #tpu.memory_space<hbm>>
    tpu.wait_indirect_dma semaphore(%arg7 : memref<!tpu.dma_semaphore, #tpu.memory_space<semaphore_mem>>) src(%dma_wait3A_734 : memref<100000x1024xf32, #tpu.memory_space<hbm>>) dst(%dma_wait3A_729 : memref<32x1024xf32, #tpu.memory_space<vmem>>)
    %add3A_735 = arith.constant 96 : i32
    %add3A_736 = arith.addi %mul3A_2, %add3A_735 : i32
    %dma_start3A_737 = arith.constant 0 : i32
    %dma_start3A_738 = arith.constant 0 : i32
    %dma_start3A_739 = arith.constant 0 : i32
    %dma_start3A_740 = arith.constant 0 : i32
    %dma_start3A_741 = tpu.memref_slice %arg6[%dma_start3A_737, %dma_start3A_739, %dma_start3A_740] : memref<3x32x1024xf32, #tpu.memory_space<vmem>> -> memref<1x32x1024xf32, #tpu.memory_space<vmem>>
    %dma_start3A_742 = tpu.memref_squeeze %dma_start3A_741 : memref<1x32x1024xf32, #tpu.memory_space<vmem>> -> memref<32x1024xf32, #tpu.memory_space<vmem>>
    %dma_start3A_743 = arith.constant 0 : i32
    %dma_start3A_744 = tpu.memref_slice %arg4[%add3A_736, %dma_start3A_738, %dma_start3A_743] : memref<4096x4x1024xf32, #tpu.memory_space<hbm>> -> memref<32x1x1024xf32, #tpu.memory_space<hbm>>
    %dma_start3A_745 = tpu.memref_squeeze %dma_start3A_744 : memref<32x1x1024xf32, #tpu.memory_space<hbm>> -> memref<32x1024xf32, #tpu.memory_space<hbm>>
    %dma_start3A_746 = arith.constant 0 : i32
    %dma_start3A_747 = tpu.memref_slice %arg4[%add3A_736, %dma_start3A_738, %dma_start3A_746] : memref<4096x4x1024xf32, #tpu.memory_space<hbm>> -> memref<32x1x1024xf32, #tpu.memory_space<hbm>>
    %dma_start3A_748 = tpu.memref_squeeze %dma_start3A_747 : memref<32x1x1024xf32, #tpu.memory_space<hbm>> -> memref<32x1024xf32, #tpu.memory_space<hbm>>
    %dma_start3A_749 = arith.constant 0 : i32
    %dma_start3A_750 = arith.constant 0 : i32
    %dma_start3A_751 = tpu.memref_slice %arg6[%dma_start3A_737, %dma_start3A_749, %dma_start3A_750] : memref<3x32x1024xf32, #tpu.memory_space<vmem>> -> memref<1x32x1024xf32, #tpu.memory_space<vmem>>
    %dma_start3A_752 = tpu.memref_squeeze %dma_start3A_751 : memref<1x32x1024xf32, #tpu.memory_space<vmem>> -> memref<32x1024xf32, #tpu.memory_space<vmem>>
    tpu.enqueue_dma source(%dma_start3A_752 : memref<32x1024xf32, #tpu.memory_space<vmem>>) target(%dma_start3A_748 : memref<32x1024xf32, #tpu.memory_space<hbm>>) target_semaphore(%arg8 : memref<!tpu.dma_semaphore, #tpu.memory_space<semaphore_mem>>)
    %dma_wait3A_753 = arith.constant 2 : i32
    %dma_wait3A_754 = arith.constant 3 : i32
    %dma_wait3A_755 = arith.constant 0 : i32
    %dma_wait3A_756 = arith.constant 0 : i32
    %dma_wait3A_757 = tpu.memref_slice %arg6[%dma_wait3A_753, %dma_wait3A_755, %dma_wait3A_756] : memref<3x32x1024xf32, #tpu.memory_space<vmem>> -> memref<1x32x1024xf32, #tpu.memory_space<vmem>>
    %dma_wait3A_758 = tpu.memref_squeeze %dma_wait3A_757 : memref<1x32x1024xf32, #tpu.memory_space<vmem>> -> memref<32x1024xf32, #tpu.memory_space<vmem>>
    %dma_wait3A_759 = arith.constant 0 : i32
    %dma_wait3A_760 = tpu.memref_slice %arg4[%add3A_682, %dma_wait3A_754, %dma_wait3A_759] : memref<4096x4x1024xf32, #tpu.memory_space<hbm>> -> memref<32x1x1024xf32, #tpu.memory_space<hbm>>
    %dma_wait3A_761 = tpu.memref_squeeze %dma_wait3A_760 : memref<32x1x1024xf32, #tpu.memory_space<hbm>> -> memref<32x1024xf32, #tpu.memory_space<hbm>>
    %dma_wait3A_762 = arith.constant 0 : i32
    %dma_wait3A_763 = tpu.memref_slice %arg4[%add3A_682, %dma_wait3A_754, %dma_wait3A_762] : memref<4096x4x1024xf32, #tpu.memory_space<hbm>> -> memref<32x1x1024xf32, #tpu.memory_space<hbm>>
    %dma_wait3A_764 = tpu.memref_squeeze %dma_wait3A_763 : memref<32x1x1024xf32, #tpu.memory_space<hbm>> -> memref<32x1024xf32, #tpu.memory_space<hbm>>
    %dma_wait3A_765 = arith.constant 0 : i32
    %dma_wait3A_766 = arith.constant 0 : i32
    %dma_wait3A_767 = tpu.memref_slice %arg6[%dma_wait3A_753, %dma_wait3A_765, %dma_wait3A_766] : memref<3x32x1024xf32, #tpu.memory_space<vmem>> -> memref<1x32x1024xf32, #tpu.memory_space<vmem>>
    %dma_wait3A_768 = tpu.memref_squeeze %dma_wait3A_767 : memref<1x32x1024xf32, #tpu.memory_space<vmem>> -> memref<32x1024xf32, #tpu.memory_space<vmem>>
    tpu.wait_dma2 semaphore(%arg8 : memref<!tpu.dma_semaphore, #tpu.memory_space<semaphore_mem>>) src(%dma_wait3A_768 : memref<32x1024xf32, #tpu.memory_space<vmem>>) dst(%dma_wait3A_764 : memref<32x1024xf32, #tpu.memory_space<hbm>>)
    %dma_start3A_769 = arith.constant 2 : i32
    %dma_start3A_770 = arith.constant 0 : i32
    %dma_start3A_771 = arith.constant 0 : i32
    %dma_start3A_772 = tpu.memref_slice %arg6[%dma_start3A_769, %dma_start3A_770, %dma_start3A_771] : memref<3x32x1024xf32, #tpu.memory_space<vmem>> -> memref<1x32x1024xf32, #tpu.memory_space<vmem>>
    %dma_start3A_773 = tpu.memref_squeeze %dma_start3A_772 : memref<1x32x1024xf32, #tpu.memory_space<vmem>> -> memref<32x1024xf32, #tpu.memory_space<vmem>>
    %dma_start3A_774 = arith.constant 352 : i32
    %dma_start3A_775 = tpu.memref_slice %arg5[%dma_start3A_774] : memref<512xi32, #tpu.memory_space<vmem>> -> memref<32xi32, #tpu.memory_space<vmem>>
    %dma_start3A_776 = arith.constant 0 : i32
    %dma_start3A_777 = arith.constant 0 : i32
    %dma_start3A_778 = tpu.memref_slice %arg3[%dma_start3A_776, %dma_start3A_777] : memref<100000x1024xf32, #tpu.memory_space<hbm>> -> memref<100000x1024xf32, #tpu.memory_space<hbm>>
    tpu.enqueue_indirect_dma source(%dma_start3A_778 : memref<100000x1024xf32, #tpu.memory_space<hbm>>) target(%dma_start3A_773 : memref<32x1024xf32, #tpu.memory_space<vmem>>) offsets(%dma_start3A_775 : memref<32xi32, #tpu.memory_space<vmem>>) semaphore(%arg7 : memref<!tpu.dma_semaphore, #tpu.memory_space<semaphore_mem>>)
    %dma_wait3A_779 = arith.constant 1 : i32
    %dma_wait3A_780 = arith.constant 0 : i32
    %dma_wait3A_781 = arith.constant 0 : i32
    %dma_wait3A_782 = tpu.memref_slice %arg6[%dma_wait3A_779, %dma_wait3A_780, %dma_wait3A_781] : memref<3x32x1024xf32, #tpu.memory_space<vmem>> -> memref<1x32x1024xf32, #tpu.memory_space<vmem>>
    %dma_wait3A_783 = tpu.memref_squeeze %dma_wait3A_782 : memref<1x32x1024xf32, #tpu.memory_space<vmem>> -> memref<32x1024xf32, #tpu.memory_space<vmem>>
    %dma_wait3A_784 = arith.constant 224 : i32
    %dma_wait3A_785 = tpu.memref_slice %arg5[%dma_wait3A_784] : memref<512xi32, #tpu.memory_space<vmem>> -> memref<32xi32, #tpu.memory_space<vmem>>
    %dma_wait3A_786 = arith.constant 0 : i32
    %dma_wait3A_787 = arith.constant 0 : i32
    %dma_wait3A_788 = tpu.memref_slice %arg3[%dma_wait3A_786, %dma_wait3A_787] : memref<100000x1024xf32, #tpu.memory_space<hbm>> -> memref<100000x1024xf32, #tpu.memory_space<hbm>>
    tpu.wait_indirect_dma semaphore(%arg7 : memref<!tpu.dma_semaphore, #tpu.memory_space<semaphore_mem>>) src(%dma_wait3A_788 : memref<100000x1024xf32, #tpu.memory_space<hbm>>) dst(%dma_wait3A_783 : memref<32x1024xf32, #tpu.memory_space<vmem>>)
    %add3A_789 = arith.constant 96 : i32
    %add3A_790 = arith.addi %mul3A_2, %add3A_789 : i32
    %dma_start3A_791 = arith.constant 1 : i32
    %dma_start3A_792 = arith.constant 1 : i32
    %dma_start3A_793 = arith.constant 0 : i32
    %dma_start3A_794 = arith.constant 0 : i32
    %dma_start3A_795 = tpu.memref_slice %arg6[%dma_start3A_791, %dma_start3A_793, %dma_start3A_794] : memref<3x32x1024xf32, #tpu.memory_space<vmem>> -> memref<1x32x1024xf32, #tpu.memory_space<vmem>>
    %dma_start3A_796 = tpu.memref_squeeze %dma_start3A_795 : memref<1x32x1024xf32, #tpu.memory_space<vmem>> -> memref<32x1024xf32, #tpu.memory_space<vmem>>
    %dma_start3A_797 = arith.constant 0 : i32
    %dma_start3A_798 = tpu.memref_slice %arg4[%add3A_790, %dma_start3A_792, %dma_start3A_797] : memref<4096x4x1024xf32, #tpu.memory_space<hbm>> -> memref<32x1x1024xf32, #tpu.memory_space<hbm>>
    %dma_start3A_799 = tpu.memref_squeeze %dma_start3A_798 : memref<32x1x1024xf32, #tpu.memory_space<hbm>> -> memref<32x1024xf32, #tpu.memory_space<hbm>>
    %dma_start3A_800 = arith.constant 0 : i32
    %dma_start3A_801 = tpu.memref_slice %arg4[%add3A_790, %dma_start3A_792, %dma_start3A_800] : memref<4096x4x1024xf32, #tpu.memory_space<hbm>> -> memref<32x1x1024xf32, #tpu.memory_space<hbm>>
    %dma_start3A_802 = tpu.memref_squeeze %dma_start3A_801 : memref<32x1x1024xf32, #tpu.memory_space<hbm>> -> memref<32x1024xf32, #tpu.memory_space<hbm>>
    %dma_start3A_803 = arith.constant 0 : i32
    %dma_start3A_804 = arith.constant 0 : i32
    %dma_start3A_805 = tpu.memref_slice %arg6[%dma_start3A_791, %dma_start3A_803, %dma_start3A_804] : memref<3x32x1024xf32, #tpu.memory_space<vmem>> -> memref<1x32x1024xf32, #tpu.memory_space<vmem>>
    %dma_start3A_806 = tpu.memref_squeeze %dma_start3A_805 : memref<1x32x1024xf32, #tpu.memory_space<vmem>> -> memref<32x1024xf32, #tpu.memory_space<vmem>>
    tpu.enqueue_dma source(%dma_start3A_806 : memref<32x1024xf32, #tpu.memory_space<vmem>>) target(%dma_start3A_802 : memref<32x1024xf32, #tpu.memory_space<hbm>>) target_semaphore(%arg8 : memref<!tpu.dma_semaphore, #tpu.memory_space<semaphore_mem>>)
    %dma_wait3A_807 = arith.constant 0 : i32
    %dma_wait3A_808 = arith.constant 0 : i32
    %dma_wait3A_809 = arith.constant 0 : i32
    %dma_wait3A_810 = arith.constant 0 : i32
    %dma_wait3A_811 = tpu.memref_slice %arg6[%dma_wait3A_807, %dma_wait3A_809, %dma_wait3A_810] : memref<3x32x1024xf32, #tpu.memory_space<vmem>> -> memref<1x32x1024xf32, #tpu.memory_space<vmem>>
    %dma_wait3A_812 = tpu.memref_squeeze %dma_wait3A_811 : memref<1x32x1024xf32, #tpu.memory_space<vmem>> -> memref<32x1024xf32, #tpu.memory_space<vmem>>
    %dma_wait3A_813 = arith.constant 0 : i32
    %dma_wait3A_814 = tpu.memref_slice %arg4[%add3A_736, %dma_wait3A_808, %dma_wait3A_813] : memref<4096x4x1024xf32, #tpu.memory_space<hbm>> -> memref<32x1x1024xf32, #tpu.memory_space<hbm>>
    %dma_wait3A_815 = tpu.memref_squeeze %dma_wait3A_814 : memref<32x1x1024xf32, #tpu.memory_space<hbm>> -> memref<32x1024xf32, #tpu.memory_space<hbm>>
    %dma_wait3A_816 = arith.constant 0 : i32
    %dma_wait3A_817 = tpu.memref_slice %arg4[%add3A_736, %dma_wait3A_808, %dma_wait3A_816] : memref<4096x4x1024xf32, #tpu.memory_space<hbm>> -> memref<32x1x1024xf32, #tpu.memory_space<hbm>>
    %dma_wait3A_818 = tpu.memref_squeeze %dma_wait3A_817 : memref<32x1x1024xf32, #tpu.memory_space<hbm>> -> memref<32x1024xf32, #tpu.memory_space<hbm>>
    %dma_wait3A_819 = arith.constant 0 : i32
    %dma_wait3A_820 = arith.constant 0 : i32
    %dma_wait3A_821 = tpu.memref_slice %arg6[%dma_wait3A_807, %dma_wait3A_819, %dma_wait3A_820] : memref<3x32x1024xf32, #tpu.memory_space<vmem>> -> memref<1x32x1024xf32, #tpu.memory_space<vmem>>
    %dma_wait3A_822 = tpu.memref_squeeze %dma_wait3A_821 : memref<1x32x1024xf32, #tpu.memory_space<vmem>> -> memref<32x1024xf32, #tpu.memory_space<vmem>>
    tpu.wait_dma2 semaphore(%arg8 : memref<!tpu.dma_semaphore, #tpu.memory_space<semaphore_mem>>) src(%dma_wait3A_822 : memref<32x1024xf32, #tpu.memory_space<vmem>>) dst(%dma_wait3A_818 : memref<32x1024xf32, #tpu.memory_space<hbm>>)
    %dma_start3A_823 = arith.constant 0 : i32
    %dma_start3A_824 = arith.constant 0 : i32
    %dma_start3A_825 = arith.constant 0 : i32
    %dma_start3A_826 = tpu.memref_slice %arg6[%dma_start3A_823, %dma_start3A_824, %dma_start3A_825] : memref<3x32x1024xf32, #tpu.memory_space<vmem>> -> memref<1x32x1024xf32, #tpu.memory_space<vmem>>
    %dma_start3A_827 = tpu.memref_squeeze %dma_start3A_826 : memref<1x32x1024xf32, #tpu.memory_space<vmem>> -> memref<32x1024xf32, #tpu.memory_space<vmem>>
    %dma_start3A_828 = arith.constant 480 : i32
    %dma_start3A_829 = tpu.memref_slice %arg5[%dma_start3A_828] : memref<512xi32, #tpu.memory_space<vmem>> -> memref<32xi32, #tpu.memory_space<vmem>>
    %dma_start3A_830 = arith.constant 0 : i32
    %dma_start3A_831 = arith.constant 0 : i32
    %dma_start3A_832 = tpu.memref_slice %arg3[%dma_start3A_830, %dma_start3A_831] : memref<100000x1024xf32, #tpu.memory_space<hbm>> -> memref<100000x1024xf32, #tpu.memory_space<hbm>>
    tpu.enqueue_indirect_dma source(%dma_start3A_832 : memref<100000x1024xf32, #tpu.memory_space<hbm>>) target(%dma_start3A_827 : memref<32x1024xf32, #tpu.memory_space<vmem>>) offsets(%dma_start3A_829 : memref<32xi32, #tpu.memory_space<vmem>>) semaphore(%arg7 : memref<!tpu.dma_semaphore, #tpu.memory_space<semaphore_mem>>)
    %dma_wait3A_833 = arith.constant 2 : i32
    %dma_wait3A_834 = arith.constant 0 : i32
    %dma_wait3A_835 = arith.constant 0 : i32
    %dma_wait3A_836 = tpu.memref_slice %arg6[%dma_wait3A_833, %dma_wait3A_834, %dma_wait3A_835] : memref<3x32x1024xf32, #tpu.memory_space<vmem>> -> memref<1x32x1024xf32, #tpu.memory_space<vmem>>
    %dma_wait3A_837 = tpu.memref_squeeze %dma_wait3A_836 : memref<1x32x1024xf32, #tpu.memory_space<vmem>> -> memref<32x1024xf32, #tpu.memory_space<vmem>>
    %dma_wait3A_838 = arith.constant 352 : i32
    %dma_wait3A_839 = tpu.memref_slice %arg5[%dma_wait3A_838] : memref<512xi32, #tpu.memory_space<vmem>> -> memref<32xi32, #tpu.memory_space<vmem>>
    %dma_wait3A_840 = arith.constant 0 : i32
    %dma_wait3A_841 = arith.constant 0 : i32
    %dma_wait3A_842 = tpu.memref_slice %arg3[%dma_wait3A_840, %dma_wait3A_841] : memref<100000x1024xf32, #tpu.memory_space<hbm>> -> memref<100000x1024xf32, #tpu.memory_space<hbm>>
    tpu.wait_indirect_dma semaphore(%arg7 : memref<!tpu.dma_semaphore, #tpu.memory_space<semaphore_mem>>) src(%dma_wait3A_842 : memref<100000x1024xf32, #tpu.memory_space<hbm>>) dst(%dma_wait3A_837 : memref<32x1024xf32, #tpu.memory_space<vmem>>)
    %add3A_843 = arith.constant 96 : i32
    %add3A_844 = arith.addi %mul3A_2, %add3A_843 : i32
    %dma_start3A_845 = arith.constant 2 : i32
    %dma_start3A_846 = arith.constant 2 : i32
    %dma_start3A_847 = arith.constant 0 : i32
    %dma_start3A_848 = arith.constant 0 : i32
    %dma_start3A_849 = tpu.memref_slice %arg6[%dma_start3A_845, %dma_start3A_847, %dma_start3A_848] : memref<3x32x1024xf32, #tpu.memory_space<vmem>> -> memref<1x32x1024xf32, #tpu.memory_space<vmem>>
    %dma_start3A_850 = tpu.memref_squeeze %dma_start3A_849 : memref<1x32x1024xf32, #tpu.memory_space<vmem>> -> memref<32x1024xf32, #tpu.memory_space<vmem>>
    %dma_start3A_851 = arith.constant 0 : i32
    %dma_start3A_852 = tpu.memref_slice %arg4[%add3A_844, %dma_start3A_846, %dma_start3A_851] : memref<4096x4x1024xf32, #tpu.memory_space<hbm>> -> memref<32x1x1024xf32, #tpu.memory_space<hbm>>
    %dma_start3A_853 = tpu.memref_squeeze %dma_start3A_852 : memref<32x1x1024xf32, #tpu.memory_space<hbm>> -> memref<32x1024xf32, #tpu.memory_space<hbm>>
    %dma_start3A_854 = arith.constant 0 : i32
    %dma_start3A_855 = tpu.memref_slice %arg4[%add3A_844, %dma_start3A_846, %dma_start3A_854] : memref<4096x4x1024xf32, #tpu.memory_space<hbm>> -> memref<32x1x1024xf32, #tpu.memory_space<hbm>>
    %dma_start3A_856 = tpu.memref_squeeze %dma_start3A_855 : memref<32x1x1024xf32, #tpu.memory_space<hbm>> -> memref<32x1024xf32, #tpu.memory_space<hbm>>
    %dma_start3A_857 = arith.constant 0 : i32
    %dma_start3A_858 = arith.constant 0 : i32
    %dma_start3A_859 = tpu.memref_slice %arg6[%dma_start3A_845, %dma_start3A_857, %dma_start3A_858] : memref<3x32x1024xf32, #tpu.memory_space<vmem>> -> memref<1x32x1024xf32, #tpu.memory_space<vmem>>
    %dma_start3A_860 = tpu.memref_squeeze %dma_start3A_859 : memref<1x32x1024xf32, #tpu.memory_space<vmem>> -> memref<32x1024xf32, #tpu.memory_space<vmem>>
    tpu.enqueue_dma source(%dma_start3A_860 : memref<32x1024xf32, #tpu.memory_space<vmem>>) target(%dma_start3A_856 : memref<32x1024xf32, #tpu.memory_space<hbm>>) target_semaphore(%arg8 : memref<!tpu.dma_semaphore, #tpu.memory_space<semaphore_mem>>)
    %dma_wait3A_861 = arith.constant 0 : i32
    %dma_wait3A_862 = arith.constant 0 : i32
    %dma_wait3A_863 = arith.constant 0 : i32
    %dma_wait3A_864 = tpu.memref_slice %arg6[%dma_wait3A_861, %dma_wait3A_862, %dma_wait3A_863] : memref<3x32x1024xf32, #tpu.memory_space<vmem>> -> memref<1x32x1024xf32, #tpu.memory_space<vmem>>
    %dma_wait3A_865 = tpu.memref_squeeze %dma_wait3A_864 : memref<1x32x1024xf32, #tpu.memory_space<vmem>> -> memref<32x1024xf32, #tpu.memory_space<vmem>>
    %dma_wait3A_866 = arith.constant 480 : i32
    %dma_wait3A_867 = tpu.memref_slice %arg5[%dma_wait3A_866] : memref<512xi32, #tpu.memory_space<vmem>> -> memref<32xi32, #tpu.memory_space<vmem>>
    %dma_wait3A_868 = arith.constant 0 : i32
    %dma_wait3A_869 = arith.constant 0 : i32
    %dma_wait3A_870 = tpu.memref_slice %arg3[%dma_wait3A_868, %dma_wait3A_869] : memref<100000x1024xf32, #tpu.memory_space<hbm>> -> memref<100000x1024xf32, #tpu.memory_space<hbm>>
    tpu.wait_indirect_dma semaphore(%arg7 : memref<!tpu.dma_semaphore, #tpu.memory_space<semaphore_mem>>) src(%dma_wait3A_870 : memref<100000x1024xf32, #tpu.memory_space<hbm>>) dst(%dma_wait3A_865 : memref<32x1024xf32, #tpu.memory_space<vmem>>)
    %add3A_871 = arith.constant 96 : i32
    %add3A_872 = arith.addi %mul3A_2, %add3A_871 : i32
    %dma_start3A_873 = arith.constant 0 : i32
    %dma_start3A_874 = arith.constant 3 : i32
    %dma_start3A_875 = arith.constant 0 : i32
    %dma_start3A_876 = arith.constant 0 : i32
    %dma_start3A_877 = tpu.memref_slice %arg6[%dma_start3A_873, %dma_start3A_875, %dma_start3A_876] : memref<3x32x1024xf32, #tpu.memory_space<vmem>> -> memref<1x32x1024xf32, #tpu.memory_space<vmem>>
    %dma_start3A_878 = tpu.memref_squeeze %dma_start3A_877 : memref<1x32x1024xf32, #tpu.memory_space<vmem>> -> memref<32x1024xf32, #tpu.memory_space<vmem>>
    %dma_start3A_879 = arith.constant 0 : i32
    %dma_start3A_880 = tpu.memref_slice %arg4[%add3A_872, %dma_start3A_874, %dma_start3A_879] : memref<4096x4x1024xf32, #tpu.memory_space<hbm>> -> memref<32x1x1024xf32, #tpu.memory_space<hbm>>
    %dma_start3A_881 = tpu.memref_squeeze %dma_start3A_880 : memref<32x1x1024xf32, #tpu.memory_space<hbm>> -> memref<32x1024xf32, #tpu.memory_space<hbm>>
    %dma_start3A_882 = arith.constant 0 : i32
    %dma_start3A_883 = tpu.memref_slice %arg4[%add3A_872, %dma_start3A_874, %dma_start3A_882] : memref<4096x4x1024xf32, #tpu.memory_space<hbm>> -> memref<32x1x1024xf32, #tpu.memory_space<hbm>>
    %dma_start3A_884 = tpu.memref_squeeze %dma_start3A_883 : memref<32x1x1024xf32, #tpu.memory_space<hbm>> -> memref<32x1024xf32, #tpu.memory_space<hbm>>
    %dma_start3A_885 = arith.constant 0 : i32
    %dma_start3A_886 = arith.constant 0 : i32
    %dma_start3A_887 = tpu.memref_slice %arg6[%dma_start3A_873, %dma_start3A_885, %dma_start3A_886] : memref<3x32x1024xf32, #tpu.memory_space<vmem>> -> memref<1x32x1024xf32, #tpu.memory_space<vmem>>
    %dma_start3A_888 = tpu.memref_squeeze %dma_start3A_887 : memref<1x32x1024xf32, #tpu.memory_space<vmem>> -> memref<32x1024xf32, #tpu.memory_space<vmem>>
    tpu.enqueue_dma source(%dma_start3A_888 : memref<32x1024xf32, #tpu.memory_space<vmem>>) target(%dma_start3A_884 : memref<32x1024xf32, #tpu.memory_space<hbm>>) target_semaphore(%arg8 : memref<!tpu.dma_semaphore, #tpu.memory_space<semaphore_mem>>)
    %dma_wait3A_889 = arith.constant 1 : i32
    %dma_wait3A_890 = arith.constant 1 : i32
    %dma_wait3A_891 = arith.constant 0 : i32
    %dma_wait3A_892 = arith.constant 0 : i32
    %dma_wait3A_893 = tpu.memref_slice %arg6[%dma_wait3A_889, %dma_wait3A_891, %dma_wait3A_892] : memref<3x32x1024xf32, #tpu.memory_space<vmem>> -> memref<1x32x1024xf32, #tpu.memory_space<vmem>>
    %dma_wait3A_894 = tpu.memref_squeeze %dma_wait3A_893 : memref<1x32x1024xf32, #tpu.memory_space<vmem>> -> memref<32x1024xf32, #tpu.memory_space<vmem>>
    %dma_wait3A_895 = arith.constant 0 : i32
    %dma_wait3A_896 = tpu.memref_slice %arg4[%add3A_790, %dma_wait3A_890, %dma_wait3A_895] : memref<4096x4x1024xf32, #tpu.memory_space<hbm>> -> memref<32x1x1024xf32, #tpu.memory_space<hbm>>
    %dma_wait3A_897 = tpu.memref_squeeze %dma_wait3A_896 : memref<32x1x1024xf32, #tpu.memory_space<hbm>> -> memref<32x1024xf32, #tpu.memory_space<hbm>>
    %dma_wait3A_898 = arith.constant 0 : i32
    %dma_wait3A_899 = tpu.memref_slice %arg4[%add3A_790, %dma_wait3A_890, %dma_wait3A_898] : memref<4096x4x1024xf32, #tpu.memory_space<hbm>> -> memref<32x1x1024xf32, #tpu.memory_space<hbm>>
    %dma_wait3A_900 = tpu.memref_squeeze %dma_wait3A_899 : memref<32x1x1024xf32, #tpu.memory_space<hbm>> -> memref<32x1024xf32, #tpu.memory_space<hbm>>
    %dma_wait3A_901 = arith.constant 0 : i32
    %dma_wait3A_902 = arith.constant 0 : i32
    %dma_wait3A_903 = tpu.memref_slice %arg6[%dma_wait3A_889, %dma_wait3A_901, %dma_wait3A_902] : memref<3x32x1024xf32, #tpu.memory_space<vmem>> -> memref<1x32x1024xf32, #tpu.memory_space<vmem>>
    %dma_wait3A_904 = tpu.memref_squeeze %dma_wait3A_903 : memref<1x32x1024xf32, #tpu.memory_space<vmem>> -> memref<32x1024xf32, #tpu.memory_space<vmem>>
    tpu.wait_dma2 semaphore(%arg8 : memref<!tpu.dma_semaphore, #tpu.memory_space<semaphore_mem>>) src(%dma_wait3A_904 : memref<32x1024xf32, #tpu.memory_space<vmem>>) dst(%dma_wait3A_900 : memref<32x1024xf32, #tpu.memory_space<hbm>>)
    %dma_wait3A_905 = arith.constant 2 : i32
    %dma_wait3A_906 = arith.constant 2 : i32
    %dma_wait3A_907 = arith.constant 0 : i32
    %dma_wait3A_908 = arith.constant 0 : i32
    %dma_wait3A_909 = tpu.memref_slice %arg6[%dma_wait3A_905, %dma_wait3A_907, %dma_wait3A_908] : memref<3x32x1024xf32, #tpu.memory_space<vmem>> -> memref<1x32x1024xf32, #tpu.memory_space<vmem>>
    %dma_wait3A_910 = tpu.memref_squeeze %dma_wait3A_909 : memref<1x32x1024xf32, #tpu.memory_space<vmem>> -> memref<32x1024xf32, #tpu.memory_space<vmem>>
    %dma_wait3A_911 = arith.constant 0 : i32
    %dma_wait3A_912 = tpu.memref_slice %arg4[%add3A_844, %dma_wait3A_906, %dma_wait3A_911] : memref<4096x4x1024xf32, #tpu.memory_space<hbm>> -> memref<32x1x1024xf32, #tpu.memory_space<hbm>>
    %dma_wait3A_913 = tpu.memref_squeeze %dma_wait3A_912 : memref<32x1x1024xf32, #tpu.memory_space<hbm>> -> memref<32x1024xf32, #tpu.memory_space<hbm>>
    %dma_wait3A_914 = arith.constant 0 : i32
    %dma_wait3A_915 = tpu.memref_slice %arg4[%add3A_844, %dma_wait3A_906, %dma_wait3A_914] : memref<4096x4x1024xf32, #tpu.memory_space<hbm>> -> memref<32x1x1024xf32, #tpu.memory_space<hbm>>
    %dma_wait3A_916 = tpu.memref_squeeze %dma_wait3A_915 : memref<32x1x1024xf32, #tpu.memory_space<hbm>> -> memref<32x1024xf32, #tpu.memory_space<hbm>>
    %dma_wait3A_917 = arith.constant 0 : i32
    %dma_wait3A_918 = arith.constant 0 : i32
    %dma_wait3A_919 = tpu.memref_slice %arg6[%dma_wait3A_905, %dma_wait3A_917, %dma_wait3A_918] : memref<3x32x1024xf32, #tpu.memory_space<vmem>> -> memref<1x32x1024xf32, #tpu.memory_space<vmem>>
    %dma_wait3A_920 = tpu.memref_squeeze %dma_wait3A_919 : memref<1x32x1024xf32, #tpu.memory_space<vmem>> -> memref<32x1024xf32, #tpu.memory_space<vmem>>
    tpu.wait_dma2 semaphore(%arg8 : memref<!tpu.dma_semaphore, #tpu.memory_space<semaphore_mem>>) src(%dma_wait3A_920 : memref<32x1024xf32, #tpu.memory_space<vmem>>) dst(%dma_wait3A_916 : memref<32x1024xf32, #tpu.memory_space<hbm>>)
    %dma_wait3A_921 = arith.constant 0 : i32
    %dma_wait3A_922 = arith.constant 3 : i32
    %dma_wait3A_923 = arith.constant 0 : i32
    %dma_wait3A_924 = arith.constant 0 : i32
    %dma_wait3A_925 = tpu.memref_slice %arg6[%dma_wait3A_921, %dma_wait3A_923, %dma_wait3A_924] : memref<3x32x1024xf32, #tpu.memory_space<vmem>> -> memref<1x32x1024xf32, #tpu.memory_space<vmem>>
    %dma_wait3A_926 = tpu.memref_squeeze %dma_wait3A_925 : memref<1x32x1024xf32, #tpu.memory_space<vmem>> -> memref<32x1024xf32, #tpu.memory_space<vmem>>
    %dma_wait3A_927 = arith.constant 0 : i32
    %dma_wait3A_928 = tpu.memref_slice %arg4[%add3A_872, %dma_wait3A_922, %dma_wait3A_927] : memref<4096x4x1024xf32, #tpu.memory_space<hbm>> -> memref<32x1x1024xf32, #tpu.memory_space<hbm>>
    %dma_wait3A_929 = tpu.memref_squeeze %dma_wait3A_928 : memref<32x1x1024xf32, #tpu.memory_space<hbm>> -> memref<32x1024xf32, #tpu.memory_space<hbm>>
    %dma_wait3A_930 = arith.constant 0 : i32
    %dma_wait3A_931 = tpu.memref_slice %arg4[%add3A_872, %dma_wait3A_922, %dma_wait3A_930] : memref<4096x4x1024xf32, #tpu.memory_space<hbm>> -> memref<32x1x1024xf32, #tpu.memory_space<hbm>>
    %dma_wait3A_932 = tpu.memref_squeeze %dma_wait3A_931 : memref<32x1x1024xf32, #tpu.memory_space<hbm>> -> memref<32x1024xf32, #tpu.memory_space<hbm>>
    %dma_wait3A_933 = arith.constant 0 : i32
    %dma_wait3A_934 = arith.constant 0 : i32
    %dma_wait3A_935 = tpu.memref_slice %arg6[%dma_wait3A_921, %dma_wait3A_933, %dma_wait3A_934] : memref<3x32x1024xf32, #tpu.memory_space<vmem>> -> memref<1x32x1024xf32, #tpu.memory_space<vmem>>
    %dma_wait3A_936 = tpu.memref_squeeze %dma_wait3A_935 : memref<1x32x1024xf32, #tpu.memory_space<vmem>> -> memref<32x1024xf32, #tpu.memory_space<vmem>>
    tpu.wait_dma2 semaphore(%arg8 : memref<!tpu.dma_semaphore, #tpu.memory_space<semaphore_mem>>) src(%dma_wait3A_936 : memref<32x1024xf32, #tpu.memory_space<vmem>>) dst(%dma_wait3A_932 : memref<32x1024xf32, #tpu.memory_space<hbm>>)
    return
  }
}

</mosaic_0001>

<sc_bundles>
// kernel: kernel.3.cloned.1.call-start
scs
__scs_entry_jumppad:
0x0: {  	(pc) =	sbr.rel $0x88, $3  }
0x1: {  	(tag) =	ssettag $0x0;
	lr =	simm.s32 $0x1  }
0x2: {  	[smem:$0x3F9F] =	sst lr;
	_ =	strace $0xD0000000  }
0x3: {  	_ = 	snop  }
0x4: {  	_ = 	snop  }
0x5: {  	_ = 	snop  }
0x6: {  	_ = 	snop  }
0x7: {  	_ = 	snop  }
__scs_overlays_trampoline_lowered:
0x8: {  	[smem:$0x3FAE] =	sst s0  }
0x9: {  	[smem:$0x3FAF] =	sst s1  }
0xa: {  	[smem:$0x3FB0] =	sst s2  }
0xb: {  	[smem:$0x3FB1] =	sst s3  }
0xc: {  	[smem:$0x3FB2] =	sst s4  }
0xd: {  	[smem:$0x3FB3] =	sst s5  }
0xe: {  	[smem:$0x3FB4] =	sst s6  }
0xf: {  	[smem:$0x3FB5] =	sst s7  }
0x10: {  	[smem:$0x3FB6] =	sst s8  }
0x11: {  	[smem:$0x3FB7] =	sst s9;
	s0 =	simm.s32 @!p0 $0x0  }
0x12: {  	s1 =	sld [smem:$0x3F9D];
	s0 =	simm.s32 @p0 $0x1  }
0x13: {  	[smem:$0x3FB8] =	sst s0;
	s0 =	simm.s32 @!p1 $0x0  }
0x14: {  	s2 =	sld [smem:$0x3F9C];
	s0 =	simm.s32 @p1 $0x1  }
0x15: {  	[smem:$0x3FB9] =	sst s0;
	s0 =	simm.s32 @!p2 $0x0  }
0x16: {  	s3 =	sld [smem:$0x3FDB];
	s0 =	simm.s32 @p2 $0x1  }
0x17: {  	s4 =	simm.s32 $0x1BF5;
	[smem:$0x3FBB] =	sst s0  }
0x18: {  	s0 =	sld [smem:$0x3F9E];
	_ =	swait.ge [sflag:s4], $0x0  }
0x19: {  	s7 =	sld [smem:$0x3F9F]  }
0x1a: {  	s8 =	sadd.s32 $0xFFFFE003, lr  }
0x1b: {  	s9 =	sadd.s32 $0xFFFFFEF7, lr;
	s5 =	simm.s32 $0xFFFFFFFF;
	p2 =	slt.u32 s8, $0xFFFFF086  }
0x1c: {  	p1 =	slt.u32 s9, $0xF7A;
	s5 =	simm.s32 @!p2 $0x0  }
0x1d: {  	s5 =	simm.s32 @p1 $0x1;
	p0 =	seq.s32 s7, s2  }
0x1e: {  	s7 =	smul.u32 @!p0 $0xF7A, s2;
	p2 =	seq.s32 @!p0 s5, $0x0  }
0x1f: {  	s9 =	smul.u32 $0xF7A, s1;
	s8 =	simm.s32 @!p0 $0x1BF5;
	p2 =	por !p2, p0  }
0x20: {  	[sflag:s8] =	ssyncset.s32 @!p0 $0xFFFFF086;
	s6 =	sadd.s32 @!p0 s3, s7;
	s7 =	simm.s32 @!p0 $0x108  }
0x21: {  	s3 =	sadd.s32 s3, s9;
	s6 =	sadd.s32 @!p0 $0x88, s6;
	s7 =	simm.s32 @p2 $0x1082  }
0x22: {  	[simem:s7], [sflag:s8] =	dma.local @!p0 [hbm:s6], $0xF7A  }
0x23: {  	s9 =	sor.u32 $0xD0000000, s2;
	s6 =	simm.s32 $0x108;
	_ =	swait.ge @!p0 [sflag:s8], $0x0  }
0x24: {  	s3 =	sadd.s32 $0x88, s3;
	s6 =	simm.s32 @!p1 $0x1082;
	[sflag:s4] =	ssyncset.s32 $0xFFFFF086  }
0x25: {  	[simem:s6], [sflag:s4] =	dma.local [hbm:s3], $0xF7A  }
0x26: {  	[smem:$0x3F9F] =	sst s1;
	(tag) =	ssettag s2;
	_ =	strace s9  }
0x27: {  	s1 =	sld [smem:$0x3FAF]  }
0x28: {  	s2 =	sld [smem:$0x3FB0]  }
0x29: {  	s4 =	sld [smem:$0x3FB2]  }
0x2a: {  	p0 =	seq.s32 s5, $0x0;
	s5 =	sld [smem:$0x3FB3]  }
0x2b: {  	s6 =	sld [smem:$0x3FB4]  }
0x2c: {  	s7 =	sld [smem:$0x3FB5]  }
0x2d: {  	s3 =	simm.s32 $0x108;
	s8 =	sld [smem:$0x3FB6]  }
0x2e: {  	s3 =	simm.s32 @!p0 $0x1082;
	s9 =	sld [smem:$0x3FB7]  }
0x2f: {  	lr =	sadd.s32 s0, s3;
	s0 =	sld [smem:$0x3FAE]  }
0x30: {  	s3 =	sld [smem:$0x3FB1]  }
0x31: {  	[smem:$0x3FBA] =	sst s10  }
0x32: {  	s10 =	sld [smem:$0x3FB8];
	_ =	sdelay $0x3  }
0x33: {  	p0 =	seq.s32 s10, $0x1;
	s10 =	sld [smem:$0x3FBA];
	_ =	sdelay $0x3  }
0x34: {  	[smem:$0x3FBA] =	sst s10  }
0x35: {  	s10 =	sld [smem:$0x3FB9];
	_ =	sdelay $0x3  }
0x36: {  	p1 =	seq.s32 s10, $0x1;
	s10 =	sld [smem:$0x3FBA];
	_ =	sdelay $0x3  }
0x37: {  	[smem:$0x3FBA] =	sst s10  }
0x38: {  	s10 =	sld [smem:$0x3FBB]  }
0x39: {  	_ = 	snop;
	(pc) =	sbr.ind lr, $3  }
0x3a: {  	_ = 	snop  }
0x3b: {  	_ = 	snop  }
0x3c: {  	p2 =	seq.s32 s10, $0x1;
	s10 =	sld [smem:$0x3FBA]  }
0x3d: {  	_ =	shalt  }
0x3e: {  	_ =	shalt  }
0x3f: {  	_ =	shalt  }
0x40: {  	_ =	shalt  }
0x41: {  	_ =	shalt  }
0x42: {  	_ =	shalt  }
0x43: {  	_ =	shalt  }
0x44: {  	_ =	shalt  }
0x45: {  	_ =	shalt  }
0x46: {  	_ =	shalt  }
0x47: {  	_ =	shalt  }
0x48: {  	_ =	shalt  }
0x49: {  	_ =	shalt  }
0x4a: {  	_ =	shalt  }
0x4b: {  	_ =	shalt  }
0x4c: {  	_ =	shalt  }
0x4d: {  	_ =	shalt  }
0x4e: {  	_ =	shalt  }
0x4f: {  	_ =	shalt  }
0x50: {  	_ =	shalt  }
0x51: {  	_ =	shalt  }
0x52: {  	_ =	shalt  }
0x53: {  	_ =	shalt  }
0x54: {  	_ =	shalt  }
0x55: {  	_ =	shalt  }
0x56: {  	_ =	shalt  }
0x57: {  	_ =	shalt  }
0x58: {  	_ =	shalt  }
0x59: {  	_ =	shalt  }
0x5a: {  	_ =	shalt  }
0x5b: {  	_ =	shalt  }
0x5c: {  	_ =	shalt  }
0x5d: {  	_ =	shalt  }
0x5e: {  	_ =	shalt  }
0x5f: {  	_ =	shalt  }
0x60: {  	_ =	shalt  }
0x61: {  	_ =	shalt  }
0x62: {  	_ =	shalt  }
0x63: {  	_ =	shalt  }
0x64: {  	_ =	shalt  }
0x65: {  	_ =	shalt  }
0x66: {  	_ =	shalt  }
0x67: {  	_ =	shalt  }
0x68: {  	_ =	shalt  }
0x69: {  	_ =	shalt  }
0x6a: {  	_ =	shalt  }
0x6b: {  	_ =	shalt  }
0x6c: {  	_ =	shalt  }
0x6d: {  	_ =	shalt  }
0x6e: {  	_ =	shalt  }
0x6f: {  	_ =	shalt  }
0x70: {  	_ =	shalt  }
0x71: {  	_ =	shalt  }
0x72: {  	_ =	shalt  }
0x73: {  	_ =	shalt  }
0x74: {  	_ =	shalt  }
0x75: {  	_ =	shalt  }
0x76: {  	_ =	shalt  }
0x77: {  	_ =	shalt  }
0x78: {  	_ =	shalt  }
0x79: {  	_ =	shalt  }
0x7a: {  	_ =	shalt  }
0x7b: {  	_ =	shalt  }
0x7c: {  	_ =	shalt  }
0x7d: {  	_ =	shalt  }
0x7e: {  	_ =	shalt  }
0x7f: {  	_ =	shalt  }
0x80: {  	_ =	shalt  }
0x81: {  	_ =	shalt  }
0x82: {  	_ =	shalt  }
0x83: {  	_ =	shalt  }
0x84: {  	_ =	shalt  }
0x85: {  	_ =	shalt  }
0x86: {  	_ =	shalt  }
0x87: {  	_ =	shalt  }
.Lfunc_end0:
.L_simem_size_0:
called_computation_lowered:
.L_overlay_start_0:
0x88: {  	s2 =	sld [smem:$0x3FD9]  }
0x89: {  	s3 =	sld [smem:$0x3FFE];
	_ =	sdelay $0x1  }
0x8a: {  	s1 =	srdreg.scid  }
0x8b: {  	s0 =	sand.u32 $0x1, s1  }
0x8c: {  	s18 =	sshll.u32 s0, $0xA;
	s2 =	sadd.s32 s3, s2  }
0x8d: {  	s2 =	sadd.s32 s2, s18  }
0x8e: {  	[smem:$0x3FC6] =	sst s2  }
0x8f: {  	_ = 	snop  }
0x90: {  	s2 =	sld [smem:$0x3FC9]  }
0x91: {  	s19 =	sld [smem:$0x3FC8]  }
0x92: {  	s4 =	sld [smem:$0x3FD0];
	(tm) =	ssettm $0x1  }
0x93: {  	s5 =	sld [smem:$0x3FFB];
	_ =	sdelay $0x3  }
0x94: {  	_ =	strace s5  }
0x95: {  	s5 =	sld [smem:$0x3FFC];
	_ =	sdelay $0x3  }
0x96: {  	_ =	strace s5  }
0x97: {  	s5 =	sld [smem:$0x3FFD];
	_ =	sdelay $0x3  }
0x98: {  	_ =	strace s5  }
0x99: {  	_ =	strace $0x8FFFFFFF  }
0x9a: {  	s20 =	sld [smem:$0x3FDB];
	_ =	sdelay $0x1  }
0x9b: {  	s6 =	simm.s32 $_scs_section_size  }
0x9c: {  	s7 =	simm.s32 $_size__tile_overlayer_lowered;
	s8 =	simm.s32 $_tile_overlayer_lowered  }
0x9d: {  	s23 =	simm.s32 $0x1BFF;
	s22 =	sshll.u32 s8, $0x1;
	s5 =	sadd.s32 s6, s20  }
0x9e: {  	s9 =	simm.s32 $0x0;
	s21 =	sshll.u32 s7, $0x1;
	s7 =	sadd.s32 s22, s5  }
0x9f: {  	[timem:s9], [sflag:s23] =	dma.local [hbm:s7], s21  }
0xa0: {  	_ =	swait.ge [sflag:s23], s21  }
0xa1: {  	s6 =	ssub.s32 $0x0, s21;
	[sflag:s23] =	ssyncset.done $0x0  }
0xa2: {  	[sflag:s23] =	ssyncadd.s32 s6;
	_ =	sdelay $0x1  }
0xa3: {  	s24 =	simm.s32 $0x1B8B  }
0xa4: {  	_ =	swait.ge [sflag:s24], $0x1  }
0xa5: {  	[sflag:s24] =	ssyncset.done $0x0  }
0xa6: {  	s25 =	simm.s32 $0x1B8E;
	[sflag:s24] =	ssyncadd.s32 $0xFFFFFFFF  }
0xa7: {  	s26 =	simm.s32 $execute0_lowered;
	[smem:$0x3FD2] =	sst s25  }
0xa8: {  	s6 =	sshll.u32 s26, $0x1;
	_ =	strace $0x80000046;
	[dreg:$0x1] =	wrdreg $0xFFFFFFFF  }
0xa9: {  	s28 =	simm.s32 $_size_execute0_lowered;
	s5 =	sadd.s32 s5, s6;
	[dreg:$0x0] =	wrdreg $0x0  }
0xaa: {  	s6 =	sshll.u32 s28, $0x1;
	[dreg:$0x2] =	wrdreg s5  }
0xab: {  	[dreg:$0x3] =	wrdreg s6  }
0xac: {  	[dreg:$0x4] =	wrdreg $0xC0  }
0xad: {  	_ =	task [dreg:s9], $0x5FFFF  }
0xae: {  	[dreg:$0x1] =	wrdreg $0xFFFFFFFF  }
0xaf: {  	[dreg:$0x0] =	wrdreg $0x60  }
0xb0: {  	[dreg:$0x2] =	wrdreg s2  }
0xb1: {  	[dreg:$0x3] =	wrdreg s19  }
0xb2: {  	[dreg:$0x4] =	wrdreg s4  }
0xb3: {  	[dreg:$0x5] =	wrdreg $0x9  }
0xb4: {  	_ =	task.clear_ibuf [dreg:s9], $0x6FFFF;
	_ =	strace $0x90000046  }
0xb5: {  	s29 =	simm.s32 $0x9;
	_ =	strace $0x80000048  }
0xb6: {  	_ =	swait.ge [sflag:s29], $0x1  }
0xb7: {  	[sflag:s29] =	ssyncadd.s32 $0xFFFFFFFF  }
0xb8: {  	_ =	strace $0x90000048  }
0xb9: {  	_ =	sfence  }
0xba: {  	s30 =	sld [smem:$0x0];
	_ =	sdelay $0x2  }
0xbb: {  	s31 =	sshll.u32 s1, $0xD;
	s1 =	sshrl.u32 s1, $0x2  }
0xbc: {  	s3 =	sand.u32 $0x4000, s31;
	s1 =	sadd.s32 s1, s30  }
0xbd: {  	s0 =	sor.u32 s3, s0;
	s1 =	sshll.u32 s1, $0x11  }
0xbe: {  	s0 =	sor.u32 s1, s0  }
0xbf: {  	s0 =	sadd.s32 $0x8F2B, s0  }
0xc0: {  	[sflag:s0] =	ssyncadd.remote.s32 $0x1  }
0xc1: {  	_ =	sfence.sel $0xFFFF  }
0xc2: {  	[dreg:$0x0] =	wrdreg $0xFFFFFFFF;
	(pc) =	sbr.abs _section_cstart, $3  }
0xc3: {  	[dreg:$0x1] =	wrdreg $0xFFFFFFFF  }
0xc4: {  	_ =	task.clear_ibuf [dreg:s9], $0x2FFFF;
	_ =	strace $0x9FFFFFFF  }
0xc5: {  	(tm) =	ssettm $0x7FFFFFFF  }
tec
execute0_lowered:
.L_overlay_start_1:
0x0: {  	(tag) =	ssettag $0x1  }
0x1: {  	s0 =	rddreg [dreg:$0x0]  }
0x2: {  	s2 =	rddreg [dreg:$0x1];
	s1 =	srdreg.scid  }
0x3: {  	s3 =	stileid.u32;
	s4 =	rddreg [dreg:$0x2]  }
0x4: {  	s29 =	simm.s32 $0x80;
	s30 =	simm.s32 $0x1000;
	s1 =	sand.u32 $0x1, s1  }
0x5: {  	s3 =	sshll.u32 s3, $0x1;
	s8 =	sadd.s32 $0x100, s2;
	s9 =	sadd.s32 $0x200, s2  }
0x6: {  	s11 =	sadd.s32 $0x300, s2;
	s5 =	sor.u32 s1, s3;
	s3 =	simm.s32 $0x0  }
0x7: {  	s1 =	ssub.s32 $0x2, s1;
	s6 =	sshll.u32 s5, $0x6;
	[smem:$0x7FF] =	sst s3  }
0x8: {  	s7 =	sshrl.u32 s1, $0x1;
	s31 =	sshll.u32 s5, $0x10;
	s5 =	simm.s32 $0x0  }
0x9: {  	s6 =	sadd.s32 s0, s6;
	_ =	strace $0x80000047;
	s7 =	ssub.s32 s1, s7  }
0xa: {  	s10 =	sadd.s32 s4, s31;
	s1 =	simm.s32 $0x2;
	s24 =	sadd.s32 $0x10, s6  }
0xb: {  	s25 =	sadd.s32 $0x20, s6;
	[dreg:$0x4] =	wrdreg s6;
	s26 =	sadd.s32 $0x30, s6  }
0xc: {  	s12 =	sadd.s32 $0x10, s10;
	s13 =	sadd.s32 $0x20, s10;
	s14 =	sadd.s32 $0x30, s10  }
0xd: {  	s15 =	sadd.s32 $0x4000, s10;
	s16 =	sadd.s32 $0x4010, s10;
	s17 =	sadd.s32 $0x4020, s10  }
0xe: {  	s18 =	sadd.s32 $0x4030, s10;
	s19 =	sadd.s32 $0x8000, s10;
	s20 =	sadd.s32 $0x8010, s10  }
0xf: {  	s21 =	sadd.s32 $0x8020, s10;
	s22 =	sadd.s32 $0x8030, s10;
	[dreg:$0x5] =	wrdreg s24  }
0x10: {  	v2 =	vlaneseq.u32;
	s23 =	sadd.s32 $0xC000, s10;
	s0 =	smax.u32 s7, $0x1;
	[dreg:$0x6] =	wrdreg s25  }
0x11: {  	vm0 =	vmmov $0xffff;
	v1 =	vshrl.u32 v2, $0x3;
	s28 =	sadd.s32 $0xC030, s10;
	[dreg:$0x7] =	wrdreg s26;
	s24 =	sadd.s32 $0xC010, s10  }
0x12: {  	v0 =	vand.u32 $0x7, v2;
	v2 =	vor.u32 $0x8, v2;
	v1 =	vmul.u32 $0x8, v1;
	[dreg:$0x8] =	wrdreg s0;
	s26 =	sadd.s32 $0xC020, s10;
	s0 =	simm.s32 $0x1  }
.LBB2_1:
0x13: {  	[dreg:$0x9] =	wrdreg s5  }
0x14: {  	s4 =	rddreg [dreg:$0x4]  }
0x15: {  	[tilespmem:s3], [sflag:$0x2] =	stream.linear.gather [hbm4b:s4+s3], $0x80, $0x38;
	[tilespmem:$0x18200] =	vst v63  }
0x16: {  	s7 =	rddreg [dreg:$0x5]  }
0x17: {  	[tilespmem:s29], [sflag:$0x2] =	stream.linear.gather [hbm4b:s7+s3], $0x80, $0x38;
	[tilespmem:$0x18200] =	vst v63  }
0x18: {  	s25 =	rddreg [dreg:$0x6];
	s31 =	simm.s32 $0x100  }
0x19: {  	[tilespmem:s31], [sflag:$0x2] =	stream.linear.gather [hbm4b:s25+s3], $0x80, $0x38;
	[tilespmem:$0x18200] =	vst v63  }
0x1a: {  	s6 =	rddreg [dreg:$0x7];
	s7 =	simm.s32 $0x180  }
0x1b: {  	[tilespmem:s7], [sflag:$0x2] =	stream.linear.gather [hbm4b:s6+s3], $0x80, $0x38;
	[tilespmem:$0x18200] =	vst v63  }
0x1c: {  	_ =	swait.ge [sflag:s1], $0x80  }
0x1d: {  	[sflag:s1] =	ssyncset.done $0x0  }
0x1e: {  	[sflag:s1] =	ssyncadd.s32 $0xFFFFFF80  }
0x1f: {  	v3 =	vld [tilespmem:$0x0];
	_ =	sdelay $0x4  }
0x20: {  	v4 =	vshll.u32 v3, $0x3  }
0x21: {  	v3 =	vand.u32 $0x7, v3;
	v4 =	vand.u32 $0xFFFFFFC0, v4  }
0x22: {  	v3 =	vor.u32 v3, v4  }
0x23: {  	v4 =	vperm.xlane v3, v0;
	_ =	sdelay $0x1  }
0x24: {  	v4 =	vadd.s32 v1, v4;
	_ =	sdelay $0x3  }
0x25: {  	s25 =	simm.s32 $0x200  }
0x26: {  	[tilespmem:s25], [sflag:$0x1] =	stream.indirect_vreg.gather [hbm4b:s2+s3], $0x80, v4, vm0, $0xb8;
	[tilespmem:$0x18200] =	vst v63  }
0x27: {  	s31 =	simm.s32 $0xA00;
	v3 =	vperm.xlane v3, v2  }
0x28: {  	[tilespmem:s31], [sflag:$0x1] =	stream.indirect_vreg.gather [hbm4b:s8+s3], $0x80, v4, vm0, $0xb8;
	[tilespmem:$0x18200] =	vst v63  }
0x29: {  	s5 =	simm.s32 $0x1200;
	v3 =	vadd.s32 v1, v3  }
0x2a: {  	[tilespmem:s5], [sflag:$0x1] =	stream.indirect_vreg.gather [hbm4b:s9+s3], $0x80, v4, vm0, $0xb8;
	[tilespmem:$0x18200] =	vst v63  }
0x2b: {  	s6 =	simm.s32 $0x1A00  }
0x2c: {  	[tilespmem:s6], [sflag:$0x1] =	stream.indirect_vreg.gather [hbm4b:s11+s3], $0x80, v4, vm0, $0xb8;
	[tilespmem:$0x18200] =	vst v63  }
0x2d: {  	s7 =	simm.s32 $0x2200  }
0x2e: {  	[tilespmem:s7], [sflag:$0x1] =	stream.indirect_vreg.gather [hbm4b:s2+s3], $0x80, v3, vm0, $0xb8;
	[tilespmem:$0x18200] =	vst v63  }
0x2f: {  	s25 =	simm.s32 $0x2A00  }
0x30: {  	[tilespmem:s25], [sflag:$0x1] =	stream.indirect_vreg.gather [hbm4b:s8+s3], $0x80, v3, vm0, $0xb8;
	[tilespmem:$0x18200] =	vst v63  }
0x31: {  	s31 =	simm.s32 $0x3200  }
0x32: {  	[tilespmem:s31], [sflag:$0x1] =	stream.indirect_vreg.gather [hbm4b:s9+s3], $0x80, v3, vm0, $0xb8;
	[tilespmem:$0x18200] =	vst v63  }
0x33: {  	s5 =	simm.s32 $0x3A00  }
0x34: {  	[tilespmem:s5], [sflag:$0x1] =	stream.indirect_vreg.gather [hbm4b:s11+s3], $0x80, v3, vm0, $0xb8;
	[tilespmem:$0x18200] =	vst v63  }
0x35: {  	v3 =	vld [tilespmem:$0x10];
	_ =	sdelay $0x4  }
0x36: {  	v61 =	vshll.u32 v3, $0x3  }
0x37: {  	v3 =	vand.u32 $0x7, v3;
	v4 =	vand.u32 $0xFFFFFFC0, v61  }
0x38: {  	v3 =	vor.u32 v3, v4  }
0x39: {  	v4 =	vperm.xlane v3, v0;
	_ =	sdelay $0x1  }
0x3a: {  	v4 =	vadd.s32 v1, v4;
	_ =	sdelay $0x3  }
0x3b: {  	s6 =	simm.s32 $0x4200  }
0x3c: {  	[tilespmem:s6], [sflag:$0x1] =	stream.indirect_vreg.gather [hbm4b:s2+s3], $0x80, v4, vm0, $0xb8;
	[tilespmem:$0x18200] =	vst v63  }
0x3d: {  	s7 =	simm.s32 $0x4A00;
	v3 =	vperm.xlane v3, v2  }
0x3e: {  	[tilespmem:s7], [sflag:$0x1] =	stream.indirect_vreg.gather [hbm4b:s8+s3], $0x80, v4, vm0, $0xb8;
	[tilespmem:$0x18200] =	vst v63  }
0x3f: {  	s25 =	simm.s32 $0x5200;
	v3 =	vadd.s32 v1, v3  }
0x40: {  	[tilespmem:s25], [sflag:$0x1] =	stream.indirect_vreg.gather [hbm4b:s9+s3], $0x80, v4, vm0, $0xb8;
	[tilespmem:$0x18200] =	vst v63  }
0x41: {  	s31 =	simm.s32 $0x5A00  }
0x42: {  	[tilespmem:s31], [sflag:$0x1] =	stream.indirect_vreg.gather [hbm4b:s11+s3], $0x80, v4, vm0, $0xb8;
	[tilespmem:$0x18200] =	vst v63  }
0x43: {  	s5 =	simm.s32 $0x6200  }
0x44: {  	[tilespmem:s5], [sflag:$0x1] =	stream.indirect_vreg.gather [hbm4b:s2+s3], $0x80, v3, vm0, $0xb8;
	[tilespmem:$0x18200] =	vst v63  }
0x45: {  	s6 =	simm.s32 $0x6A00  }
0x46: {  	[tilespmem:s6], [sflag:$0x1] =	stream.indirect_vreg.gather [hbm4b:s8+s3], $0x80, v3, vm0, $0xb8;
	[tilespmem:$0x18200] =	vst v63  }
0x47: {  	s7 =	simm.s32 $0x7200  }
0x48: {  	[tilespmem:s7], [sflag:$0x1] =	stream.indirect_vreg.gather [hbm4b:s9+s3], $0x80, v3, vm0, $0xb8;
	[tilespmem:$0x18200] =	vst v63  }
0x49: {  	s25 =	simm.s32 $0x7A00  }
0x4a: {  	[tilespmem:s25], [sflag:$0x1] =	stream.indirect_vreg.gather [hbm4b:s11+s3], $0x80, v3, vm0, $0xb8;
	[tilespmem:$0x18200] =	vst v63  }
0x4b: {  	_ =	swait.ge [sflag:s1], $0x80  }
0x4c: {  	[sflag:s1] =	ssyncset.done $0x0  }
0x4d: {  	[sflag:s1] =	ssyncadd.s32 $0xFFFFFF80  }
0x4e: {  	v3 =	vld [tilespmem:$0x80];
	_ =	sdelay $0x4  }
0x4f: {  	v62 =	vshll.u32 v3, $0x3  }
0x50: {  	v3 =	vand.u32 $0x7, v3;
	v4 =	vand.u32 $0xFFFFFFC0, v62  }
0x51: {  	v3 =	vor.u32 v3, v4  }
0x52: {  	v4 =	vperm.xlane v3, v0;
	_ =	sdelay $0x1  }
0x53: {  	v4 =	vadd.s32 v1, v4;
	_ =	sdelay $0x3  }
0x54: {  	s31 =	simm.s32 $0x8200  }
0x55: {  	[tilespmem:s31], [sflag:$0x1] =	stream.indirect_vreg.gather [hbm4b:s2+s3], $0x80, v4, vm0, $0xb8;
	[tilespmem:$0x18200] =	vst v63  }
0x56: {  	s5 =	simm.s32 $0x8A00;
	v3 =	vperm.xlane v3, v2  }
0x57: {  	[tilespmem:s5], [sflag:$0x1] =	stream.indirect_vreg.gather [hbm4b:s8+s3], $0x80, v4, vm0, $0xb8;
	[tilespmem:$0x18200] =	vst v63  }
0x58: {  	s6 =	simm.s32 $0x9200;
	v3 =	vadd.s32 v1, v3  }
0x59: {  	[tilespmem:s6], [sflag:$0x1] =	stream.indirect_vreg.gather [hbm4b:s9+s3], $0x80, v4, vm0, $0xb8;
	[tilespmem:$0x18200] =	vst v63  }
0x5a: {  	s7 =	simm.s32 $0x9A00  }
0x5b: {  	[tilespmem:s7], [sflag:$0x1] =	stream.indirect_vreg.gather [hbm4b:s11+s3], $0x80, v4, vm0, $0xb8;
	[tilespmem:$0x18200] =	vst v63  }
0x5c: {  	s25 =	simm.s32 $0xA200  }
0x5d: {  	[tilespmem:s25], [sflag:$0x1] =	stream.indirect_vreg.gather [hbm4b:s2+s3], $0x80, v3, vm0, $0xb8;
	[tilespmem:$0x18200] =	vst v63  }
0x5e: {  	s31 =	simm.s32 $0xAA00  }
0x5f: {  	[tilespmem:s31], [sflag:$0x1] =	stream.indirect_vreg.gather [hbm4b:s8+s3], $0x80, v3, vm0, $0xb8;
	[tilespmem:$0x18200] =	vst v63  }
0x60: {  	s5 =	simm.s32 $0xB200  }
0x61: {  	[tilespmem:s5], [sflag:$0x1] =	stream.indirect_vreg.gather [hbm4b:s9+s3], $0x80, v3, vm0, $0xb8;
	[tilespmem:$0x18200] =	vst v63  }
0x62: {  	s6 =	simm.s32 $0xBA00  }
0x63: {  	[tilespmem:s6], [sflag:$0x1] =	stream.indirect_vreg.gather [hbm4b:s11+s3], $0x80, v3, vm0, $0xb8;
	[tilespmem:$0x18200] =	vst v63  }
0x64: {  	v3 =	vld [tilespmem:$0x90];
	_ =	sdelay $0x4  }
0x65: {  	v63 =	vshll.u32 v3, $0x3  }
0x66: {  	v3 =	vand.u32 $0x7, v3;
	v4 =	vand.u32 $0xFFFFFFC0, v63  }
0x67: {  	v3 =	vor.u32 v3, v4  }
0x68: {  	v4 =	vperm.xlane v3, v0;
	_ =	sdelay $0x1  }
0x69: {  	v4 =	vadd.s32 v1, v4;
	_ =	sdelay $0x3  }
0x6a: {  	s7 =	simm.s32 $0xC200  }
0x6b: {  	[tilespmem:s7], [sflag:$0x1] =	stream.indirect_vreg.gather [hbm4b:s2+s3], $0x80, v4, vm0, $0xb8;
	[tilespmem:$0x18200] =	vst v63  }
0x6c: {  	s25 =	simm.s32 $0xCA00;
	v3 =	vperm.xlane v3, v2  }
0x6d: {  	[tilespmem:s25], [sflag:$0x1] =	stream.indirect_vreg.gather [hbm4b:s8+s3], $0x80, v4, vm0, $0xb8;
	[tilespmem:$0x18200] =	vst v63  }
0x6e: {  	s31 =	simm.s32 $0xD200;
	v3 =	vadd.s32 v1, v3  }
0x6f: {  	[tilespmem:s31], [sflag:$0x1] =	stream.indirect_vreg.gather [hbm4b:s9+s3], $0x80, v4, vm0, $0xb8;
	[tilespmem:$0x18200] =	vst v63  }
0x70: {  	s5 =	simm.s32 $0xDA00  }
0x71: {  	[tilespmem:s5], [sflag:$0x1] =	stream.indirect_vreg.gather [hbm4b:s11+s3], $0x80, v4, vm0, $0xb8;
	[tilespmem:$0x18200] =	vst v63  }
0x72: {  	s6 =	simm.s32 $0xE200  }
0x73: {  	[tilespmem:s6], [sflag:$0x1] =	stream.indirect_vreg.gather [hbm4b:s2+s3], $0x80, v3, vm0, $0xb8;
	[tilespmem:$0x18200] =	vst v63  }
0x74: {  	s7 =	simm.s32 $0xEA00  }
0x75: {  	[tilespmem:s7], [sflag:$0x1] =	stream.indirect_vreg.gather [hbm4b:s8+s3], $0x80, v3, vm0, $0xb8;
	[tilespmem:$0x18200] =	vst v63  }
0x76: {  	s25 =	simm.s32 $0xF200  }
0x77: {  	[tilespmem:s25], [sflag:$0x1] =	stream.indirect_vreg.gather [hbm4b:s9+s3], $0x80, v3, vm0, $0xb8;
	[tilespmem:$0x18200] =	vst v63  }
0x78: {  	s31 =	simm.s32 $0xFA00  }
0x79: {  	[tilespmem:s31], [sflag:$0x1] =	stream.indirect_vreg.gather [hbm4b:s11+s3], $0x80, v3, vm0, $0xb8;
	[tilespmem:$0x18200] =	vst v63  }
0x7a: {  	_ =	swait.ge [sflag:s1], $0x80  }
0x7b: {  	[sflag:s1] =	ssyncset.done $0x0  }
0x7c: {  	[sflag:s1] =	ssyncadd.s32 $0xFFFFFF80  }
0x7d: {  	_ =	swait.ge [sflag:s1], $0x80  }
0x7e: {  	[sflag:s1] =	ssyncset.done $0x0  }
0x7f: {  	[sflag:s1] =	ssyncadd.s32 $0xFFFFFF80  }
0x80: {  	_ =	swait.ge [sflag:s0], $0x8000  }
0x81: {  	[sflag:s0] =	ssyncset.done $0x0  }
0x82: {  	s5 =	simm.s32 $0x200;
	[sflag:s0] =	ssyncadd.s32 $0xFFFF8000  }
0x83: {  	[hbm4b:s10+s29] =	stream.strided.scatter [tilespmem:s5], [sflag:$0x2], $0x400, s30, s29, $0x38;
	[tilespmem:$0x18200] =	vst v63  }
0x84: {  	s6 =	simm.s32 $0x600;
	s7 =	sadd.s32 $0x40, s10  }
0x85: {  	[hbm4b:s7+s29] =	stream.strided.scatter [tilespmem:s6], [sflag:$0x2], $0x400, s30, s29, $0x38;
	[tilespmem:$0x18200] =	vst v63  }
0x86: {  	s25 =	simm.s32 $0xA00;
	s31 =	sadd.s32 $0x80, s10  }
0x87: {  	[hbm4b:s31+s29] =	stream.strided.scatter [tilespmem:s25], [sflag:$0x2], $0x400, s30, s29, $0x38;
	[tilespmem:$0x18200] =	vst v63  }
0x88: {  	s6 =	simm.s32 $0xE00;
	s7 =	sadd.s32 $0xC0, s10  }
0x89: {  	[hbm4b:s7+s29] =	stream.strided.scatter [tilespmem:s6], [sflag:$0x2], $0x400, s30, s29, $0x38;
	[tilespmem:$0x18200] =	vst v63  }
0x8a: {  	s25 =	simm.s32 $0x1200;
	s31 =	sadd.s32 $0x100, s10  }
0x8b: {  	[hbm4b:s31+s29] =	stream.strided.scatter [tilespmem:s25], [sflag:$0x2], $0x400, s30, s29, $0x38;
	[tilespmem:$0x18200] =	vst v63  }
0x8c: {  	s4 =	sadd.s32 $0x1C0, s10;
	s6 =	simm.s32 $0x1600;
	s7 =	sadd.s32 $0x140, s10  }
0x8d: {  	[hbm4b:s7+s29] =	stream.strided.scatter [tilespmem:s6], [sflag:$0x2], $0x400, s30, s29, $0x38;
	[tilespmem:$0x18200] =	vst v63  }
0x8e: {  	s5 =	simm.s32 $0x2000;
	s25 =	simm.s32 $0x1A00;
	s31 =	sadd.s32 $0x180, s10  }
0x8f: {  	[hbm4b:s31+s29] =	stream.strided.scatter [tilespmem:s25], [sflag:$0x2], $0x400, s30, s29, $0x38;
	[tilespmem:$0x18200] =	vst v63  }
0x90: {  	s7 =	simm.s32 $0x10000;
	s6 =	sadd.s32 $0x1000, s10;
	s25 =	simm.s32 $0x1E00  }
.LBB2_2:
0x91: {  	[hbm4b:s4+s29] =	stream.strided.scatter [tilespmem:s25], [sflag:$0x2], $0x400, s30, s29, $0x38;
	[tilespmem:$0x18200] =	vst v63  }
0x92: {  	s4 =	smov.u32 s5;
	s5 =	smov.u32 s7  }
0x93: {  	s31 =	sadd.s32 $0x8000, s7;
	s5 =	sshra.s32 s5, $0x2;
	s25 =	sadd.s32 $0x200, s4  }
0x94: {  	[hbm4b:s6+s29] =	stream.strided.scatter [tilespmem:s25], [sflag:$0x2], $0x400, s30, s29, $0x38;
	[tilespmem:$0x18200] =	vst v63  }
0x95: {  	p0 =	sne.s32 s7, $0x18000;
	s7 =	sadd.s32 $0x600, s4;
	s25 =	sadd.s32 $0x40, s6  }
0x96: {  	[hbm4b:s25+s29] =	stream.strided.scatter [tilespmem:s7], [sflag:$0x2], $0x400, s30, s29, $0x38;
	[tilespmem:$0x18200] =	vst v63  }
0x97: {  	s7 =	sadd.s32 $0xA00, s4;
	s25 =	sadd.s32 $0x80, s6  }
0x98: {  	[hbm4b:s25+s29] =	stream.strided.scatter [tilespmem:s7], [sflag:$0x2], $0x400, s30, s29, $0x38;
	[tilespmem:$0x18200] =	vst v63  }
0x99: {  	s7 =	sadd.s32 $0xE00, s4;
	s25 =	sadd.s32 $0xC0, s6  }
0x9a: {  	[hbm4b:s25+s29] =	stream.strided.scatter [tilespmem:s7], [sflag:$0x2], $0x400, s30, s29, $0x38;
	[tilespmem:$0x18200] =	vst v63  }
0x9b: {  	s7 =	sadd.s32 $0x1200, s4;
	s25 =	sadd.s32 $0x100, s6  }
0x9c: {  	[hbm4b:s25+s29] =	stream.strided.scatter [tilespmem:s7], [sflag:$0x2], $0x400, s30, s29, $0x38;
	[tilespmem:$0x18200] =	vst v63  }
0x9d: {  	s7 =	sadd.s32 $0x1600, s4;
	s25 =	sadd.s32 $0x140, s6  }
0x9e: {  	[hbm4b:s25+s29] =	stream.strided.scatter [tilespmem:s7], [sflag:$0x2], $0x400, s30, s29, $0x38;
	[tilespmem:$0x18200] =	vst v63  }
.Ltmp0:
0x9f: {  	_ = 	snop;
	(pc) =	sbr.rel @p0 .LBB2_2-.Ltmp0, $4  }
0xa0: {  	s7 =	sadd.s32 $0x1A00, s4;
	s25 =	sadd.s32 $0x180, s6  }
0xa1: {  	[hbm4b:s25+s29] =	stream.strided.scatter [tilespmem:s7], [sflag:$0x2], $0x400, s30, s29, $0x38;
	[tilespmem:$0x18200] =	vst v63  }
0xa2: {  	s25 =	sadd.s32 $0x1E00, s4  }
0xa3: {  	s4 =	sadd.s32 $0x1C0, s6;
	s6 =	sadd.s32 $0x1000, s6;
	s7 =	smov.u32 s31  }
0xa4: {  	[hbm4b:s4+s29] =	stream.strided.scatter [tilespmem:s25], [sflag:$0x2], $0x400, s30, s29, $0x38;
	[tilespmem:$0x18200] =	vst v63  }
0xa5: {  	s25 =	sadd.s32 $0x200, s5  }
0xa6: {  	[hbm4b:s6+s29] =	stream.strided.scatter [tilespmem:s25], [sflag:$0x2], $0x400, s30, s29, $0x38;
	[tilespmem:$0x18200] =	vst v63  }
0xa7: {  	s31 =	sadd.s32 $0x600, s5;
	s7 =	sadd.s32 $0x40, s6  }
0xa8: {  	[hbm4b:s7+s29] =	stream.strided.scatter [tilespmem:s31], [sflag:$0x2], $0x400, s30, s29, $0x38;
	[tilespmem:$0x18200] =	vst v63  }
0xa9: {  	s25 =	sadd.s32 $0xA00, s5;
	s31 =	sadd.s32 $0x80, s6  }
0xaa: {  	[hbm4b:s31+s29] =	stream.strided.scatter [tilespmem:s25], [sflag:$0x2], $0x400, s30, s29, $0x38;
	[tilespmem:$0x18200] =	vst v63  }
0xab: {  	s25 =	sadd.s32 $0xE00, s5;
	s31 =	sadd.s32 $0xC0, s6  }
0xac: {  	[hbm4b:s31+s29] =	stream.strided.scatter [tilespmem:s25], [sflag:$0x2], $0x400, s30, s29, $0x38;
	[tilespmem:$0x18200] =	vst v63  }
0xad: {  	s25 =	sadd.s32 $0x1200, s5;
	s31 =	sadd.s32 $0x100, s6  }
0xae: {  	[hbm4b:s31+s29] =	stream.strided.scatter [tilespmem:s25], [sflag:$0x2], $0x400, s30, s29, $0x38;
	[tilespmem:$0x18200] =	vst v63  }
0xaf: {  	s25 =	sadd.s32 $0x1600, s5;
	s31 =	sadd.s32 $0x140, s6  }
0xb0: {  	[hbm4b:s31+s29] =	stream.strided.scatter [tilespmem:s25], [sflag:$0x2], $0x400, s30, s29, $0x38;
	[tilespmem:$0x18200] =	vst v63  }
0xb1: {  	s25 =	sadd.s32 $0x1A00, s5;
	s31 =	sadd.s32 $0x180, s6  }
0xb2: {  	[hbm4b:s31+s29] =	stream.strided.scatter [tilespmem:s25], [sflag:$0x2], $0x400, s30, s29, $0x38;
	[tilespmem:$0x18200] =	vst v63  }
0xb3: {  	s25 =	sadd.s32 $0x1E00, s5;
	s31 =	sadd.s32 $0x1C0, s6  }
0xb4: {  	[hbm4b:s31+s29] =	stream.strided.scatter [tilespmem:s25], [sflag:$0x2], $0x400, s30, s29, $0x38;
	[tilespmem:$0x18200] =	vst v63  }
0xb5: {  	v3 =	vld [tilespmem:$0x100];
	_ =	sdelay $0x4  }
0xb6: {  	v4 =	vshll.u32 v3, $0x3  }
0xb7: {  	v3 =	vand.u32 $0x7, v3;
	v4 =	vand.u32 $0xFFFFFFC0, v4  }
0xb8: {  	v3 =	vor.u32 v3, v4  }
0xb9: {  	v4 =	vperm.xlane v3, v0;
	_ =	sdelay $0x1  }
0xba: {  	v4 =	vadd.s32 v1, v4;
	_ =	sdelay $0x3  }
0xbb: {  	s4 =	simm.s32 $0x0;
	s6 =	simm.s32 $0x10200  }
0xbc: {  	[tilespmem:s6], [sflag:$0x1] =	stream.indirect_vreg.gather [hbm4b:s2+s4], $0x80, v4, vm0, $0xb8;
	[tilespmem:$0x18200] =	vst v63  }
0xbd: {  	s7 =	simm.s32 $0x10A00;
	v3 =	vperm.xlane v3, v2  }
0xbe: {  	[tilespmem:s7], [sflag:$0x1] =	stream.indirect_vreg.gather [hbm4b:s8+s4], $0x80, v4, vm0, $0xb8;
	[tilespmem:$0x18200] =	vst v63  }
0xbf: {  	s25 =	simm.s32 $0x11200;
	v3 =	vadd.s32 v1, v3  }
0xc0: {  	[tilespmem:s25], [sflag:$0x1] =	stream.indirect_vreg.gather [hbm4b:s9+s4], $0x80, v4, vm0, $0xb8;
	[tilespmem:$0x18200] =	vst v63  }
0xc1: {  	s31 =	simm.s32 $0x11A00  }
0xc2: {  	[tilespmem:s31], [sflag:$0x1] =	stream.indirect_vreg.gather [hbm4b:s11+s4], $0x80, v4, vm0, $0xb8;
	[tilespmem:$0x18200] =	vst v63  }
0xc3: {  	s6 =	simm.s32 $0x12200  }
0xc4: {  	[tilespmem:s6], [sflag:$0x1] =	stream.indirect_vreg.gather [hbm4b:s2+s4], $0x80, v3, vm0, $0xb8;
	[tilespmem:$0x18200] =	vst v63  }
0xc5: {  	s7 =	simm.s32 $0x12A00  }
0xc6: {  	[tilespmem:s7], [sflag:$0x1] =	stream.indirect_vreg.gather [hbm4b:s8+s4], $0x80, v3, vm0, $0xb8;
	[tilespmem:$0x18200] =	vst v63  }
0xc7: {  	s25 =	simm.s32 $0x13200  }
0xc8: {  	[tilespmem:s25], [sflag:$0x1] =	stream.indirect_vreg.gather [hbm4b:s9+s4], $0x80, v3, vm0, $0xb8;
	[tilespmem:$0x18200] =	vst v63  }
0xc9: {  	s31 =	simm.s32 $0x13A00  }
0xca: {  	[tilespmem:s31], [sflag:$0x1] =	stream.indirect_vreg.gather [hbm4b:s11+s4], $0x80, v3, vm0, $0xb8;
	[tilespmem:$0x18200] =	vst v63  }
0xcb: {  	v3 =	vld [tilespmem:$0x110];
	_ =	sdelay $0x4  }
0xcc: {  	v63 =	vshll.u32 v3, $0x3  }
0xcd: {  	v3 =	vand.u32 $0x7, v3;
	v4 =	vand.u32 $0xFFFFFFC0, v63  }
0xce: {  	v3 =	vor.u32 v3, v4  }
0xcf: {  	v4 =	vperm.xlane v3, v0;
	_ =	sdelay $0x1  }
0xd0: {  	v4 =	vadd.s32 v1, v4;
	_ =	sdelay $0x3  }
0xd1: {  	s6 =	simm.s32 $0x14200  }
0xd2: {  	[tilespmem:s6], [sflag:$0x1] =	stream.indirect_vreg.gather [hbm4b:s2+s4], $0x80, v4, vm0, $0xb8;
	[tilespmem:$0x18200] =	vst v63  }
0xd3: {  	s7 =	simm.s32 $0x14A00;
	v3 =	vperm.xlane v3, v2  }
0xd4: {  	[tilespmem:s7], [sflag:$0x1] =	stream.indirect_vreg.gather [hbm4b:s8+s4], $0x80, v4, vm0, $0xb8;
	[tilespmem:$0x18200] =	vst v63  }
0xd5: {  	s25 =	simm.s32 $0x15200;
	v3 =	vadd.s32 v1, v3  }
0xd6: {  	[tilespmem:s25], [sflag:$0x1] =	stream.indirect_vreg.gather [hbm4b:s9+s4], $0x80, v4, vm0, $0xb8;
	[tilespmem:$0x18200] =	vst v63  }
0xd7: {  	s31 =	simm.s32 $0x15A00  }
0xd8: {  	[tilespmem:s31], [sflag:$0x1] =	stream.indirect_vreg.gather [hbm4b:s11+s4], $0x80, v4, vm0, $0xb8;
	[tilespmem:$0x18200] =	vst v63  }
0xd9: {  	s6 =	simm.s32 $0x16200  }
0xda: {  	[tilespmem:s6], [sflag:$0x1] =	stream.indirect_vreg.gather [hbm4b:s2+s4], $0x80, v3, vm0, $0xb8;
	[tilespmem:$0x18200] =	vst v63  }
0xdb: {  	s7 =	simm.s32 $0x16A00  }
0xdc: {  	[tilespmem:s7], [sflag:$0x1] =	stream.indirect_vreg.gather [hbm4b:s8+s4], $0x80, v3, vm0, $0xb8;
	[tilespmem:$0x18200] =	vst v63  }
0xdd: {  	s25 =	simm.s32 $0x17200  }
0xde: {  	[tilespmem:s25], [sflag:$0x1] =	stream.indirect_vreg.gather [hbm4b:s9+s4], $0x80, v3, vm0, $0xb8;
	[tilespmem:$0x18200] =	vst v63  }
0xdf: {  	s31 =	simm.s32 $0x17A00  }
0xe0: {  	[tilespmem:s31], [sflag:$0x1] =	stream.indirect_vreg.gather [hbm4b:s11+s4], $0x80, v3, vm0, $0xb8;
	[tilespmem:$0x18200] =	vst v63  }
0xe1: {  	_ =	swait.ge [sflag:s0], $0x8000  }
0xe2: {  	[sflag:s0] =	ssyncset.done $0x0  }
0xe3: {  	s5 =	simm.s32 $0x8200;
	[sflag:s0] =	ssyncadd.s32 $0xFFFF8000  }
0xe4: {  	[hbm4b:s12+s29] =	stream.strided.scatter [tilespmem:s5], [sflag:$0x2], $0x400, s30, s29, $0x38;
	[tilespmem:$0x18200] =	vst v63  }
0xe5: {  	s6 =	simm.s32 $0x8600;
	s7 =	sadd.s32 $0x40, s12  }
0xe6: {  	[hbm4b:s7+s29] =	stream.strided.scatter [tilespmem:s6], [sflag:$0x2], $0x400, s30, s29, $0x38;
	[tilespmem:$0x18200] =	vst v63  }
0xe7: {  	s25 =	simm.s32 $0x8A00;
	s31 =	sadd.s32 $0x80, s12  }
0xe8: {  	[hbm4b:s31+s29] =	stream.strided.scatter [tilespmem:s25], [sflag:$0x2], $0x400, s30, s29, $0x38;
	[tilespmem:$0x18200] =	vst v63  }
0xe9: {  	s6 =	simm.s32 $0x8E00;
	s7 =	sadd.s32 $0xC0, s12  }
0xea: {  	[hbm4b:s7+s29] =	stream.strided.scatter [tilespmem:s6], [sflag:$0x2], $0x400, s30, s29, $0x38;
	[tilespmem:$0x18200] =	vst v63  }
0xeb: {  	s25 =	simm.s32 $0x9200;
	s31 =	sadd.s32 $0x100, s12  }
0xec: {  	[hbm4b:s31+s29] =	stream.strided.scatter [tilespmem:s25], [sflag:$0x2], $0x400, s30, s29, $0x38;
	[tilespmem:$0x18200] =	vst v63  }
0xed: {  	s4 =	sadd.s32 $0x1C0, s12;
	s6 =	simm.s32 $0x9600;
	s7 =	sadd.s32 $0x140, s12  }
0xee: {  	[hbm4b:s7+s29] =	stream.strided.scatter [tilespmem:s6], [sflag:$0x2], $0x400, s30, s29, $0x38;
	[tilespmem:$0x18200] =	vst v63  }
0xef: {  	s5 =	simm.s32 $0x2000;
	s25 =	simm.s32 $0x9A00;
	s31 =	sadd.s32 $0x180, s12  }
0xf0: {  	[hbm4b:s31+s29] =	stream.strided.scatter [tilespmem:s25], [sflag:$0x2], $0x400, s30, s29, $0x38;
	[tilespmem:$0x18200] =	vst v63  }
0xf1: {  	s7 =	simm.s32 $0x10000;
	s6 =	sadd.s32 $0x1000, s12;
	s25 =	simm.s32 $0x9E00  }
.LBB2_4:
0xf2: {  	[hbm4b:s4+s29] =	stream.strided.scatter [tilespmem:s25], [sflag:$0x2], $0x400, s30, s29, $0x38;
	[tilespmem:$0x18200] =	vst v63  }
0xf3: {  	s4 =	smov.u32 s5;
	s5 =	smov.u32 s7  }
0xf4: {  	s31 =	sadd.s32 $0x8000, s7;
	s5 =	sshra.s32 s5, $0x2;
	s25 =	sadd.s32 $0x8200, s4  }
0xf5: {  	[hbm4b:s6+s29] =	stream.strided.scatter [tilespmem:s25], [sflag:$0x2], $0x400, s30, s29, $0x38;
	[tilespmem:$0x18200] =	vst v63  }
0xf6: {  	p0 =	sne.s32 s7, $0x18000;
	s7 =	sadd.s32 $0x8600, s4;
	s25 =	sadd.s32 $0x40, s6  }
0xf7: {  	[hbm4b:s25+s29] =	stream.strided.scatter [tilespmem:s7], [sflag:$0x2], $0x400, s30, s29, $0x38;
	[tilespmem:$0x18200] =	vst v63  }
0xf8: {  	s7 =	sadd.s32 $0x8A00, s4;
	s25 =	sadd.s32 $0x80, s6  }
0xf9: {  	[hbm4b:s25+s29] =	stream.strided.scatter [tilespmem:s7], [sflag:$0x2], $0x400, s30, s29, $0x38;
	[tilespmem:$0x18200] =	vst v63  }
0xfa: {  	s7 =	sadd.s32 $0x8E00, s4;
	s25 =	sadd.s32 $0xC0, s6  }
0xfb: {  	[hbm4b:s25+s29] =	stream.strided.scatter [tilespmem:s7], [sflag:$0x2], $0x400, s30, s29, $0x38;
	[tilespmem:$0x18200] =	vst v63  }
0xfc: {  	s7 =	sadd.s32 $0x9200, s4;
	s25 =	sadd.s32 $0x100, s6  }
0xfd: {  	[hbm4b:s25+s29] =	stream.strided.scatter [tilespmem:s7], [sflag:$0x2], $0x400, s30, s29, $0x38;
	[tilespmem:$0x18200] =	vst v63  }
0xfe: {  	s7 =	sadd.s32 $0x9600, s4;
	s25 =	sadd.s32 $0x140, s6  }
0xff: {  	[hbm4b:s25+s29] =	stream.strided.scatter [tilespmem:s7], [sflag:$0x2], $0x400, s30, s29, $0x38;
	[tilespmem:$0x18200] =	vst v63  }
.Ltmp1:
0x100: {  	_ = 	snop;
	(pc) =	sbr.rel @p0 .LBB2_4-.Ltmp1, $4  }
0x101: {  	s7 =	sadd.s32 $0x9A00, s4;
	s25 =	sadd.s32 $0x180, s6  }
0x102: {  	[hbm4b:s25+s29] =	stream.strided.scatter [tilespmem:s7], [sflag:$0x2], $0x400, s30, s29, $0x38;
	[tilespmem:$0x18200] =	vst v63  }
0x103: {  	s25 =	sadd.s32 $0x9E00, s4  }
0x104: {  	s4 =	sadd.s32 $0x1C0, s6;
	s6 =	sadd.s32 $0x1000, s6;
	s7 =	smov.u32 s31  }
0x105: {  	[hbm4b:s4+s29] =	stream.strided.scatter [tilespmem:s25], [sflag:$0x2], $0x400, s30, s29, $0x38;
	[tilespmem:$0x18200] =	vst v63  }
0x106: {  	s25 =	sadd.s32 $0x8200, s5  }
0x107: {  	[hbm4b:s6+s29] =	stream.strided.scatter [tilespmem:s25], [sflag:$0x2], $0x400, s30, s29, $0x38;
	[tilespmem:$0x18200] =	vst v63  }
0x108: {  	s31 =	sadd.s32 $0x8600, s5;
	s7 =	sadd.s32 $0x40, s6  }
0x109: {  	[hbm4b:s7+s29] =	stream.strided.scatter [tilespmem:s31], [sflag:$0x2], $0x400, s30, s29, $0x38;
	[tilespmem:$0x18200] =	vst v63  }
0x10a: {  	s25 =	sadd.s32 $0x8A00, s5;
	s31 =	sadd.s32 $0x80, s6  }
0x10b: {  	[hbm4b:s31+s29] =	stream.strided.scatter [tilespmem:s25], [sflag:$0x2], $0x400, s30, s29, $0x38;
	[tilespmem:$0x18200] =	vst v63  }
0x10c: {  	s25 =	sadd.s32 $0x8E00, s5;
	s31 =	sadd.s32 $0xC0, s6  }
0x10d: {  	[hbm4b:s31+s29] =	stream.strided.scatter [tilespmem:s25], [sflag:$0x2], $0x400, s30, s29, $0x38;
	[tilespmem:$0x18200] =	vst v63  }
0x10e: {  	s25 =	sadd.s32 $0x9200, s5;
	s31 =	sadd.s32 $0x100, s6  }
0x10f: {  	[hbm4b:s31+s29] =	stream.strided.scatter [tilespmem:s25], [sflag:$0x2], $0x400, s30, s29, $0x38;
	[tilespmem:$0x18200] =	vst v63  }
0x110: {  	s25 =	sadd.s32 $0x9600, s5;
	s31 =	sadd.s32 $0x140, s6  }
0x111: {  	[hbm4b:s31+s29] =	stream.strided.scatter [tilespmem:s25], [sflag:$0x2], $0x400, s30, s29, $0x38;
	[tilespmem:$0x18200] =	vst v63  }
0x112: {  	s25 =	sadd.s32 $0x9A00, s5;
	s31 =	sadd.s32 $0x180, s6  }
0x113: {  	[hbm4b:s31+s29] =	stream.strided.scatter [tilespmem:s25], [sflag:$0x2], $0x400, s30, s29, $0x38;
	[tilespmem:$0x18200] =	vst v63  }
0x114: {  	s25 =	sadd.s32 $0x9E00, s5;
	s31 =	sadd.s32 $0x1C0, s6  }
0x115: {  	[hbm4b:s31+s29] =	stream.strided.scatter [tilespmem:s25], [sflag:$0x2], $0x400, s30, s29, $0x38;
	[tilespmem:$0x18200] =	vst v63  }
0x116: {  	_ =	swait.ge [sflag:s1], $0x8000  }
0x117: {  	[sflag:s1] =	ssyncset.done $0x0  }
0x118: {  	[sflag:s1] =	ssyncadd.s32 $0xFFFF8000  }
0x119: {  	v3 =	vld [tilespmem:$0x180];
	_ =	sdelay $0x4  }
0x11a: {  	v4 =	vshll.u32 v3, $0x3  }
0x11b: {  	v3 =	vand.u32 $0x7, v3;
	v4 =	vand.u32 $0xFFFFFFC0, v4  }
0x11c: {  	v3 =	vor.u32 v3, v4  }
0x11d: {  	v4 =	vperm.xlane v3, v0;
	_ =	sdelay $0x1  }
0x11e: {  	v4 =	vadd.s32 v1, v4;
	_ =	sdelay $0x3  }
0x11f: {  	s4 =	simm.s32 $0x0;
	s6 =	simm.s32 $0x200  }
0x120: {  	[tilespmem:s6], [sflag:$0x1] =	stream.indirect_vreg.gather [hbm4b:s2+s4], $0x80, v4, vm0, $0xb8;
	[tilespmem:$0x18200] =	vst v63  }
0x121: {  	s7 =	simm.s32 $0xA00;
	v3 =	vperm.xlane v3, v2  }
0x122: {  	[tilespmem:s7], [sflag:$0x1] =	stream.indirect_vreg.gather [hbm4b:s8+s4], $0x80, v4, vm0, $0xb8;
	[tilespmem:$0x18200] =	vst v63  }
0x123: {  	s25 =	simm.s32 $0x1200;
	v3 =	vadd.s32 v1, v3  }
0x124: {  	[tilespmem:s25], [sflag:$0x1] =	stream.indirect_vreg.gather [hbm4b:s9+s4], $0x80, v4, vm0, $0xb8;
	[tilespmem:$0x18200] =	vst v63  }
0x125: {  	s31 =	simm.s32 $0x1A00  }
0x126: {  	[tilespmem:s31], [sflag:$0x1] =	stream.indirect_vreg.gather [hbm4b:s11+s4], $0x80, v4, vm0, $0xb8;
	[tilespmem:$0x18200] =	vst v63  }
0x127: {  	s6 =	simm.s32 $0x2200  }
0x128: {  	[tilespmem:s6], [sflag:$0x1] =	stream.indirect_vreg.gather [hbm4b:s2+s4], $0x80, v3, vm0, $0xb8;
	[tilespmem:$0x18200] =	vst v63  }
0x129: {  	s7 =	simm.s32 $0x2A00  }
0x12a: {  	[tilespmem:s7], [sflag:$0x1] =	stream.indirect_vreg.gather [hbm4b:s8+s4], $0x80, v3, vm0, $0xb8;
	[tilespmem:$0x18200] =	vst v63  }
0x12b: {  	s25 =	simm.s32 $0x3200  }
0x12c: {  	[tilespmem:s25], [sflag:$0x1] =	stream.indirect_vreg.gather [hbm4b:s9+s4], $0x80, v3, vm0, $0xb8;
	[tilespmem:$0x18200] =	vst v63  }
0x12d: {  	s31 =	simm.s32 $0x3A00  }
0x12e: {  	[tilespmem:s31], [sflag:$0x1] =	stream.indirect_vreg.gather [hbm4b:s11+s4], $0x80, v3, vm0, $0xb8;
	[tilespmem:$0x18200] =	vst v63  }
0x12f: {  	v3 =	vld [tilespmem:$0x190];
	_ =	sdelay $0x4  }
0x130: {  	v63 =	vshll.u32 v3, $0x3  }
0x131: {  	v3 =	vand.u32 $0x7, v3;
	v4 =	vand.u32 $0xFFFFFFC0, v63  }
0x132: {  	v3 =	vor.u32 v3, v4  }
0x133: {  	v4 =	vperm.xlane v3, v0;
	_ =	sdelay $0x1  }
0x134: {  	v4 =	vadd.s32 v1, v4;
	_ =	sdelay $0x3  }
0x135: {  	s6 =	simm.s32 $0x4200  }
0x136: {  	[tilespmem:s6], [sflag:$0x1] =	stream.indirect_vreg.gather [hbm4b:s2+s4], $0x80, v4, vm0, $0xb8;
	[tilespmem:$0x18200] =	vst v63  }
0x137: {  	s7 =	simm.s32 $0x4A00;
	v3 =	vperm.xlane v3, v2  }
0x138: {  	[tilespmem:s7], [sflag:$0x1] =	stream.indirect_vreg.gather [hbm4b:s8+s4], $0x80, v4, vm0, $0xb8;
	[tilespmem:$0x18200] =	vst v63  }
0x139: {  	s25 =	simm.s32 $0x5200;
	v3 =	vadd.s32 v1, v3  }
0x13a: {  	[tilespmem:s25], [sflag:$0x1] =	stream.indirect_vreg.gather [hbm4b:s9+s4], $0x80, v4, vm0, $0xb8;
	[tilespmem:$0x18200] =	vst v63  }
0x13b: {  	s31 =	simm.s32 $0x5A00  }
0x13c: {  	[tilespmem:s31], [sflag:$0x1] =	stream.indirect_vreg.gather [hbm4b:s11+s4], $0x80, v4, vm0, $0xb8;
	[tilespmem:$0x18200] =	vst v63  }
0x13d: {  	s6 =	simm.s32 $0x6200  }
0x13e: {  	[tilespmem:s6], [sflag:$0x1] =	stream.indirect_vreg.gather [hbm4b:s2+s4], $0x80, v3, vm0, $0xb8;
	[tilespmem:$0x18200] =	vst v63  }
0x13f: {  	s7 =	simm.s32 $0x6A00  }
0x140: {  	[tilespmem:s7], [sflag:$0x1] =	stream.indirect_vreg.gather [hbm4b:s8+s4], $0x80, v3, vm0, $0xb8;
	[tilespmem:$0x18200] =	vst v63  }
0x141: {  	s25 =	simm.s32 $0x7200  }
0x142: {  	[tilespmem:s25], [sflag:$0x1] =	stream.indirect_vreg.gather [hbm4b:s9+s4], $0x80, v3, vm0, $0xb8;
	[tilespmem:$0x18200] =	vst v63  }
0x143: {  	s31 =	simm.s32 $0x7A00  }
0x144: {  	[tilespmem:s31], [sflag:$0x1] =	stream.indirect_vreg.gather [hbm4b:s11+s4], $0x80, v3, vm0, $0xb8;
	[tilespmem:$0x18200] =	vst v63  }
0x145: {  	_ =	swait.ge [sflag:s0], $0x8000  }
0x146: {  	[sflag:s0] =	ssyncset.done $0x0  }
0x147: {  	s5 =	simm.s32 $0x10200;
	[sflag:s0] =	ssyncadd.s32 $0xFFFF8000  }
0x148: {  	[hbm4b:s13+s29] =	stream.strided.scatter [tilespmem:s5], [sflag:$0x2], $0x400, s30, s29, $0x38;
	[tilespmem:$0x18200] =	vst v63  }
0x149: {  	s6 =	simm.s32 $0x10600;
	s7 =	sadd.s32 $0x40, s13  }
0x14a: {  	[hbm4b:s7+s29] =	stream.strided.scatter [tilespmem:s6], [sflag:$0x2], $0x400, s30, s29, $0x38;
	[tilespmem:$0x18200] =	vst v63  }
0x14b: {  	s25 =	simm.s32 $0x10A00;
	s31 =	sadd.s32 $0x80, s13  }
0x14c: {  	[hbm4b:s31+s29] =	stream.strided.scatter [tilespmem:s25], [sflag:$0x2], $0x400, s30, s29, $0x38;
	[tilespmem:$0x18200] =	vst v63  }
0x14d: {  	s6 =	simm.s32 $0x10E00;
	s7 =	sadd.s32 $0xC0, s13  }
0x14e: {  	[hbm4b:s7+s29] =	stream.strided.scatter [tilespmem:s6], [sflag:$0x2], $0x400, s30, s29, $0x38;
	[tilespmem:$0x18200] =	vst v63  }
0x14f: {  	s25 =	simm.s32 $0x11200;
	s31 =	sadd.s32 $0x100, s13  }
0x150: {  	[hbm4b:s31+s29] =	stream.strided.scatter [tilespmem:s25], [sflag:$0x2], $0x400, s30, s29, $0x38;
	[tilespmem:$0x18200] =	vst v63  }
0x151: {  	s4 =	sadd.s32 $0x1C0, s13;
	s6 =	simm.s32 $0x11600;
	s7 =	sadd.s32 $0x140, s13  }
0x152: {  	[hbm4b:s7+s29] =	stream.strided.scatter [tilespmem:s6], [sflag:$0x2], $0x400, s30, s29, $0x38;
	[tilespmem:$0x18200] =	vst v63  }
0x153: {  	s5 =	simm.s32 $0x2000;
	s25 =	simm.s32 $0x11A00;
	s31 =	sadd.s32 $0x180, s13  }
0x154: {  	[hbm4b:s31+s29] =	stream.strided.scatter [tilespmem:s25], [sflag:$0x2], $0x400, s30, s29, $0x38;
	[tilespmem:$0x18200] =	vst v63  }
0x155: {  	s7 =	simm.s32 $0x10000;
	s6 =	sadd.s32 $0x1000, s13;
	s25 =	simm.s32 $0x11E00  }
.LBB2_6:
0x156: {  	[hbm4b:s4+s29] =	stream.strided.scatter [tilespmem:s25], [sflag:$0x2], $0x400, s30, s29, $0x38;
	[tilespmem:$0x18200] =	vst v63  }
0x157: {  	s4 =	smov.u32 s5;
	s5 =	smov.u32 s7  }
0x158: {  	s31 =	sadd.s32 $0x8000, s7;
	s5 =	sshra.s32 s5, $0x2;
	s25 =	sadd.s32 $0x10200, s4  }
0x159: {  	[hbm4b:s6+s29] =	stream.strided.scatter [tilespmem:s25], [sflag:$0x2], $0x400, s30, s29, $0x38;
	[tilespmem:$0x18200] =	vst v63  }
0x15a: {  	p0 =	sne.s32 s7, $0x18000;
	s7 =	sadd.s32 $0x10600, s4;
	s25 =	sadd.s32 $0x40, s6  }
0x15b: {  	[hbm4b:s25+s29] =	stream.strided.scatter [tilespmem:s7], [sflag:$0x2], $0x400, s30, s29, $0x38;
	[tilespmem:$0x18200] =	vst v63  }
0x15c: {  	s7 =	sadd.s32 $0x10A00, s4;
	s25 =	sadd.s32 $0x80, s6  }
0x15d: {  	[hbm4b:s25+s29] =	stream.strided.scatter [tilespmem:s7], [sflag:$0x2], $0x400, s30, s29, $0x38;
	[tilespmem:$0x18200] =	vst v63  }
0x15e: {  	s7 =	sadd.s32 $0x10E00, s4;
	s25 =	sadd.s32 $0xC0, s6  }
0x15f: {  	[hbm4b:s25+s29] =	stream.strided.scatter [tilespmem:s7], [sflag:$0x2], $0x400, s30, s29, $0x38;
	[tilespmem:$0x18200] =	vst v63  }
0x160: {  	s7 =	sadd.s32 $0x11200, s4;
	s25 =	sadd.s32 $0x100, s6  }
0x161: {  	[hbm4b:s25+s29] =	stream.strided.scatter [tilespmem:s7], [sflag:$0x2], $0x400, s30, s29, $0x38;
	[tilespmem:$0x18200] =	vst v63  }
0x162: {  	s7 =	sadd.s32 $0x11600, s4;
	s25 =	sadd.s32 $0x140, s6  }
0x163: {  	[hbm4b:s25+s29] =	stream.strided.scatter [tilespmem:s7], [sflag:$0x2], $0x400, s30, s29, $0x38;
	[tilespmem:$0x18200] =	vst v63  }
.Ltmp2:
0x164: {  	_ = 	snop;
	(pc) =	sbr.rel @p0 .LBB2_6-.Ltmp2, $4  }
0x165: {  	s7 =	sadd.s32 $0x11A00, s4;
	s25 =	sadd.s32 $0x180, s6  }
0x166: {  	[hbm4b:s25+s29] =	stream.strided.scatter [tilespmem:s7], [sflag:$0x2], $0x400, s30, s29, $0x38;
	[tilespmem:$0x18200] =	vst v63  }
0x167: {  	s25 =	sadd.s32 $0x11E00, s4  }
0x168: {  	s4 =	sadd.s32 $0x1C0, s6;
	s6 =	sadd.s32 $0x1000, s6;
	s7 =	smov.u32 s31  }
0x169: {  	[hbm4b:s4+s29] =	stream.strided.scatter [tilespmem:s25], [sflag:$0x2], $0x400, s30, s29, $0x38;
	[tilespmem:$0x18200] =	vst v63  }
0x16a: {  	s25 =	sadd.s32 $0x10200, s5  }
0x16b: {  	[hbm4b:s6+s29] =	stream.strided.scatter [tilespmem:s25], [sflag:$0x2], $0x400, s30, s29, $0x38;
	[tilespmem:$0x18200] =	vst v63  }
0x16c: {  	s31 =	sadd.s32 $0x10600, s5;
	s7 =	sadd.s32 $0x40, s6  }
0x16d: {  	[hbm4b:s7+s29] =	stream.strided.scatter [tilespmem:s31], [sflag:$0x2], $0x400, s30, s29, $0x38;
	[tilespmem:$0x18200] =	vst v63  }
0x16e: {  	s25 =	sadd.s32 $0x10A00, s5;
	s31 =	sadd.s32 $0x80, s6  }
0x16f: {  	[hbm4b:s31+s29] =	stream.strided.scatter [tilespmem:s25], [sflag:$0x2], $0x400, s30, s29, $0x38;
	[tilespmem:$0x18200] =	vst v63  }
0x170: {  	s25 =	sadd.s32 $0x10E00, s5;
	s31 =	sadd.s32 $0xC0, s6  }
0x171: {  	[hbm4b:s31+s29] =	stream.strided.scatter [tilespmem:s25], [sflag:$0x2], $0x400, s30, s29, $0x38;
	[tilespmem:$0x18200] =	vst v63  }
0x172: {  	s25 =	sadd.s32 $0x11200, s5;
	s31 =	sadd.s32 $0x100, s6  }
0x173: {  	[hbm4b:s31+s29] =	stream.strided.scatter [tilespmem:s25], [sflag:$0x2], $0x400, s30, s29, $0x38;
	[tilespmem:$0x18200] =	vst v63  }
0x174: {  	s25 =	sadd.s32 $0x11600, s5;
	s31 =	sadd.s32 $0x140, s6  }
0x175: {  	[hbm4b:s31+s29] =	stream.strided.scatter [tilespmem:s25], [sflag:$0x2], $0x400, s30, s29, $0x38;
	[tilespmem:$0x18200] =	vst v63  }
0x176: {  	s25 =	sadd.s32 $0x11A00, s5;
	s31 =	sadd.s32 $0x180, s6  }
0x177: {  	[hbm4b:s31+s29] =	stream.strided.scatter [tilespmem:s25], [sflag:$0x2], $0x400, s30, s29, $0x38;
	[tilespmem:$0x18200] =	vst v63  }
0x178: {  	s25 =	sadd.s32 $0x11E00, s5;
	s31 =	sadd.s32 $0x1C0, s6  }
0x179: {  	[hbm4b:s31+s29] =	stream.strided.scatter [tilespmem:s25], [sflag:$0x2], $0x400, s30, s29, $0x38;
	[tilespmem:$0x18200] =	vst v63  }
0x17a: {  	_ =	swait.ge [sflag:s1], $0x8000  }
0x17b: {  	[sflag:s1] =	ssyncset.done $0x0  }
0x17c: {  	[sflag:s1] =	ssyncadd.s32 $0xFFFF8000  }
0x17d: {  	v3 =	vld [tilespmem:$0x20];
	_ =	sdelay $0x4  }
0x17e: {  	v4 =	vshll.u32 v3, $0x3  }
0x17f: {  	v3 =	vand.u32 $0x7, v3;
	v4 =	vand.u32 $0xFFFFFFC0, v4  }
0x180: {  	v3 =	vor.u32 v3, v4  }
0x181: {  	v4 =	vperm.xlane v3, v0;
	_ =	sdelay $0x1  }
0x182: {  	v4 =	vadd.s32 v1, v4;
	_ =	sdelay $0x3  }
0x183: {  	s4 =	simm.s32 $0x0;
	s6 =	simm.s32 $0x8200  }
0x184: {  	[tilespmem:s6], [sflag:$0x1] =	stream.indirect_vreg.gather [hbm4b:s2+s4], $0x80, v4, vm0, $0xb8;
	[tilespmem:$0x18200] =	vst v63  }
0x185: {  	s7 =	simm.s32 $0x8A00;
	v3 =	vperm.xlane v3, v2  }
0x186: {  	[tilespmem:s7], [sflag:$0x1] =	stream.indirect_vreg.gather [hbm4b:s8+s4], $0x80, v4, vm0, $0xb8;
	[tilespmem:$0x18200] =	vst v63  }
0x187: {  	s25 =	simm.s32 $0x9200;
	v3 =	vadd.s32 v1, v3  }
0x188: {  	[tilespmem:s25], [sflag:$0x1] =	stream.indirect_vreg.gather [hbm4b:s9+s4], $0x80, v4, vm0, $0xb8;
	[tilespmem:$0x18200] =	vst v63  }
0x189: {  	s31 =	simm.s32 $0x9A00  }
0x18a: {  	[tilespmem:s31], [sflag:$0x1] =	stream.indirect_vreg.gather [hbm4b:s11+s4], $0x80, v4, vm0, $0xb8;
	[tilespmem:$0x18200] =	vst v63  }
0x18b: {  	s6 =	simm.s32 $0xA200  }
0x18c: {  	[tilespmem:s6], [sflag:$0x1] =	stream.indirect_vreg.gather [hbm4b:s2+s4], $0x80, v3, vm0, $0xb8;
	[tilespmem:$0x18200] =	vst v63  }
0x18d: {  	s7 =	simm.s32 $0xAA00  }
0x18e: {  	[tilespmem:s7], [sflag:$0x1] =	stream.indirect_vreg.gather [hbm4b:s8+s4], $0x80, v3, vm0, $0xb8;
	[tilespmem:$0x18200] =	vst v63  }
0x18f: {  	s25 =	simm.s32 $0xB200  }
0x190: {  	[tilespmem:s25], [sflag:$0x1] =	stream.indirect_vreg.gather [hbm4b:s9+s4], $0x80, v3, vm0, $0xb8;
	[tilespmem:$0x18200] =	vst v63  }
0x191: {  	s31 =	simm.s32 $0xBA00  }
0x192: {  	[tilespmem:s31], [sflag:$0x1] =	stream.indirect_vreg.gather [hbm4b:s11+s4], $0x80, v3, vm0, $0xb8;
	[tilespmem:$0x18200] =	vst v63  }
0x193: {  	v3 =	vld [tilespmem:$0x30];
	_ =	sdelay $0x4  }
0x194: {  	v63 =	vshll.u32 v3, $0x3  }
0x195: {  	v3 =	vand.u32 $0x7, v3;
	v4 =	vand.u32 $0xFFFFFFC0, v63  }
0x196: {  	v3 =	vor.u32 v3, v4  }
0x197: {  	v4 =	vperm.xlane v3, v0;
	_ =	sdelay $0x1  }
0x198: {  	v4 =	vadd.s32 v1, v4;
	_ =	sdelay $0x3  }
0x199: {  	s6 =	simm.s32 $0xC200  }
0x19a: {  	[tilespmem:s6], [sflag:$0x1] =	stream.indirect_vreg.gather [hbm4b:s2+s4], $0x80, v4, vm0, $0xb8;
	[tilespmem:$0x18200] =	vst v63  }
0x19b: {  	s7 =	simm.s32 $0xCA00;
	v3 =	vperm.xlane v3, v2  }
0x19c: {  	[tilespmem:s7], [sflag:$0x1] =	stream.indirect_vreg.gather [hbm4b:s8+s4], $0x80, v4, vm0, $0xb8;
	[tilespmem:$0x18200] =	vst v63  }
0x19d: {  	s25 =	simm.s32 $0xD200;
	v3 =	vadd.s32 v1, v3  }
0x19e: {  	[tilespmem:s25], [sflag:$0x1] =	stream.indirect_vreg.gather [hbm4b:s9+s4], $0x80, v4, vm0, $0xb8;
	[tilespmem:$0x18200] =	vst v63  }
0x19f: {  	s31 =	simm.s32 $0xDA00  }
0x1a0: {  	[tilespmem:s31], [sflag:$0x1] =	stream.indirect_vreg.gather [hbm4b:s11+s4], $0x80, v4, vm0, $0xb8;
	[tilespmem:$0x18200] =	vst v63  }
0x1a1: {  	s6 =	simm.s32 $0xE200  }
0x1a2: {  	[tilespmem:s6], [sflag:$0x1] =	stream.indirect_vreg.gather [hbm4b:s2+s4], $0x80, v3, vm0, $0xb8;
	[tilespmem:$0x18200] =	vst v63  }
0x1a3: {  	s7 =	simm.s32 $0xEA00  }
0x1a4: {  	[tilespmem:s7], [sflag:$0x1] =	stream.indirect_vreg.gather [hbm4b:s8+s4], $0x80, v3, vm0, $0xb8;
	[tilespmem:$0x18200] =	vst v63  }
0x1a5: {  	s25 =	simm.s32 $0xF200  }
0x1a6: {  	[tilespmem:s25], [sflag:$0x1] =	stream.indirect_vreg.gather [hbm4b:s9+s4], $0x80, v3, vm0, $0xb8;
	[tilespmem:$0x18200] =	vst v63  }
0x1a7: {  	s31 =	simm.s32 $0xFA00  }
0x1a8: {  	[tilespmem:s31], [sflag:$0x1] =	stream.indirect_vreg.gather [hbm4b:s11+s4], $0x80, v3, vm0, $0xb8;
	[tilespmem:$0x18200] =	vst v63  }
0x1a9: {  	_ =	swait.ge [sflag:s0], $0x8000  }
0x1aa: {  	[sflag:s0] =	ssyncset.done $0x0  }
0x1ab: {  	s5 =	simm.s32 $0x200;
	[sflag:s0] =	ssyncadd.s32 $0xFFFF8000  }
0x1ac: {  	[hbm4b:s14+s29] =	stream.strided.scatter [tilespmem:s5], [sflag:$0x2], $0x400, s30, s29, $0x38;
	[tilespmem:$0x18200] =	vst v63  }
0x1ad: {  	s6 =	simm.s32 $0x600;
	s7 =	sadd.s32 $0x40, s14  }
0x1ae: {  	[hbm4b:s7+s29] =	stream.strided.scatter [tilespmem:s6], [sflag:$0x2], $0x400, s30, s29, $0x38;
	[tilespmem:$0x18200] =	vst v63  }
0x1af: {  	s25 =	simm.s32 $0xA00;
	s31 =	sadd.s32 $0x80, s14  }
0x1b0: {  	[hbm4b:s31+s29] =	stream.strided.scatter [tilespmem:s25], [sflag:$0x2], $0x400, s30, s29, $0x38;
	[tilespmem:$0x18200] =	vst v63  }
0x1b1: {  	s6 =	simm.s32 $0xE00;
	s7 =	sadd.s32 $0xC0, s14  }
0x1b2: {  	[hbm4b:s7+s29] =	stream.strided.scatter [tilespmem:s6], [sflag:$0x2], $0x400, s30, s29, $0x38;
	[tilespmem:$0x18200] =	vst v63  }
0x1b3: {  	s25 =	simm.s32 $0x1200;
	s31 =	sadd.s32 $0x100, s14  }
0x1b4: {  	[hbm4b:s31+s29] =	stream.strided.scatter [tilespmem:s25], [sflag:$0x2], $0x400, s30, s29, $0x38;
	[tilespmem:$0x18200] =	vst v63  }
0x1b5: {  	s4 =	sadd.s32 $0x1C0, s14;
	s6 =	simm.s32 $0x1600;
	s7 =	sadd.s32 $0x140, s14  }
0x1b6: {  	[hbm4b:s7+s29] =	stream.strided.scatter [tilespmem:s6], [sflag:$0x2], $0x400, s30, s29, $0x38;
	[tilespmem:$0x18200] =	vst v63  }
0x1b7: {  	s5 =	simm.s32 $0x2000;
	s25 =	simm.s32 $0x1A00;
	s31 =	sadd.s32 $0x180, s14  }
0x1b8: {  	[hbm4b:s31+s29] =	stream.strided.scatter [tilespmem:s25], [sflag:$0x2], $0x400, s30, s29, $0x38;
	[tilespmem:$0x18200] =	vst v63  }
0x1b9: {  	s7 =	simm.s32 $0x10000;
	s6 =	sadd.s32 $0x1000, s14;
	s25 =	simm.s32 $0x1E00  }
.LBB2_8:
0x1ba: {  	[hbm4b:s4+s29] =	stream.strided.scatter [tilespmem:s25], [sflag:$0x2], $0x400, s30, s29, $0x38;
	[tilespmem:$0x18200] =	vst v63  }
0x1bb: {  	s4 =	smov.u32 s5;
	s5 =	smov.u32 s7  }
0x1bc: {  	s31 =	sadd.s32 $0x8000, s7;
	s5 =	sshra.s32 s5, $0x2;
	s25 =	sadd.s32 $0x200, s4  }
0x1bd: {  	[hbm4b:s6+s29] =	stream.strided.scatter [tilespmem:s25], [sflag:$0x2], $0x400, s30, s29, $0x38;
	[tilespmem:$0x18200] =	vst v63  }
0x1be: {  	p0 =	sne.s32 s7, $0x18000;
	s7 =	sadd.s32 $0x600, s4;
	s25 =	sadd.s32 $0x40, s6  }
0x1bf: {  	[hbm4b:s25+s29] =	stream.strided.scatter [tilespmem:s7], [sflag:$0x2], $0x400, s30, s29, $0x38;
	[tilespmem:$0x18200] =	vst v63  }
0x1c0: {  	s7 =	sadd.s32 $0xA00, s4;
	s25 =	sadd.s32 $0x80, s6  }
0x1c1: {  	[hbm4b:s25+s29] =	stream.strided.scatter [tilespmem:s7], [sflag:$0x2], $0x400, s30, s29, $0x38;
	[tilespmem:$0x18200] =	vst v63  }
0x1c2: {  	s7 =	sadd.s32 $0xE00, s4;
	s25 =	sadd.s32 $0xC0, s6  }
0x1c3: {  	[hbm4b:s25+s29] =	stream.strided.scatter [tilespmem:s7], [sflag:$0x2], $0x400, s30, s29, $0x38;
	[tilespmem:$0x18200] =	vst v63  }
0x1c4: {  	s7 =	sadd.s32 $0x1200, s4;
	s25 =	sadd.s32 $0x100, s6  }
0x1c5: {  	[hbm4b:s25+s29] =	stream.strided.scatter [tilespmem:s7], [sflag:$0x2], $0x400, s30, s29, $0x38;
	[tilespmem:$0x18200] =	vst v63  }
0x1c6: {  	s7 =	sadd.s32 $0x1600, s4;
	s25 =	sadd.s32 $0x140, s6  }
0x1c7: {  	[hbm4b:s25+s29] =	stream.strided.scatter [tilespmem:s7], [sflag:$0x2], $0x400, s30, s29, $0x38;
	[tilespmem:$0x18200] =	vst v63  }
.Ltmp3:
0x1c8: {  	_ = 	snop;
	(pc) =	sbr.rel @p0 .LBB2_8-.Ltmp3, $4  }
0x1c9: {  	s7 =	sadd.s32 $0x1A00, s4;
	s25 =	sadd.s32 $0x180, s6  }
0x1ca: {  	[hbm4b:s25+s29] =	stream.strided.scatter [tilespmem:s7], [sflag:$0x2], $0x400, s30, s29, $0x38;
	[tilespmem:$0x18200] =	vst v63  }
0x1cb: {  	s25 =	sadd.s32 $0x1E00, s4  }
0x1cc: {  	s4 =	sadd.s32 $0x1C0, s6;
	s6 =	sadd.s32 $0x1000, s6;
	s7 =	smov.u32 s31  }
0x1cd: {  	[hbm4b:s4+s29] =	stream.strided.scatter [tilespmem:s25], [sflag:$0x2], $0x400, s30, s29, $0x38;
	[tilespmem:$0x18200] =	vst v63  }
0x1ce: {  	s25 =	sadd.s32 $0x200, s5  }
0x1cf: {  	[hbm4b:s6+s29] =	stream.strided.scatter [tilespmem:s25], [sflag:$0x2], $0x400, s30, s29, $0x38;
	[tilespmem:$0x18200] =	vst v63  }
0x1d0: {  	s31 =	sadd.s32 $0x600, s5;
	s7 =	sadd.s32 $0x40, s6  }
0x1d1: {  	[hbm4b:s7+s29] =	stream.strided.scatter [tilespmem:s31], [sflag:$0x2], $0x400, s30, s29, $0x38;
	[tilespmem:$0x18200] =	vst v63  }
0x1d2: {  	s25 =	sadd.s32 $0xA00, s5;
	s31 =	sadd.s32 $0x80, s6  }
0x1d3: {  	[hbm4b:s31+s29] =	stream.strided.scatter [tilespmem:s25], [sflag:$0x2], $0x400, s30, s29, $0x38;
	[tilespmem:$0x18200] =	vst v63  }
0x1d4: {  	s25 =	sadd.s32 $0xE00, s5;
	s31 =	sadd.s32 $0xC0, s6  }
0x1d5: {  	[hbm4b:s31+s29] =	stream.strided.scatter [tilespmem:s25], [sflag:$0x2], $0x400, s30, s29, $0x38;
	[tilespmem:$0x18200] =	vst v63  }
0x1d6: {  	s25 =	sadd.s32 $0x1200, s5;
	s31 =	sadd.s32 $0x100, s6  }
0x1d7: {  	[hbm4b:s31+s29] =	stream.strided.scatter [tilespmem:s25], [sflag:$0x2], $0x400, s30, s29, $0x38;
	[tilespmem:$0x18200] =	vst v63  }
0x1d8: {  	s25 =	sadd.s32 $0x1600, s5;
	s31 =	sadd.s32 $0x140, s6  }
0x1d9: {  	[hbm4b:s31+s29] =	stream.strided.scatter [tilespmem:s25], [sflag:$0x2], $0x400, s30, s29, $0x38;
	[tilespmem:$0x18200] =	vst v63  }
0x1da: {  	s25 =	sadd.s32 $0x1A00, s5;
	s31 =	sadd.s32 $0x180, s6  }
0x1db: {  	[hbm4b:s31+s29] =	stream.strided.scatter [tilespmem:s25], [sflag:$0x2], $0x400, s30, s29, $0x38;
	[tilespmem:$0x18200] =	vst v63  }
0x1dc: {  	s25 =	sadd.s32 $0x1E00, s5;
	s31 =	sadd.s32 $0x1C0, s6  }
0x1dd: {  	[hbm4b:s31+s29] =	stream.strided.scatter [tilespmem:s25], [sflag:$0x2], $0x400, s30, s29, $0x38;
	[tilespmem:$0x18200] =	vst v63  }
0x1de: {  	_ =	swait.ge [sflag:s1], $0x8000  }
0x1df: {  	[sflag:s1] =	ssyncset.done $0x0  }
0x1e0: {  	[sflag:s1] =	ssyncadd.s32 $0xFFFF8000  }
0x1e1: {  	v3 =	vld [tilespmem:$0xA0];
	_ =	sdelay $0x4  }
0x1e2: {  	v4 =	vshll.u32 v3, $0x3  }
0x1e3: {  	v3 =	vand.u32 $0x7, v3;
	v4 =	vand.u32 $0xFFFFFFC0, v4  }
0x1e4: {  	v3 =	vor.u32 v3, v4  }
0x1e5: {  	v4 =	vperm.xlane v3, v0;
	_ =	sdelay $0x1  }
0x1e6: {  	v4 =	vadd.s32 v1, v4;
	_ =	sdelay $0x3  }
0x1e7: {  	s4 =	simm.s32 $0x0;
	s6 =	simm.s32 $0x10200  }
0x1e8: {  	[tilespmem:s6], [sflag:$0x1] =	stream.indirect_vreg.gather [hbm4b:s2+s4], $0x80, v4, vm0, $0xb8;
	[tilespmem:$0x18200] =	vst v63  }
0x1e9: {  	s7 =	simm.s32 $0x10A00;
	v3 =	vperm.xlane v3, v2  }
0x1ea: {  	[tilespmem:s7], [sflag:$0x1] =	stream.indirect_vreg.gather [hbm4b:s8+s4], $0x80, v4, vm0, $0xb8;
	[tilespmem:$0x18200] =	vst v63  }
0x1eb: {  	s25 =	simm.s32 $0x11200;
	v3 =	vadd.s32 v1, v3  }
0x1ec: {  	[tilespmem:s25], [sflag:$0x1] =	stream.indirect_vreg.gather [hbm4b:s9+s4], $0x80, v4, vm0, $0xb8;
	[tilespmem:$0x18200] =	vst v63  }
0x1ed: {  	s31 =	simm.s32 $0x11A00  }
0x1ee: {  	[tilespmem:s31], [sflag:$0x1] =	stream.indirect_vreg.gather [hbm4b:s11+s4], $0x80, v4, vm0, $0xb8;
	[tilespmem:$0x18200] =	vst v63  }
0x1ef: {  	s6 =	simm.s32 $0x12200  }
0x1f0: {  	[tilespmem:s6], [sflag:$0x1] =	stream.indirect_vreg.gather [hbm4b:s2+s4], $0x80, v3, vm0, $0xb8;
	[tilespmem:$0x18200] =	vst v63  }
0x1f1: {  	s7 =	simm.s32 $0x12A00  }
0x1f2: {  	[tilespmem:s7], [sflag:$0x1] =	stream.indirect_vreg.gather [hbm4b:s8+s4], $0x80, v3, vm0, $0xb8;
	[tilespmem:$0x18200] =	vst v63  }
0x1f3: {  	s25 =	simm.s32 $0x13200  }
0x1f4: {  	[tilespmem:s25], [sflag:$0x1] =	stream.indirect_vreg.gather [hbm4b:s9+s4], $0x80, v3, vm0, $0xb8;
	[tilespmem:$0x18200] =	vst v63  }
0x1f5: {  	s31 =	simm.s32 $0x13A00  }
0x1f6: {  	[tilespmem:s31], [sflag:$0x1] =	stream.indirect_vreg.gather [hbm4b:s11+s4], $0x80, v3, vm0, $0xb8;
	[tilespmem:$0x18200] =	vst v63  }
0x1f7: {  	v3 =	vld [tilespmem:$0xB0];
	_ =	sdelay $0x4  }
0x1f8: {  	v63 =	vshll.u32 v3, $0x3  }
0x1f9: {  	v3 =	vand.u32 $0x7, v3;
	v4 =	vand.u32 $0xFFFFFFC0, v63  }
0x1fa: {  	v3 =	vor.u32 v3, v4  }
0x1fb: {  	v4 =	vperm.xlane v3, v0;
	_ =	sdelay $0x1  }
0x1fc: {  	v4 =	vadd.s32 v1, v4;
	_ =	sdelay $0x3  }
0x1fd: {  	s6 =	simm.s32 $0x14200  }
0x1fe: {  	[tilespmem:s6], [sflag:$0x1] =	stream.indirect_vreg.gather [hbm4b:s2+s4], $0x80, v4, vm0, $0xb8;
	[tilespmem:$0x18200] =	vst v63  }
0x1ff: {  	s7 =	simm.s32 $0x14A00;
	v3 =	vperm.xlane v3, v2  }
0x200: {  	[tilespmem:s7], [sflag:$0x1] =	stream.indirect_vreg.gather [hbm4b:s8+s4], $0x80, v4, vm0, $0xb8;
	[tilespmem:$0x18200] =	vst v63  }
0x201: {  	s25 =	simm.s32 $0x15200;
	v3 =	vadd.s32 v1, v3  }
0x202: {  	[tilespmem:s25], [sflag:$0x1] =	stream.indirect_vreg.gather [hbm4b:s9+s4], $0x80, v4, vm0, $0xb8;
	[tilespmem:$0x18200] =	vst v63  }
0x203: {  	s31 =	simm.s32 $0x15A00  }
0x204: {  	[tilespmem:s31], [sflag:$0x1] =	stream.indirect_vreg.gather [hbm4b:s11+s4], $0x80, v4, vm0, $0xb8;
	[tilespmem:$0x18200] =	vst v63  }
0x205: {  	s6 =	simm.s32 $0x16200  }
0x206: {  	[tilespmem:s6], [sflag:$0x1] =	stream.indirect_vreg.gather [hbm4b:s2+s4], $0x80, v3, vm0, $0xb8;
	[tilespmem:$0x18200] =	vst v63  }
0x207: {  	s7 =	simm.s32 $0x16A00  }
0x208: {  	[tilespmem:s7], [sflag:$0x1] =	stream.indirect_vreg.gather [hbm4b:s8+s4], $0x80, v3, vm0, $0xb8;
	[tilespmem:$0x18200] =	vst v63  }
0x209: {  	s25 =	simm.s32 $0x17200  }
0x20a: {  	[tilespmem:s25], [sflag:$0x1] =	stream.indirect_vreg.gather [hbm4b:s9+s4], $0x80, v3, vm0, $0xb8;
	[tilespmem:$0x18200] =	vst v63  }
0x20b: {  	s31 =	simm.s32 $0x17A00  }
0x20c: {  	[tilespmem:s31], [sflag:$0x1] =	stream.indirect_vreg.gather [hbm4b:s11+s4], $0x80, v3, vm0, $0xb8;
	[tilespmem:$0x18200] =	vst v63  }
0x20d: {  	_ =	swait.ge [sflag:s0], $0x8000  }
0x20e: {  	[sflag:s0] =	ssyncset.done $0x0  }
0x20f: {  	s5 =	simm.s32 $0x8200;
	[sflag:s0] =	ssyncadd.s32 $0xFFFF8000  }
0x210: {  	[hbm4b:s15+s29] =	stream.strided.scatter [tilespmem:s5], [sflag:$0x2], $0x400, s30, s29, $0x38;
	[tilespmem:$0x18200] =	vst v63  }
0x211: {  	s6 =	simm.s32 $0x8600;
	s7 =	sadd.s32 $0x40, s15  }
0x212: {  	[hbm4b:s7+s29] =	stream.strided.scatter [tilespmem:s6], [sflag:$0x2], $0x400, s30, s29, $0x38;
	[tilespmem:$0x18200] =	vst v63  }
0x213: {  	s25 =	simm.s32 $0x8A00;
	s31 =	sadd.s32 $0x80, s15  }
0x214: {  	[hbm4b:s31+s29] =	stream.strided.scatter [tilespmem:s25], [sflag:$0x2], $0x400, s30, s29, $0x38;
	[tilespmem:$0x18200] =	vst v63  }
0x215: {  	s6 =	simm.s32 $0x8E00;
	s7 =	sadd.s32 $0xC0, s15  }
0x216: {  	[hbm4b:s7+s29] =	stream.strided.scatter [tilespmem:s6], [sflag:$0x2], $0x400, s30, s29, $0x38;
	[tilespmem:$0x18200] =	vst v63  }
0x217: {  	s25 =	simm.s32 $0x9200;
	s31 =	sadd.s32 $0x100, s15  }
0x218: {  	[hbm4b:s31+s29] =	stream.strided.scatter [tilespmem:s25], [sflag:$0x2], $0x400, s30, s29, $0x38;
	[tilespmem:$0x18200] =	vst v63  }
0x219: {  	s4 =	sadd.s32 $0x1C0, s15;
	s6 =	simm.s32 $0x9600;
	s7 =	sadd.s32 $0x140, s15  }
0x21a: {  	[hbm4b:s7+s29] =	stream.strided.scatter [tilespmem:s6], [sflag:$0x2], $0x400, s30, s29, $0x38;
	[tilespmem:$0x18200] =	vst v63  }
0x21b: {  	s5 =	simm.s32 $0x2000;
	s25 =	simm.s32 $0x9A00;
	s31 =	sadd.s32 $0x180, s15  }
0x21c: {  	[hbm4b:s31+s29] =	stream.strided.scatter [tilespmem:s25], [sflag:$0x2], $0x400, s30, s29, $0x38;
	[tilespmem:$0x18200] =	vst v63  }
0x21d: {  	s7 =	simm.s32 $0x10000;
	s6 =	sadd.s32 $0x1000, s15;
	s25 =	simm.s32 $0x9E00  }
.LBB2_10:
0x21e: {  	[hbm4b:s4+s29] =	stream.strided.scatter [tilespmem:s25], [sflag:$0x2], $0x400, s30, s29, $0x38;
	[tilespmem:$0x18200] =	vst v63  }
0x21f: {  	s4 =	smov.u32 s5;
	s5 =	smov.u32 s7  }
0x220: {  	s31 =	sadd.s32 $0x8000, s7;
	s5 =	sshra.s32 s5, $0x2;
	s25 =	sadd.s32 $0x8200, s4  }
0x221: {  	[hbm4b:s6+s29] =	stream.strided.scatter [tilespmem:s25], [sflag:$0x2], $0x400, s30, s29, $0x38;
	[tilespmem:$0x18200] =	vst v63  }
0x222: {  	p0 =	sne.s32 s7, $0x18000;
	s7 =	sadd.s32 $0x8600, s4;
	s25 =	sadd.s32 $0x40, s6  }
0x223: {  	[hbm4b:s25+s29] =	stream.strided.scatter [tilespmem:s7], [sflag:$0x2], $0x400, s30, s29, $0x38;
	[tilespmem:$0x18200] =	vst v63  }
0x224: {  	s7 =	sadd.s32 $0x8A00, s4;
	s25 =	sadd.s32 $0x80, s6  }
0x225: {  	[hbm4b:s25+s29] =	stream.strided.scatter [tilespmem:s7], [sflag:$0x2], $0x400, s30, s29, $0x38;
	[tilespmem:$0x18200] =	vst v63  }
0x226: {  	s7 =	sadd.s32 $0x8E00, s4;
	s25 =	sadd.s32 $0xC0, s6  }
0x227: {  	[hbm4b:s25+s29] =	stream.strided.scatter [tilespmem:s7], [sflag:$0x2], $0x400, s30, s29, $0x38;
	[tilespmem:$0x18200] =	vst v63  }
0x228: {  	s7 =	sadd.s32 $0x9200, s4;
	s25 =	sadd.s32 $0x100, s6  }
0x229: {  	[hbm4b:s25+s29] =	stream.strided.scatter [tilespmem:s7], [sflag:$0x2], $0x400, s30, s29, $0x38;
	[tilespmem:$0x18200] =	vst v63  }
0x22a: {  	s7 =	sadd.s32 $0x9600, s4;
	s25 =	sadd.s32 $0x140, s6  }
0x22b: {  	[hbm4b:s25+s29] =	stream.strided.scatter [tilespmem:s7], [sflag:$0x2], $0x400, s30, s29, $0x38;
	[tilespmem:$0x18200] =	vst v63  }
.Ltmp4:
0x22c: {  	_ = 	snop;
	(pc) =	sbr.rel @p0 .LBB2_10-.Ltmp4, $4  }
0x22d: {  	s7 =	sadd.s32 $0x9A00, s4;
	s25 =	sadd.s32 $0x180, s6  }
0x22e: {  	[hbm4b:s25+s29] =	stream.strided.scatter [tilespmem:s7], [sflag:$0x2], $0x400, s30, s29, $0x38;
	[tilespmem:$0x18200] =	vst v63  }
0x22f: {  	s25 =	sadd.s32 $0x9E00, s4  }
0x230: {  	s4 =	sadd.s32 $0x1C0, s6;
	s6 =	sadd.s32 $0x1000, s6;
	s7 =	smov.u32 s31  }
0x231: {  	[hbm4b:s4+s29] =	stream.strided.scatter [tilespmem:s25], [sflag:$0x2], $0x400, s30, s29, $0x38;
	[tilespmem:$0x18200] =	vst v63  }
0x232: {  	s25 =	sadd.s32 $0x8200, s5  }
0x233: {  	[hbm4b:s6+s29] =	stream.strided.scatter [tilespmem:s25], [sflag:$0x2], $0x400, s30, s29, $0x38;
	[tilespmem:$0x18200] =	vst v63  }
0x234: {  	s31 =	sadd.s32 $0x8600, s5;
	s7 =	sadd.s32 $0x40, s6  }
0x235: {  	[hbm4b:s7+s29] =	stream.strided.scatter [tilespmem:s31], [sflag:$0x2], $0x400, s30, s29, $0x38;
	[tilespmem:$0x18200] =	vst v63  }
0x236: {  	s25 =	sadd.s32 $0x8A00, s5;
	s31 =	sadd.s32 $0x80, s6  }
0x237: {  	[hbm4b:s31+s29] =	stream.strided.scatter [tilespmem:s25], [sflag:$0x2], $0x400, s30, s29, $0x38;
	[tilespmem:$0x18200] =	vst v63  }
0x238: {  	s25 =	sadd.s32 $0x8E00, s5;
	s31 =	sadd.s32 $0xC0, s6  }
0x239: {  	[hbm4b:s31+s29] =	stream.strided.scatter [tilespmem:s25], [sflag:$0x2], $0x400, s30, s29, $0x38;
	[tilespmem:$0x18200] =	vst v63  }
0x23a: {  	s25 =	sadd.s32 $0x9200, s5;
	s31 =	sadd.s32 $0x100, s6  }
0x23b: {  	[hbm4b:s31+s29] =	stream.strided.scatter [tilespmem:s25], [sflag:$0x2], $0x400, s30, s29, $0x38;
	[tilespmem:$0x18200] =	vst v63  }
0x23c: {  	s25 =	sadd.s32 $0x9600, s5;
	s31 =	sadd.s32 $0x140, s6  }
0x23d: {  	[hbm4b:s31+s29] =	stream.strided.scatter [tilespmem:s25], [sflag:$0x2], $0x400, s30, s29, $0x38;
	[tilespmem:$0x18200] =	vst v63  }
0x23e: {  	s25 =	sadd.s32 $0x9A00, s5;
	s31 =	sadd.s32 $0x180, s6  }
0x23f: {  	[hbm4b:s31+s29] =	stream.strided.scatter [tilespmem:s25], [sflag:$0x2], $0x400, s30, s29, $0x38;
	[tilespmem:$0x18200] =	vst v63  }
0x240: {  	s25 =	sadd.s32 $0x9E00, s5;
	s31 =	sadd.s32 $0x1C0, s6  }
0x241: {  	[hbm4b:s31+s29] =	stream.strided.scatter [tilespmem:s25], [sflag:$0x2], $0x400, s30, s29, $0x38;
	[tilespmem:$0x18200] =	vst v63  }
0x242: {  	_ =	swait.ge [sflag:s1], $0x8000  }
0x243: {  	[sflag:s1] =	ssyncset.done $0x0  }
0x244: {  	[sflag:s1] =	ssyncadd.s32 $0xFFFF8000  }
0x245: {  	v3 =	vld [tilespmem:$0x120];
	_ =	sdelay $0x4  }
0x246: {  	v4 =	vshll.u32 v3, $0x3  }
0x247: {  	v3 =	vand.u32 $0x7, v3;
	v4 =	vand.u32 $0xFFFFFFC0, v4  }
0x248: {  	v3 =	vor.u32 v3, v4  }
0x249: {  	v4 =	vperm.xlane v3, v0;
	_ =	sdelay $0x1  }
0x24a: {  	v4 =	vadd.s32 v1, v4;
	_ =	sdelay $0x3  }
0x24b: {  	s4 =	simm.s32 $0x0;
	s6 =	simm.s32 $0x200  }
0x24c: {  	[tilespmem:s6], [sflag:$0x1] =	stream.indirect_vreg.gather [hbm4b:s2+s4], $0x80, v4, vm0, $0xb8;
	[tilespmem:$0x18200] =	vst v63  }
0x24d: {  	s7 =	simm.s32 $0xA00;
	v3 =	vperm.xlane v3, v2  }
0x24e: {  	[tilespmem:s7], [sflag:$0x1] =	stream.indirect_vreg.gather [hbm4b:s8+s4], $0x80, v4, vm0, $0xb8;
	[tilespmem:$0x18200] =	vst v63  }
0x24f: {  	s25 =	simm.s32 $0x1200;
	v3 =	vadd.s32 v1, v3  }
0x250: {  	[tilespmem:s25], [sflag:$0x1] =	stream.indirect_vreg.gather [hbm4b:s9+s4], $0x80, v4, vm0, $0xb8;
	[tilespmem:$0x18200] =	vst v63  }
0x251: {  	s31 =	simm.s32 $0x1A00  }
0x252: {  	[tilespmem:s31], [sflag:$0x1] =	stream.indirect_vreg.gather [hbm4b:s11+s4], $0x80, v4, vm0, $0xb8;
	[tilespmem:$0x18200] =	vst v63  }
0x253: {  	s6 =	simm.s32 $0x2200  }
0x254: {  	[tilespmem:s6], [sflag:$0x1] =	stream.indirect_vreg.gather [hbm4b:s2+s4], $0x80, v3, vm0, $0xb8;
	[tilespmem:$0x18200] =	vst v63  }
0x255: {  	s7 =	simm.s32 $0x2A00  }
0x256: {  	[tilespmem:s7], [sflag:$0x1] =	stream.indirect_vreg.gather [hbm4b:s8+s4], $0x80, v3, vm0, $0xb8;
	[tilespmem:$0x18200] =	vst v63  }
0x257: {  	s25 =	simm.s32 $0x3200  }
0x258: {  	[tilespmem:s25], [sflag:$0x1] =	stream.indirect_vreg.gather [hbm4b:s9+s4], $0x80, v3, vm0, $0xb8;
	[tilespmem:$0x18200] =	vst v63  }
0x259: {  	s31 =	simm.s32 $0x3A00  }
0x25a: {  	[tilespmem:s31], [sflag:$0x1] =	stream.indirect_vreg.gather [hbm4b:s11+s4], $0x80, v3, vm0, $0xb8;
	[tilespmem:$0x18200] =	vst v63  }
0x25b: {  	v3 =	vld [tilespmem:$0x130];
	_ =	sdelay $0x4  }
0x25c: {  	v63 =	vshll.u32 v3, $0x3  }
0x25d: {  	v3 =	vand.u32 $0x7, v3;
	v4 =	vand.u32 $0xFFFFFFC0, v63  }
0x25e: {  	v3 =	vor.u32 v3, v4  }
0x25f: {  	v4 =	vperm.xlane v3, v0;
	_ =	sdelay $0x1  }
0x260: {  	v4 =	vadd.s32 v1, v4;
	_ =	sdelay $0x3  }
0x261: {  	s6 =	simm.s32 $0x4200  }
0x262: {  	[tilespmem:s6], [sflag:$0x1] =	stream.indirect_vreg.gather [hbm4b:s2+s4], $0x80, v4, vm0, $0xb8;
	[tilespmem:$0x18200] =	vst v63  }
0x263: {  	s7 =	simm.s32 $0x4A00;
	v3 =	vperm.xlane v3, v2  }
0x264: {  	[tilespmem:s7], [sflag:$0x1] =	stream.indirect_vreg.gather [hbm4b:s8+s4], $0x80, v4, vm0, $0xb8;
	[tilespmem:$0x18200] =	vst v63  }
0x265: {  	s25 =	simm.s32 $0x5200;
	v3 =	vadd.s32 v1, v3  }
0x266: {  	[tilespmem:s25], [sflag:$0x1] =	stream.indirect_vreg.gather [hbm4b:s9+s4], $0x80, v4, vm0, $0xb8;
	[tilespmem:$0x18200] =	vst v63  }
0x267: {  	s31 =	simm.s32 $0x5A00  }
0x268: {  	[tilespmem:s31], [sflag:$0x1] =	stream.indirect_vreg.gather [hbm4b:s11+s4], $0x80, v4, vm0, $0xb8;
	[tilespmem:$0x18200] =	vst v63  }
0x269: {  	s6 =	simm.s32 $0x6200  }
0x26a: {  	[tilespmem:s6], [sflag:$0x1] =	stream.indirect_vreg.gather [hbm4b:s2+s4], $0x80, v3, vm0, $0xb8;
	[tilespmem:$0x18200] =	vst v63  }
0x26b: {  	s7 =	simm.s32 $0x6A00  }
0x26c: {  	[tilespmem:s7], [sflag:$0x1] =	stream.indirect_vreg.gather [hbm4b:s8+s4], $0x80, v3, vm0, $0xb8;
	[tilespmem:$0x18200] =	vst v63  }
0x26d: {  	s25 =	simm.s32 $0x7200  }
0x26e: {  	[tilespmem:s25], [sflag:$0x1] =	stream.indirect_vreg.gather [hbm4b:s9+s4], $0x80, v3, vm0, $0xb8;
	[tilespmem:$0x18200] =	vst v63  }
0x26f: {  	s31 =	simm.s32 $0x7A00  }
0x270: {  	[tilespmem:s31], [sflag:$0x1] =	stream.indirect_vreg.gather [hbm4b:s11+s4], $0x80, v3, vm0, $0xb8;
	[tilespmem:$0x18200] =	vst v63  }
0x271: {  	_ =	swait.ge [sflag:s0], $0x8000  }
0x272: {  	[sflag:s0] =	ssyncset.done $0x0  }
0x273: {  	s5 =	simm.s32 $0x10200;
	[sflag:s0] =	ssyncadd.s32 $0xFFFF8000  }
0x274: {  	[hbm4b:s16+s29] =	stream.strided.scatter [tilespmem:s5], [sflag:$0x2], $0x400, s30, s29, $0x38;
	[tilespmem:$0x18200] =	vst v63  }
0x275: {  	s6 =	simm.s32 $0x10600;
	s7 =	sadd.s32 $0x40, s16  }
0x276: {  	[hbm4b:s7+s29] =	stream.strided.scatter [tilespmem:s6], [sflag:$0x2], $0x400, s30, s29, $0x38;
	[tilespmem:$0x18200] =	vst v63  }
0x277: {  	s25 =	simm.s32 $0x10A00;
	s31 =	sadd.s32 $0x80, s16  }
0x278: {  	[hbm4b:s31+s29] =	stream.strided.scatter [tilespmem:s25], [sflag:$0x2], $0x400, s30, s29, $0x38;
	[tilespmem:$0x18200] =	vst v63  }
0x279: {  	s6 =	simm.s32 $0x10E00;
	s7 =	sadd.s32 $0xC0, s16  }
0x27a: {  	[hbm4b:s7+s29] =	stream.strided.scatter [tilespmem:s6], [sflag:$0x2], $0x400, s30, s29, $0x38;
	[tilespmem:$0x18200] =	vst v63  }
0x27b: {  	s25 =	simm.s32 $0x11200;
	s31 =	sadd.s32 $0x100, s16  }
0x27c: {  	[hbm4b:s31+s29] =	stream.strided.scatter [tilespmem:s25], [sflag:$0x2], $0x400, s30, s29, $0x38;
	[tilespmem:$0x18200] =	vst v63  }
0x27d: {  	s4 =	sadd.s32 $0x1C0, s16;
	s6 =	simm.s32 $0x11600;
	s7 =	sadd.s32 $0x140, s16  }
0x27e: {  	[hbm4b:s7+s29] =	stream.strided.scatter [tilespmem:s6], [sflag:$0x2], $0x400, s30, s29, $0x38;
	[tilespmem:$0x18200] =	vst v63  }
0x27f: {  	s5 =	simm.s32 $0x2000;
	s25 =	simm.s32 $0x11A00;
	s31 =	sadd.s32 $0x180, s16  }
0x280: {  	[hbm4b:s31+s29] =	stream.strided.scatter [tilespmem:s25], [sflag:$0x2], $0x400, s30, s29, $0x38;
	[tilespmem:$0x18200] =	vst v63  }
0x281: {  	s7 =	simm.s32 $0x10000;
	s6 =	sadd.s32 $0x1000, s16;
	s25 =	simm.s32 $0x11E00  }
.LBB2_12:
0x282: {  	[hbm4b:s4+s29] =	stream.strided.scatter [tilespmem:s25], [sflag:$0x2], $0x400, s30, s29, $0x38;
	[tilespmem:$0x18200] =	vst v63  }
0x283: {  	s4 =	smov.u32 s5;
	s5 =	smov.u32 s7  }
0x284: {  	s31 =	sadd.s32 $0x8000, s7;
	s5 =	sshra.s32 s5, $0x2;
	s25 =	sadd.s32 $0x10200, s4  }
0x285: {  	[hbm4b:s6+s29] =	stream.strided.scatter [tilespmem:s25], [sflag:$0x2], $0x400, s30, s29, $0x38;
	[tilespmem:$0x18200] =	vst v63  }
0x286: {  	p0 =	sne.s32 s7, $0x18000;
	s7 =	sadd.s32 $0x10600, s4;
	s25 =	sadd.s32 $0x40, s6  }
0x287: {  	[hbm4b:s25+s29] =	stream.strided.scatter [tilespmem:s7], [sflag:$0x2], $0x400, s30, s29, $0x38;
	[tilespmem:$0x18200] =	vst v63  }
0x288: {  	s7 =	sadd.s32 $0x10A00, s4;
	s25 =	sadd.s32 $0x80, s6  }
0x289: {  	[hbm4b:s25+s29] =	stream.strided.scatter [tilespmem:s7], [sflag:$0x2], $0x400, s30, s29, $0x38;
	[tilespmem:$0x18200] =	vst v63  }
0x28a: {  	s7 =	sadd.s32 $0x10E00, s4;
	s25 =	sadd.s32 $0xC0, s6  }
0x28b: {  	[hbm4b:s25+s29] =	stream.strided.scatter [tilespmem:s7], [sflag:$0x2], $0x400, s30, s29, $0x38;
	[tilespmem:$0x18200] =	vst v63  }
0x28c: {  	s7 =	sadd.s32 $0x11200, s4;
	s25 =	sadd.s32 $0x100, s6  }
0x28d: {  	[hbm4b:s25+s29] =	stream.strided.scatter [tilespmem:s7], [sflag:$0x2], $0x400, s30, s29, $0x38;
	[tilespmem:$0x18200] =	vst v63  }
0x28e: {  	s7 =	sadd.s32 $0x11600, s4;
	s25 =	sadd.s32 $0x140, s6  }
0x28f: {  	[hbm4b:s25+s29] =	stream.strided.scatter [tilespmem:s7], [sflag:$0x2], $0x400, s30, s29, $0x38;
	[tilespmem:$0x18200] =	vst v63  }
.Ltmp5:
0x290: {  	_ = 	snop;
	(pc) =	sbr.rel @p0 .LBB2_12-.Ltmp5, $4  }
0x291: {  	s7 =	sadd.s32 $0x11A00, s4;
	s25 =	sadd.s32 $0x180, s6  }
0x292: {  	[hbm4b:s25+s29] =	stream.strided.scatter [tilespmem:s7], [sflag:$0x2], $0x400, s30, s29, $0x38;
	[tilespmem:$0x18200] =	vst v63  }
0x293: {  	s25 =	sadd.s32 $0x11E00, s4  }
0x294: {  	s4 =	sadd.s32 $0x1C0, s6;
	s6 =	sadd.s32 $0x1000, s6;
	s7 =	smov.u32 s31  }
0x295: {  	[hbm4b:s4+s29] =	stream.strided.scatter [tilespmem:s25], [sflag:$0x2], $0x400, s30, s29, $0x38;
	[tilespmem:$0x18200] =	vst v63  }
0x296: {  	s25 =	sadd.s32 $0x10200, s5  }
0x297: {  	[hbm4b:s6+s29] =	stream.strided.scatter [tilespmem:s25], [sflag:$0x2], $0x400, s30, s29, $0x38;
	[tilespmem:$0x18200] =	vst v63  }
0x298: {  	s31 =	sadd.s32 $0x10600, s5;
	s7 =	sadd.s32 $0x40, s6  }
0x299: {  	[hbm4b:s7+s29] =	stream.strided.scatter [tilespmem:s31], [sflag:$0x2], $0x400, s30, s29, $0x38;
	[tilespmem:$0x18200] =	vst v63  }
0x29a: {  	s25 =	sadd.s32 $0x10A00, s5;
	s31 =	sadd.s32 $0x80, s6  }
0x29b: {  	[hbm4b:s31+s29] =	stream.strided.scatter [tilespmem:s25], [sflag:$0x2], $0x400, s30, s29, $0x38;
	[tilespmem:$0x18200] =	vst v63  }
0x29c: {  	s25 =	sadd.s32 $0x10E00, s5;
	s31 =	sadd.s32 $0xC0, s6  }
0x29d: {  	[hbm4b:s31+s29] =	stream.strided.scatter [tilespmem:s25], [sflag:$0x2], $0x400, s30, s29, $0x38;
	[tilespmem:$0x18200] =	vst v63  }
0x29e: {  	s25 =	sadd.s32 $0x11200, s5;
	s31 =	sadd.s32 $0x100, s6  }
0x29f: {  	[hbm4b:s31+s29] =	stream.strided.scatter [tilespmem:s25], [sflag:$0x2], $0x400, s30, s29, $0x38;
	[tilespmem:$0x18200] =	vst v63  }
0x2a0: {  	s25 =	sadd.s32 $0x11600, s5;
	s31 =	sadd.s32 $0x140, s6  }
0x2a1: {  	[hbm4b:s31+s29] =	stream.strided.scatter [tilespmem:s25], [sflag:$0x2], $0x400, s30, s29, $0x38;
	[tilespmem:$0x18200] =	vst v63  }
0x2a2: {  	s25 =	sadd.s32 $0x11A00, s5;
	s31 =	sadd.s32 $0x180, s6  }
0x2a3: {  	[hbm4b:s31+s29] =	stream.strided.scatter [tilespmem:s25], [sflag:$0x2], $0x400, s30, s29, $0x38;
	[tilespmem:$0x18200] =	vst v63  }
0x2a4: {  	s25 =	sadd.s32 $0x11E00, s5;
	s31 =	sadd.s32 $0x1C0, s6  }
0x2a5: {  	[hbm4b:s31+s29] =	stream.strided.scatter [tilespmem:s25], [sflag:$0x2], $0x400, s30, s29, $0x38;
	[tilespmem:$0x18200] =	vst v63  }
0x2a6: {  	_ =	swait.ge [sflag:s1], $0x8000  }
0x2a7: {  	[sflag:s1] =	ssyncset.done $0x0  }
0x2a8: {  	[sflag:s1] =	ssyncadd.s32 $0xFFFF8000  }
0x2a9: {  	v3 =	vld [tilespmem:$0x1A0];
	_ =	sdelay $0x4  }
0x2aa: {  	v4 =	vshll.u32 v3, $0x3  }
0x2ab: {  	v3 =	vand.u32 $0x7, v3;
	v4 =	vand.u32 $0xFFFFFFC0, v4  }
0x2ac: {  	v3 =	vor.u32 v3, v4  }
0x2ad: {  	v4 =	vperm.xlane v3, v0;
	_ =	sdelay $0x1  }
0x2ae: {  	v4 =	vadd.s32 v1, v4;
	_ =	sdelay $0x3  }
0x2af: {  	s4 =	simm.s32 $0x0;
	s6 =	simm.s32 $0x8200  }
0x2b0: {  	[tilespmem:s6], [sflag:$0x1] =	stream.indirect_vreg.gather [hbm4b:s2+s4], $0x80, v4, vm0, $0xb8;
	[tilespmem:$0x18200] =	vst v63  }
0x2b1: {  	s7 =	simm.s32 $0x8A00;
	v3 =	vperm.xlane v3, v2  }
0x2b2: {  	[tilespmem:s7], [sflag:$0x1] =	stream.indirect_vreg.gather [hbm4b:s8+s4], $0x80, v4, vm0, $0xb8;
	[tilespmem:$0x18200] =	vst v63  }
0x2b3: {  	s25 =	simm.s32 $0x9200;
	v3 =	vadd.s32 v1, v3  }
0x2b4: {  	[tilespmem:s25], [sflag:$0x1] =	stream.indirect_vreg.gather [hbm4b:s9+s4], $0x80, v4, vm0, $0xb8;
	[tilespmem:$0x18200] =	vst v63  }
0x2b5: {  	s31 =	simm.s32 $0x9A00  }
0x2b6: {  	[tilespmem:s31], [sflag:$0x1] =	stream.indirect_vreg.gather [hbm4b:s11+s4], $0x80, v4, vm0, $0xb8;
	[tilespmem:$0x18200] =	vst v63  }
0x2b7: {  	s6 =	simm.s32 $0xA200  }
0x2b8: {  	[tilespmem:s6], [sflag:$0x1] =	stream.indirect_vreg.gather [hbm4b:s2+s4], $0x80, v3, vm0, $0xb8;
	[tilespmem:$0x18200] =	vst v63  }
0x2b9: {  	s7 =	simm.s32 $0xAA00  }
0x2ba: {  	[tilespmem:s7], [sflag:$0x1] =	stream.indirect_vreg.gather [hbm4b:s8+s4], $0x80, v3, vm0, $0xb8;
	[tilespmem:$0x18200] =	vst v63  }
0x2bb: {  	s25 =	simm.s32 $0xB200  }
0x2bc: {  	[tilespmem:s25], [sflag:$0x1] =	stream.indirect_vreg.gather [hbm4b:s9+s4], $0x80, v3, vm0, $0xb8;
	[tilespmem:$0x18200] =	vst v63  }
0x2bd: {  	s31 =	simm.s32 $0xBA00  }
0x2be: {  	[tilespmem:s31], [sflag:$0x1] =	stream.indirect_vreg.gather [hbm4b:s11+s4], $0x80, v3, vm0, $0xb8;
	[tilespmem:$0x18200] =	vst v63  }
0x2bf: {  	v3 =	vld [tilespmem:$0x1B0];
	_ =	sdelay $0x4  }
0x2c0: {  	v63 =	vshll.u32 v3, $0x3  }
0x2c1: {  	v3 =	vand.u32 $0x7, v3;
	v4 =	vand.u32 $0xFFFFFFC0, v63  }
0x2c2: {  	v3 =	vor.u32 v3, v4  }
0x2c3: {  	v4 =	vperm.xlane v3, v0;
	_ =	sdelay $0x1  }
0x2c4: {  	v4 =	vadd.s32 v1, v4;
	_ =	sdelay $0x3  }
0x2c5: {  	s6 =	simm.s32 $0xC200  }
0x2c6: {  	[tilespmem:s6], [sflag:$0x1] =	stream.indirect_vreg.gather [hbm4b:s2+s4], $0x80, v4, vm0, $0xb8;
	[tilespmem:$0x18200] =	vst v63  }
0x2c7: {  	s7 =	simm.s32 $0xCA00;
	v3 =	vperm.xlane v3, v2  }
0x2c8: {  	[tilespmem:s7], [sflag:$0x1] =	stream.indirect_vreg.gather [hbm4b:s8+s4], $0x80, v4, vm0, $0xb8;
	[tilespmem:$0x18200] =	vst v63  }
0x2c9: {  	s25 =	simm.s32 $0xD200;
	v3 =	vadd.s32 v1, v3  }
0x2ca: {  	[tilespmem:s25], [sflag:$0x1] =	stream.indirect_vreg.gather [hbm4b:s9+s4], $0x80, v4, vm0, $0xb8;
	[tilespmem:$0x18200] =	vst v63  }
0x2cb: {  	s31 =	simm.s32 $0xDA00  }
0x2cc: {  	[tilespmem:s31], [sflag:$0x1] =	stream.indirect_vreg.gather [hbm4b:s11+s4], $0x80, v4, vm0, $0xb8;
	[tilespmem:$0x18200] =	vst v63  }
0x2cd: {  	s6 =	simm.s32 $0xE200  }
0x2ce: {  	[tilespmem:s6], [sflag:$0x1] =	stream.indirect_vreg.gather [hbm4b:s2+s4], $0x80, v3, vm0, $0xb8;
	[tilespmem:$0x18200] =	vst v63  }
0x2cf: {  	s7 =	simm.s32 $0xEA00  }
0x2d0: {  	[tilespmem:s7], [sflag:$0x1] =	stream.indirect_vreg.gather [hbm4b:s8+s4], $0x80, v3, vm0, $0xb8;
	[tilespmem:$0x18200] =	vst v63  }
0x2d1: {  	s25 =	simm.s32 $0xF200  }
0x2d2: {  	[tilespmem:s25], [sflag:$0x1] =	stream.indirect_vreg.gather [hbm4b:s9+s4], $0x80, v3, vm0, $0xb8;
	[tilespmem:$0x18200] =	vst v63  }
0x2d3: {  	s31 =	simm.s32 $0xFA00  }
0x2d4: {  	[tilespmem:s31], [sflag:$0x1] =	stream.indirect_vreg.gather [hbm4b:s11+s4], $0x80, v3, vm0, $0xb8;
	[tilespmem:$0x18200] =	vst v63  }
0x2d5: {  	_ =	swait.ge [sflag:s0], $0x8000  }
0x2d6: {  	[sflag:s0] =	ssyncset.done $0x0  }
0x2d7: {  	s5 =	simm.s32 $0x200;
	[sflag:s0] =	ssyncadd.s32 $0xFFFF8000  }
0x2d8: {  	[hbm4b:s17+s29] =	stream.strided.scatter [tilespmem:s5], [sflag:$0x2], $0x400, s30, s29, $0x38;
	[tilespmem:$0x18200] =	vst v63  }
0x2d9: {  	s6 =	simm.s32 $0x600;
	s7 =	sadd.s32 $0x40, s17  }
0x2da: {  	[hbm4b:s7+s29] =	stream.strided.scatter [tilespmem:s6], [sflag:$0x2], $0x400, s30, s29, $0x38;
	[tilespmem:$0x18200] =	vst v63  }
0x2db: {  	s25 =	simm.s32 $0xA00;
	s31 =	sadd.s32 $0x80, s17  }
0x2dc: {  	[hbm4b:s31+s29] =	stream.strided.scatter [tilespmem:s25], [sflag:$0x2], $0x400, s30, s29, $0x38;
	[tilespmem:$0x18200] =	vst v63  }
0x2dd: {  	s6 =	simm.s32 $0xE00;
	s7 =	sadd.s32 $0xC0, s17  }
0x2de: {  	[hbm4b:s7+s29] =	stream.strided.scatter [tilespmem:s6], [sflag:$0x2], $0x400, s30, s29, $0x38;
	[tilespmem:$0x18200] =	vst v63  }
0x2df: {  	s25 =	simm.s32 $0x1200;
	s31 =	sadd.s32 $0x100, s17  }
0x2e0: {  	[hbm4b:s31+s29] =	stream.strided.scatter [tilespmem:s25], [sflag:$0x2], $0x400, s30, s29, $0x38;
	[tilespmem:$0x18200] =	vst v63  }
0x2e1: {  	s4 =	sadd.s32 $0x1C0, s17;
	s6 =	simm.s32 $0x1600;
	s7 =	sadd.s32 $0x140, s17  }
0x2e2: {  	[hbm4b:s7+s29] =	stream.strided.scatter [tilespmem:s6], [sflag:$0x2], $0x400, s30, s29, $0x38;
	[tilespmem:$0x18200] =	vst v63  }
0x2e3: {  	s5 =	simm.s32 $0x2000;
	s25 =	simm.s32 $0x1A00;
	s31 =	sadd.s32 $0x180, s17  }
0x2e4: {  	[hbm4b:s31+s29] =	stream.strided.scatter [tilespmem:s25], [sflag:$0x2], $0x400, s30, s29, $0x38;
	[tilespmem:$0x18200] =	vst v63  }
0x2e5: {  	s7 =	simm.s32 $0x10000;
	s6 =	sadd.s32 $0x1000, s17;
	s25 =	simm.s32 $0x1E00  }
.LBB2_14:
0x2e6: {  	[hbm4b:s4+s29] =	stream.strided.scatter [tilespmem:s25], [sflag:$0x2], $0x400, s30, s29, $0x38;
	[tilespmem:$0x18200] =	vst v63  }
0x2e7: {  	s4 =	smov.u32 s5;
	s5 =	smov.u32 s7  }
0x2e8: {  	s31 =	sadd.s32 $0x8000, s7;
	s5 =	sshra.s32 s5, $0x2;
	s25 =	sadd.s32 $0x200, s4  }
0x2e9: {  	[hbm4b:s6+s29] =	stream.strided.scatter [tilespmem:s25], [sflag:$0x2], $0x400, s30, s29, $0x38;
	[tilespmem:$0x18200] =	vst v63  }
0x2ea: {  	p0 =	sne.s32 s7, $0x18000;
	s7 =	sadd.s32 $0x600, s4;
	s25 =	sadd.s32 $0x40, s6  }
0x2eb: {  	[hbm4b:s25+s29] =	stream.strided.scatter [tilespmem:s7], [sflag:$0x2], $0x400, s30, s29, $0x38;
	[tilespmem:$0x18200] =	vst v63  }
0x2ec: {  	s7 =	sadd.s32 $0xA00, s4;
	s25 =	sadd.s32 $0x80, s6  }
0x2ed: {  	[hbm4b:s25+s29] =	stream.strided.scatter [tilespmem:s7], [sflag:$0x2], $0x400, s30, s29, $0x38;
	[tilespmem:$0x18200] =	vst v63  }
0x2ee: {  	s7 =	sadd.s32 $0xE00, s4;
	s25 =	sadd.s32 $0xC0, s6  }
0x2ef: {  	[hbm4b:s25+s29] =	stream.strided.scatter [tilespmem:s7], [sflag:$0x2], $0x400, s30, s29, $0x38;
	[tilespmem:$0x18200] =	vst v63  }
0x2f0: {  	s7 =	sadd.s32 $0x1200, s4;
	s25 =	sadd.s32 $0x100, s6  }
0x2f1: {  	[hbm4b:s25+s29] =	stream.strided.scatter [tilespmem:s7], [sflag:$0x2], $0x400, s30, s29, $0x38;
	[tilespmem:$0x18200] =	vst v63  }
0x2f2: {  	s7 =	sadd.s32 $0x1600, s4;
	s25 =	sadd.s32 $0x140, s6  }
0x2f3: {  	[hbm4b:s25+s29] =	stream.strided.scatter [tilespmem:s7], [sflag:$0x2], $0x400, s30, s29, $0x38;
	[tilespmem:$0x18200] =	vst v63  }
.Ltmp6:
0x2f4: {  	_ = 	snop;
	(pc) =	sbr.rel @p0 .LBB2_14-.Ltmp6, $4  }
0x2f5: {  	s7 =	sadd.s32 $0x1A00, s4;
	s25 =	sadd.s32 $0x180, s6  }
0x2f6: {  	[hbm4b:s25+s29] =	stream.strided.scatter [tilespmem:s7], [sflag:$0x2], $0x400, s30, s29, $0x38;
	[tilespmem:$0x18200] =	vst v63  }
0x2f7: {  	s25 =	sadd.s32 $0x1E00, s4  }
0x2f8: {  	s4 =	sadd.s32 $0x1C0, s6;
	s6 =	sadd.s32 $0x1000, s6;
	s7 =	smov.u32 s31  }
0x2f9: {  	[hbm4b:s4+s29] =	stream.strided.scatter [tilespmem:s25], [sflag:$0x2], $0x400, s30, s29, $0x38;
	[tilespmem:$0x18200] =	vst v63  }
0x2fa: {  	s25 =	sadd.s32 $0x200, s5  }
0x2fb: {  	[hbm4b:s6+s29] =	stream.strided.scatter [tilespmem:s25], [sflag:$0x2], $0x400, s30, s29, $0x38;
	[tilespmem:$0x18200] =	vst v63  }
0x2fc: {  	s31 =	sadd.s32 $0x600, s5;
	s7 =	sadd.s32 $0x40, s6  }
0x2fd: {  	[hbm4b:s7+s29] =	stream.strided.scatter [tilespmem:s31], [sflag:$0x2], $0x400, s30, s29, $0x38;
	[tilespmem:$0x18200] =	vst v63  }
0x2fe: {  	s25 =	sadd.s32 $0xA00, s5;
	s31 =	sadd.s32 $0x80, s6  }
0x2ff: {  	[hbm4b:s31+s29] =	stream.strided.scatter [tilespmem:s25], [sflag:$0x2], $0x400, s30, s29, $0x38;
	[tilespmem:$0x18200] =	vst v63  }
0x300: {  	s25 =	sadd.s32 $0xE00, s5;
	s31 =	sadd.s32 $0xC0, s6  }
0x301: {  	[hbm4b:s31+s29] =	stream.strided.scatter [tilespmem:s25], [sflag:$0x2], $0x400, s30, s29, $0x38;
	[tilespmem:$0x18200] =	vst v63  }
0x302: {  	s25 =	sadd.s32 $0x1200, s5;
	s31 =	sadd.s32 $0x100, s6  }
0x303: {  	[hbm4b:s31+s29] =	stream.strided.scatter [tilespmem:s25], [sflag:$0x2], $0x400, s30, s29, $0x38;
	[tilespmem:$0x18200] =	vst v63  }
0x304: {  	s25 =	sadd.s32 $0x1600, s5;
	s31 =	sadd.s32 $0x140, s6  }
0x305: {  	[hbm4b:s31+s29] =	stream.strided.scatter [tilespmem:s25], [sflag:$0x2], $0x400, s30, s29, $0x38;
	[tilespmem:$0x18200] =	vst v63  }
0x306: {  	s25 =	sadd.s32 $0x1A00, s5;
	s31 =	sadd.s32 $0x180, s6  }
0x307: {  	[hbm4b:s31+s29] =	stream.strided.scatter [tilespmem:s25], [sflag:$0x2], $0x400, s30, s29, $0x38;
	[tilespmem:$0x18200] =	vst v63  }
0x308: {  	s25 =	sadd.s32 $0x1E00, s5;
	s31 =	sadd.s32 $0x1C0, s6  }
0x309: {  	[hbm4b:s31+s29] =	stream.strided.scatter [tilespmem:s25], [sflag:$0x2], $0x400, s30, s29, $0x38;
	[tilespmem:$0x18200] =	vst v63  }
0x30a: {  	_ =	swait.ge [sflag:s1], $0x8000  }
0x30b: {  	[sflag:s1] =	ssyncset.done $0x0  }
0x30c: {  	[sflag:s1] =	ssyncadd.s32 $0xFFFF8000  }
0x30d: {  	v3 =	vld [tilespmem:$0x40];
	_ =	sdelay $0x4  }
0x30e: {  	v4 =	vshll.u32 v3, $0x3  }
0x30f: {  	v3 =	vand.u32 $0x7, v3;
	v4 =	vand.u32 $0xFFFFFFC0, v4  }
0x310: {  	v3 =	vor.u32 v3, v4  }
0x311: {  	v4 =	vperm.xlane v3, v0;
	_ =	sdelay $0x1  }
0x312: {  	v4 =	vadd.s32 v1, v4;
	_ =	sdelay $0x3  }
0x313: {  	s4 =	simm.s32 $0x0;
	s6 =	simm.s32 $0x10200  }
0x314: {  	[tilespmem:s6], [sflag:$0x1] =	stream.indirect_vreg.gather [hbm4b:s2+s4], $0x80, v4, vm0, $0xb8;
	[tilespmem:$0x18200] =	vst v63  }
0x315: {  	s7 =	simm.s32 $0x10A00;
	v3 =	vperm.xlane v3, v2  }
0x316: {  	[tilespmem:s7], [sflag:$0x1] =	stream.indirect_vreg.gather [hbm4b:s8+s4], $0x80, v4, vm0, $0xb8;
	[tilespmem:$0x18200] =	vst v63  }
0x317: {  	s25 =	simm.s32 $0x11200;
	v3 =	vadd.s32 v1, v3  }
0x318: {  	[tilespmem:s25], [sflag:$0x1] =	stream.indirect_vreg.gather [hbm4b:s9+s4], $0x80, v4, vm0, $0xb8;
	[tilespmem:$0x18200] =	vst v63  }
0x319: {  	s31 =	simm.s32 $0x11A00  }
0x31a: {  	[tilespmem:s31], [sflag:$0x1] =	stream.indirect_vreg.gather [hbm4b:s11+s4], $0x80, v4, vm0, $0xb8;
	[tilespmem:$0x18200] =	vst v63  }
0x31b: {  	s6 =	simm.s32 $0x12200  }
0x31c: {  	[tilespmem:s6], [sflag:$0x1] =	stream.indirect_vreg.gather [hbm4b:s2+s4], $0x80, v3, vm0, $0xb8;
	[tilespmem:$0x18200] =	vst v63  }
0x31d: {  	s7 =	simm.s32 $0x12A00  }
0x31e: {  	[tilespmem:s7], [sflag:$0x1] =	stream.indirect_vreg.gather [hbm4b:s8+s4], $0x80, v3, vm0, $0xb8;
	[tilespmem:$0x18200] =	vst v63  }
0x31f: {  	s25 =	simm.s32 $0x13200  }
0x320: {  	[tilespmem:s25], [sflag:$0x1] =	stream.indirect_vreg.gather [hbm4b:s9+s4], $0x80, v3, vm0, $0xb8;
	[tilespmem:$0x18200] =	vst v63  }
0x321: {  	s31 =	simm.s32 $0x13A00  }
0x322: {  	[tilespmem:s31], [sflag:$0x1] =	stream.indirect_vreg.gather [hbm4b:s11+s4], $0x80, v3, vm0, $0xb8;
	[tilespmem:$0x18200] =	vst v63  }
0x323: {  	v3 =	vld [tilespmem:$0x50];
	_ =	sdelay $0x4  }
0x324: {  	v63 =	vshll.u32 v3, $0x3  }
0x325: {  	v3 =	vand.u32 $0x7, v3;
	v4 =	vand.u32 $0xFFFFFFC0, v63  }
0x326: {  	v3 =	vor.u32 v3, v4  }
0x327: {  	v4 =	vperm.xlane v3, v0;
	_ =	sdelay $0x1  }
0x328: {  	v4 =	vadd.s32 v1, v4;
	_ =	sdelay $0x3  }
0x329: {  	s6 =	simm.s32 $0x14200  }
0x32a: {  	[tilespmem:s6], [sflag:$0x1] =	stream.indirect_vreg.gather [hbm4b:s2+s4], $0x80, v4, vm0, $0xb8;
	[tilespmem:$0x18200] =	vst v63  }
0x32b: {  	s7 =	simm.s32 $0x14A00;
	v3 =	vperm.xlane v3, v2  }
0x32c: {  	[tilespmem:s7], [sflag:$0x1] =	stream.indirect_vreg.gather [hbm4b:s8+s4], $0x80, v4, vm0, $0xb8;
	[tilespmem:$0x18200] =	vst v63  }
0x32d: {  	s25 =	simm.s32 $0x15200;
	v3 =	vadd.s32 v1, v3  }
0x32e: {  	[tilespmem:s25], [sflag:$0x1] =	stream.indirect_vreg.gather [hbm4b:s9+s4], $0x80, v4, vm0, $0xb8;
	[tilespmem:$0x18200] =	vst v63  }
0x32f: {  	s31 =	simm.s32 $0x15A00  }
0x330: {  	[tilespmem:s31], [sflag:$0x1] =	stream.indirect_vreg.gather [hbm4b:s11+s4], $0x80, v4, vm0, $0xb8;
	[tilespmem:$0x18200] =	vst v63  }
0x331: {  	s6 =	simm.s32 $0x16200  }
0x332: {  	[tilespmem:s6], [sflag:$0x1] =	stream.indirect_vreg.gather [hbm4b:s2+s4], $0x80, v3, vm0, $0xb8;
	[tilespmem:$0x18200] =	vst v63  }
0x333: {  	s7 =	simm.s32 $0x16A00  }
0x334: {  	[tilespmem:s7], [sflag:$0x1] =	stream.indirect_vreg.gather [hbm4b:s8+s4], $0x80, v3, vm0, $0xb8;
	[tilespmem:$0x18200] =	vst v63  }
0x335: {  	s25 =	simm.s32 $0x17200  }
0x336: {  	[tilespmem:s25], [sflag:$0x1] =	stream.indirect_vreg.gather [hbm4b:s9+s4], $0x80, v3, vm0, $0xb8;
	[tilespmem:$0x18200] =	vst v63  }
0x337: {  	s31 =	simm.s32 $0x17A00  }
0x338: {  	[tilespmem:s31], [sflag:$0x1] =	stream.indirect_vreg.gather [hbm4b:s11+s4], $0x80, v3, vm0, $0xb8;
	[tilespmem:$0x18200] =	vst v63  }
0x339: {  	_ =	swait.ge [sflag:s0], $0x8000  }
0x33a: {  	[sflag:s0] =	ssyncset.done $0x0  }
0x33b: {  	s5 =	simm.s32 $0x8200;
	[sflag:s0] =	ssyncadd.s32 $0xFFFF8000  }
0x33c: {  	[hbm4b:s18+s29] =	stream.strided.scatter [tilespmem:s5], [sflag:$0x2], $0x400, s30, s29, $0x38;
	[tilespmem:$0x18200] =	vst v63  }
0x33d: {  	s6 =	simm.s32 $0x8600;
	s7 =	sadd.s32 $0x40, s18  }
0x33e: {  	[hbm4b:s7+s29] =	stream.strided.scatter [tilespmem:s6], [sflag:$0x2], $0x400, s30, s29, $0x38;
	[tilespmem:$0x18200] =	vst v63  }
0x33f: {  	s25 =	simm.s32 $0x8A00;
	s31 =	sadd.s32 $0x80, s18  }
0x340: {  	[hbm4b:s31+s29] =	stream.strided.scatter [tilespmem:s25], [sflag:$0x2], $0x400, s30, s29, $0x38;
	[tilespmem:$0x18200] =	vst v63  }
0x341: {  	s6 =	simm.s32 $0x8E00;
	s7 =	sadd.s32 $0xC0, s18  }
0x342: {  	[hbm4b:s7+s29] =	stream.strided.scatter [tilespmem:s6], [sflag:$0x2], $0x400, s30, s29, $0x38;
	[tilespmem:$0x18200] =	vst v63  }
0x343: {  	s25 =	simm.s32 $0x9200;
	s31 =	sadd.s32 $0x100, s18  }
0x344: {  	[hbm4b:s31+s29] =	stream.strided.scatter [tilespmem:s25], [sflag:$0x2], $0x400, s30, s29, $0x38;
	[tilespmem:$0x18200] =	vst v63  }
0x345: {  	s4 =	sadd.s32 $0x1C0, s18;
	s6 =	simm.s32 $0x9600;
	s7 =	sadd.s32 $0x140, s18  }
0x346: {  	[hbm4b:s7+s29] =	stream.strided.scatter [tilespmem:s6], [sflag:$0x2], $0x400, s30, s29, $0x38;
	[tilespmem:$0x18200] =	vst v63  }
0x347: {  	s5 =	simm.s32 $0x2000;
	s25 =	simm.s32 $0x9A00;
	s31 =	sadd.s32 $0x180, s18  }
0x348: {  	[hbm4b:s31+s29] =	stream.strided.scatter [tilespmem:s25], [sflag:$0x2], $0x400, s30, s29, $0x38;
	[tilespmem:$0x18200] =	vst v63  }
0x349: {  	s7 =	simm.s32 $0x10000;
	s6 =	sadd.s32 $0x1000, s18;
	s25 =	simm.s32 $0x9E00  }
.LBB2_16:
0x34a: {  	[hbm4b:s4+s29] =	stream.strided.scatter [tilespmem:s25], [sflag:$0x2], $0x400, s30, s29, $0x38;
	[tilespmem:$0x18200] =	vst v63  }
0x34b: {  	s4 =	smov.u32 s5;
	s5 =	smov.u32 s7  }
0x34c: {  	s31 =	sadd.s32 $0x8000, s7;
	s5 =	sshra.s32 s5, $0x2;
	s25 =	sadd.s32 $0x8200, s4  }
0x34d: {  	[hbm4b:s6+s29] =	stream.strided.scatter [tilespmem:s25], [sflag:$0x2], $0x400, s30, s29, $0x38;
	[tilespmem:$0x18200] =	vst v63  }
0x34e: {  	p0 =	sne.s32 s7, $0x18000;
	s7 =	sadd.s32 $0x8600, s4;
	s25 =	sadd.s32 $0x40, s6  }
0x34f: {  	[hbm4b:s25+s29] =	stream.strided.scatter [tilespmem:s7], [sflag:$0x2], $0x400, s30, s29, $0x38;
	[tilespmem:$0x18200] =	vst v63  }
0x350: {  	s7 =	sadd.s32 $0x8A00, s4;
	s25 =	sadd.s32 $0x80, s6  }
0x351: {  	[hbm4b:s25+s29] =	stream.strided.scatter [tilespmem:s7], [sflag:$0x2], $0x400, s30, s29, $0x38;
	[tilespmem:$0x18200] =	vst v63  }
0x352: {  	s7 =	sadd.s32 $0x8E00, s4;
	s25 =	sadd.s32 $0xC0, s6  }
0x353: {  	[hbm4b:s25+s29] =	stream.strided.scatter [tilespmem:s7], [sflag:$0x2], $0x400, s30, s29, $0x38;
	[tilespmem:$0x18200] =	vst v63  }
0x354: {  	s7 =	sadd.s32 $0x9200, s4;
	s25 =	sadd.s32 $0x100, s6  }
0x355: {  	[hbm4b:s25+s29] =	stream.strided.scatter [tilespmem:s7], [sflag:$0x2], $0x400, s30, s29, $0x38;
	[tilespmem:$0x18200] =	vst v63  }
0x356: {  	s7 =	sadd.s32 $0x9600, s4;
	s25 =	sadd.s32 $0x140, s6  }
0x357: {  	[hbm4b:s25+s29] =	stream.strided.scatter [tilespmem:s7], [sflag:$0x2], $0x400, s30, s29, $0x38;
	[tilespmem:$0x18200] =	vst v63  }
.Ltmp7:
0x358: {  	_ = 	snop;
	(pc) =	sbr.rel @p0 .LBB2_16-.Ltmp7, $4  }
0x359: {  	s7 =	sadd.s32 $0x9A00, s4;
	s25 =	sadd.s32 $0x180, s6  }
0x35a: {  	[hbm4b:s25+s29] =	stream.strided.scatter [tilespmem:s7], [sflag:$0x2], $0x400, s30, s29, $0x38;
	[tilespmem:$0x18200] =	vst v63  }
0x35b: {  	s25 =	sadd.s32 $0x9E00, s4  }
0x35c: {  	s4 =	sadd.s32 $0x1C0, s6;
	s6 =	sadd.s32 $0x1000, s6;
	s7 =	smov.u32 s31  }
0x35d: {  	[hbm4b:s4+s29] =	stream.strided.scatter [tilespmem:s25], [sflag:$0x2], $0x400, s30, s29, $0x38;
	[tilespmem:$0x18200] =	vst v63  }
0x35e: {  	s25 =	sadd.s32 $0x8200, s5  }
0x35f: {  	[hbm4b:s6+s29] =	stream.strided.scatter [tilespmem:s25], [sflag:$0x2], $0x400, s30, s29, $0x38;
	[tilespmem:$0x18200] =	vst v63  }
0x360: {  	s31 =	sadd.s32 $0x8600, s5;
	s7 =	sadd.s32 $0x40, s6  }
0x361: {  	[hbm4b:s7+s29] =	stream.strided.scatter [tilespmem:s31], [sflag:$0x2], $0x400, s30, s29, $0x38;
	[tilespmem:$0x18200] =	vst v63  }
0x362: {  	s25 =	sadd.s32 $0x8A00, s5;
	s31 =	sadd.s32 $0x80, s6  }
0x363: {  	[hbm4b:s31+s29] =	stream.strided.scatter [tilespmem:s25], [sflag:$0x2], $0x400, s30, s29, $0x38;
	[tilespmem:$0x18200] =	vst v63  }
0x364: {  	s25 =	sadd.s32 $0x8E00, s5;
	s31 =	sadd.s32 $0xC0, s6  }
0x365: {  	[hbm4b:s31+s29] =	stream.strided.scatter [tilespmem:s25], [sflag:$0x2], $0x400, s30, s29, $0x38;
	[tilespmem:$0x18200] =	vst v63  }
0x366: {  	s25 =	sadd.s32 $0x9200, s5;
	s31 =	sadd.s32 $0x100, s6  }
0x367: {  	[hbm4b:s31+s29] =	stream.strided.scatter [tilespmem:s25], [sflag:$0x2], $0x400, s30, s29, $0x38;
	[tilespmem:$0x18200] =	vst v63  }
0x368: {  	s25 =	sadd.s32 $0x9600, s5;
	s31 =	sadd.s32 $0x140, s6  }
0x369: {  	[hbm4b:s31+s29] =	stream.strided.scatter [tilespmem:s25], [sflag:$0x2], $0x400, s30, s29, $0x38;
	[tilespmem:$0x18200] =	vst v63  }
0x36a: {  	s25 =	sadd.s32 $0x9A00, s5;
	s31 =	sadd.s32 $0x180, s6  }
0x36b: {  	[hbm4b:s31+s29] =	stream.strided.scatter [tilespmem:s25], [sflag:$0x2], $0x400, s30, s29, $0x38;
	[tilespmem:$0x18200] =	vst v63  }
0x36c: {  	s25 =	sadd.s32 $0x9E00, s5;
	s31 =	sadd.s32 $0x1C0, s6  }
0x36d: {  	[hbm4b:s31+s29] =	stream.strided.scatter [tilespmem:s25], [sflag:$0x2], $0x400, s30, s29, $0x38;
	[tilespmem:$0x18200] =	vst v63  }
0x36e: {  	_ =	swait.ge [sflag:s1], $0x8000  }
0x36f: {  	[sflag:s1] =	ssyncset.done $0x0  }
0x370: {  	[sflag:s1] =	ssyncadd.s32 $0xFFFF8000  }
0x371: {  	v3 =	vld [tilespmem:$0xC0];
	_ =	sdelay $0x4  }
0x372: {  	v4 =	vshll.u32 v3, $0x3  }
0x373: {  	v3 =	vand.u32 $0x7, v3;
	v4 =	vand.u32 $0xFFFFFFC0, v4  }
0x374: {  	v3 =	vor.u32 v3, v4  }
0x375: {  	v4 =	vperm.xlane v3, v0;
	_ =	sdelay $0x1  }
0x376: {  	v4 =	vadd.s32 v1, v4;
	_ =	sdelay $0x3  }
0x377: {  	s4 =	simm.s32 $0x0;
	s6 =	simm.s32 $0x200  }
0x378: {  	[tilespmem:s6], [sflag:$0x1] =	stream.indirect_vreg.gather [hbm4b:s2+s4], $0x80, v4, vm0, $0xb8;
	[tilespmem:$0x18200] =	vst v63  }
0x379: {  	s7 =	simm.s32 $0xA00;
	v3 =	vperm.xlane v3, v2  }
0x37a: {  	[tilespmem:s7], [sflag:$0x1] =	stream.indirect_vreg.gather [hbm4b:s8+s4], $0x80, v4, vm0, $0xb8;
	[tilespmem:$0x18200] =	vst v63  }
0x37b: {  	s25 =	simm.s32 $0x1200;
	v3 =	vadd.s32 v1, v3  }
0x37c: {  	[tilespmem:s25], [sflag:$0x1] =	stream.indirect_vreg.gather [hbm4b:s9+s4], $0x80, v4, vm0, $0xb8;
	[tilespmem:$0x18200] =	vst v63  }
0x37d: {  	s31 =	simm.s32 $0x1A00  }
0x37e: {  	[tilespmem:s31], [sflag:$0x1] =	stream.indirect_vreg.gather [hbm4b:s11+s4], $0x80, v4, vm0, $0xb8;
	[tilespmem:$0x18200] =	vst v63  }
0x37f: {  	s6 =	simm.s32 $0x2200  }
0x380: {  	[tilespmem:s6], [sflag:$0x1] =	stream.indirect_vreg.gather [hbm4b:s2+s4], $0x80, v3, vm0, $0xb8;
	[tilespmem:$0x18200] =	vst v63  }
0x381: {  	s7 =	simm.s32 $0x2A00  }
0x382: {  	[tilespmem:s7], [sflag:$0x1] =	stream.indirect_vreg.gather [hbm4b:s8+s4], $0x80, v3, vm0, $0xb8;
	[tilespmem:$0x18200] =	vst v63  }
0x383: {  	s25 =	simm.s32 $0x3200  }
0x384: {  	[tilespmem:s25], [sflag:$0x1] =	stream.indirect_vreg.gather [hbm4b:s9+s4], $0x80, v3, vm0, $0xb8;
	[tilespmem:$0x18200] =	vst v63  }
0x385: {  	s31 =	simm.s32 $0x3A00  }
0x386: {  	[tilespmem:s31], [sflag:$0x1] =	stream.indirect_vreg.gather [hbm4b:s11+s4], $0x80, v3, vm0, $0xb8;
	[tilespmem:$0x18200] =	vst v63  }
0x387: {  	v3 =	vld [tilespmem:$0xD0];
	_ =	sdelay $0x4  }
0x388: {  	v63 =	vshll.u32 v3, $0x3  }
0x389: {  	v3 =	vand.u32 $0x7, v3;
	v4 =	vand.u32 $0xFFFFFFC0, v63  }
0x38a: {  	v3 =	vor.u32 v3, v4  }
0x38b: {  	v4 =	vperm.xlane v3, v0;
	_ =	sdelay $0x1  }
0x38c: {  	v4 =	vadd.s32 v1, v4;
	_ =	sdelay $0x3  }
0x38d: {  	s6 =	simm.s32 $0x4200  }
0x38e: {  	[tilespmem:s6], [sflag:$0x1] =	stream.indirect_vreg.gather [hbm4b:s2+s4], $0x80, v4, vm0, $0xb8;
	[tilespmem:$0x18200] =	vst v63  }
0x38f: {  	s7 =	simm.s32 $0x4A00;
	v3 =	vperm.xlane v3, v2  }
0x390: {  	[tilespmem:s7], [sflag:$0x1] =	stream.indirect_vreg.gather [hbm4b:s8+s4], $0x80, v4, vm0, $0xb8;
	[tilespmem:$0x18200] =	vst v63  }
0x391: {  	s25 =	simm.s32 $0x5200;
	v3 =	vadd.s32 v1, v3  }
0x392: {  	[tilespmem:s25], [sflag:$0x1] =	stream.indirect_vreg.gather [hbm4b:s9+s4], $0x80, v4, vm0, $0xb8;
	[tilespmem:$0x18200] =	vst v63  }
0x393: {  	s31 =	simm.s32 $0x5A00  }
0x394: {  	[tilespmem:s31], [sflag:$0x1] =	stream.indirect_vreg.gather [hbm4b:s11+s4], $0x80, v4, vm0, $0xb8;
	[tilespmem:$0x18200] =	vst v63  }
0x395: {  	s6 =	simm.s32 $0x6200  }
0x396: {  	[tilespmem:s6], [sflag:$0x1] =	stream.indirect_vreg.gather [hbm4b:s2+s4], $0x80, v3, vm0, $0xb8;
	[tilespmem:$0x18200] =	vst v63  }
0x397: {  	s7 =	simm.s32 $0x6A00  }
0x398: {  	[tilespmem:s7], [sflag:$0x1] =	stream.indirect_vreg.gather [hbm4b:s8+s4], $0x80, v3, vm0, $0xb8;
	[tilespmem:$0x18200] =	vst v63  }
0x399: {  	s25 =	simm.s32 $0x7200  }
0x39a: {  	[tilespmem:s25], [sflag:$0x1] =	stream.indirect_vreg.gather [hbm4b:s9+s4], $0x80, v3, vm0, $0xb8;
	[tilespmem:$0x18200] =	vst v63  }
0x39b: {  	s31 =	simm.s32 $0x7A00  }
0x39c: {  	[tilespmem:s31], [sflag:$0x1] =	stream.indirect_vreg.gather [hbm4b:s11+s4], $0x80, v3, vm0, $0xb8;
	[tilespmem:$0x18200] =	vst v63  }
0x39d: {  	_ =	swait.ge [sflag:s0], $0x8000  }
0x39e: {  	[sflag:s0] =	ssyncset.done $0x0  }
0x39f: {  	s5 =	simm.s32 $0x10200;
	[sflag:s0] =	ssyncadd.s32 $0xFFFF8000  }
0x3a0: {  	[hbm4b:s19+s29] =	stream.strided.scatter [tilespmem:s5], [sflag:$0x2], $0x400, s30, s29, $0x38;
	[tilespmem:$0x18200] =	vst v63  }
0x3a1: {  	s6 =	simm.s32 $0x10600;
	s7 =	sadd.s32 $0x40, s19  }
0x3a2: {  	[hbm4b:s7+s29] =	stream.strided.scatter [tilespmem:s6], [sflag:$0x2], $0x400, s30, s29, $0x38;
	[tilespmem:$0x18200] =	vst v63  }
0x3a3: {  	s25 =	simm.s32 $0x10A00;
	s31 =	sadd.s32 $0x80, s19  }
0x3a4: {  	[hbm4b:s31+s29] =	stream.strided.scatter [tilespmem:s25], [sflag:$0x2], $0x400, s30, s29, $0x38;
	[tilespmem:$0x18200] =	vst v63  }
0x3a5: {  	s6 =	simm.s32 $0x10E00;
	s7 =	sadd.s32 $0xC0, s19  }
0x3a6: {  	[hbm4b:s7+s29] =	stream.strided.scatter [tilespmem:s6], [sflag:$0x2], $0x400, s30, s29, $0x38;
	[tilespmem:$0x18200] =	vst v63  }
0x3a7: {  	s25 =	simm.s32 $0x11200;
	s31 =	sadd.s32 $0x100, s19  }
0x3a8: {  	[hbm4b:s31+s29] =	stream.strided.scatter [tilespmem:s25], [sflag:$0x2], $0x400, s30, s29, $0x38;
	[tilespmem:$0x18200] =	vst v63  }
0x3a9: {  	s4 =	sadd.s32 $0x1C0, s19;
	s6 =	simm.s32 $0x11600;
	s7 =	sadd.s32 $0x140, s19  }
0x3aa: {  	[hbm4b:s7+s29] =	stream.strided.scatter [tilespmem:s6], [sflag:$0x2], $0x400, s30, s29, $0x38;
	[tilespmem:$0x18200] =	vst v63  }
0x3ab: {  	s5 =	simm.s32 $0x2000;
	s25 =	simm.s32 $0x11A00;
	s31 =	sadd.s32 $0x180, s19  }
0x3ac: {  	[hbm4b:s31+s29] =	stream.strided.scatter [tilespmem:s25], [sflag:$0x2], $0x400, s30, s29, $0x38;
	[tilespmem:$0x18200] =	vst v63  }
0x3ad: {  	s7 =	simm.s32 $0x10000;
	s6 =	sadd.s32 $0x1000, s19;
	s25 =	simm.s32 $0x11E00  }
.LBB2_18:
0x3ae: {  	[hbm4b:s4+s29] =	stream.strided.scatter [tilespmem:s25], [sflag:$0x2], $0x400, s30, s29, $0x38;
	[tilespmem:$0x18200] =	vst v63  }
0x3af: {  	s4 =	smov.u32 s5;
	s5 =	smov.u32 s7  }
0x3b0: {  	s31 =	sadd.s32 $0x8000, s7;
	s5 =	sshra.s32 s5, $0x2;
	s25 =	sadd.s32 $0x10200, s4  }
0x3b1: {  	[hbm4b:s6+s29] =	stream.strided.scatter [tilespmem:s25], [sflag:$0x2], $0x400, s30, s29, $0x38;
	[tilespmem:$0x18200] =	vst v63  }
0x3b2: {  	p0 =	sne.s32 s7, $0x18000;
	s7 =	sadd.s32 $0x10600, s4;
	s25 =	sadd.s32 $0x40, s6  }
0x3b3: {  	[hbm4b:s25+s29] =	stream.strided.scatter [tilespmem:s7], [sflag:$0x2], $0x400, s30, s29, $0x38;
	[tilespmem:$0x18200] =	vst v63  }
0x3b4: {  	s7 =	sadd.s32 $0x10A00, s4;
	s25 =	sadd.s32 $0x80, s6  }
0x3b5: {  	[hbm4b:s25+s29] =	stream.strided.scatter [tilespmem:s7], [sflag:$0x2], $0x400, s30, s29, $0x38;
	[tilespmem:$0x18200] =	vst v63  }
0x3b6: {  	s7 =	sadd.s32 $0x10E00, s4;
	s25 =	sadd.s32 $0xC0, s6  }
0x3b7: {  	[hbm4b:s25+s29] =	stream.strided.scatter [tilespmem:s7], [sflag:$0x2], $0x400, s30, s29, $0x38;
	[tilespmem:$0x18200] =	vst v63  }
0x3b8: {  	s7 =	sadd.s32 $0x11200, s4;
	s25 =	sadd.s32 $0x100, s6  }
0x3b9: {  	[hbm4b:s25+s29] =	stream.strided.scatter [tilespmem:s7], [sflag:$0x2], $0x400, s30, s29, $0x38;
	[tilespmem:$0x18200] =	vst v63  }
0x3ba: {  	s7 =	sadd.s32 $0x11600, s4;
	s25 =	sadd.s32 $0x140, s6  }
0x3bb: {  	[hbm4b:s25+s29] =	stream.strided.scatter [tilespmem:s7], [sflag:$0x2], $0x400, s30, s29, $0x38;
	[tilespmem:$0x18200] =	vst v63  }
.Ltmp8:
0x3bc: {  	_ = 	snop;
	(pc) =	sbr.rel @p0 .LBB2_18-.Ltmp8, $4  }
0x3bd: {  	s7 =	sadd.s32 $0x11A00, s4;
	s25 =	sadd.s32 $0x180, s6  }
0x3be: {  	[hbm4b:s25+s29] =	stream.strided.scatter [tilespmem:s7], [sflag:$0x2], $0x400, s30, s29, $0x38;
	[tilespmem:$0x18200] =	vst v63  }
0x3bf: {  	s25 =	sadd.s32 $0x11E00, s4  }
0x3c0: {  	s4 =	sadd.s32 $0x1C0, s6;
	s6 =	sadd.s32 $0x1000, s6;
	s7 =	smov.u32 s31  }
0x3c1: {  	[hbm4b:s4+s29] =	stream.strided.scatter [tilespmem:s25], [sflag:$0x2], $0x400, s30, s29, $0x38;
	[tilespmem:$0x18200] =	vst v63  }
0x3c2: {  	s25 =	sadd.s32 $0x10200, s5  }
0x3c3: {  	[hbm4b:s6+s29] =	stream.strided.scatter [tilespmem:s25], [sflag:$0x2], $0x400, s30, s29, $0x38;
	[tilespmem:$0x18200] =	vst v63  }
0x3c4: {  	s31 =	sadd.s32 $0x10600, s5;
	s7 =	sadd.s32 $0x40, s6  }
0x3c5: {  	[hbm4b:s7+s29] =	stream.strided.scatter [tilespmem:s31], [sflag:$0x2], $0x400, s30, s29, $0x38;
	[tilespmem:$0x18200] =	vst v63  }
0x3c6: {  	s25 =	sadd.s32 $0x10A00, s5;
	s31 =	sadd.s32 $0x80, s6  }
0x3c7: {  	[hbm4b:s31+s29] =	stream.strided.scatter [tilespmem:s25], [sflag:$0x2], $0x400, s30, s29, $0x38;
	[tilespmem:$0x18200] =	vst v63  }
0x3c8: {  	s25 =	sadd.s32 $0x10E00, s5;
	s31 =	sadd.s32 $0xC0, s6  }
0x3c9: {  	[hbm4b:s31+s29] =	stream.strided.scatter [tilespmem:s25], [sflag:$0x2], $0x400, s30, s29, $0x38;
	[tilespmem:$0x18200] =	vst v63  }
0x3ca: {  	s25 =	sadd.s32 $0x11200, s5;
	s31 =	sadd.s32 $0x100, s6  }
0x3cb: {  	[hbm4b:s31+s29] =	stream.strided.scatter [tilespmem:s25], [sflag:$0x2], $0x400, s30, s29, $0x38;
	[tilespmem:$0x18200] =	vst v63  }
0x3cc: {  	s25 =	sadd.s32 $0x11600, s5;
	s31 =	sadd.s32 $0x140, s6  }
0x3cd: {  	[hbm4b:s31+s29] =	stream.strided.scatter [tilespmem:s25], [sflag:$0x2], $0x400, s30, s29, $0x38;
	[tilespmem:$0x18200] =	vst v63  }
0x3ce: {  	s25 =	sadd.s32 $0x11A00, s5;
	s31 =	sadd.s32 $0x180, s6  }
0x3cf: {  	[hbm4b:s31+s29] =	stream.strided.scatter [tilespmem:s25], [sflag:$0x2], $0x400, s30, s29, $0x38;
	[tilespmem:$0x18200] =	vst v63  }
0x3d0: {  	s25 =	sadd.s32 $0x11E00, s5;
	s31 =	sadd.s32 $0x1C0, s6  }
0x3d1: {  	[hbm4b:s31+s29] =	stream.strided.scatter [tilespmem:s25], [sflag:$0x2], $0x400, s30, s29, $0x38;
	[tilespmem:$0x18200] =	vst v63  }
0x3d2: {  	_ =	swait.ge [sflag:s1], $0x8000  }
0x3d3: {  	[sflag:s1] =	ssyncset.done $0x0  }
0x3d4: {  	[sflag:s1] =	ssyncadd.s32 $0xFFFF8000  }
0x3d5: {  	v3 =	vld [tilespmem:$0x140];
	_ =	sdelay $0x4  }
0x3d6: {  	v4 =	vshll.u32 v3, $0x3  }
0x3d7: {  	v3 =	vand.u32 $0x7, v3;
	v4 =	vand.u32 $0xFFFFFFC0, v4  }
0x3d8: {  	v3 =	vor.u32 v3, v4  }
0x3d9: {  	v4 =	vperm.xlane v3, v0;
	_ =	sdelay $0x1  }
0x3da: {  	v4 =	vadd.s32 v1, v4;
	_ =	sdelay $0x3  }
0x3db: {  	s4 =	simm.s32 $0x0;
	s6 =	simm.s32 $0x8200  }
0x3dc: {  	[tilespmem:s6], [sflag:$0x1] =	stream.indirect_vreg.gather [hbm4b:s2+s4], $0x80, v4, vm0, $0xb8;
	[tilespmem:$0x18200] =	vst v63  }
0x3dd: {  	s7 =	simm.s32 $0x8A00;
	v3 =	vperm.xlane v3, v2  }
0x3de: {  	[tilespmem:s7], [sflag:$0x1] =	stream.indirect_vreg.gather [hbm4b:s8+s4], $0x80, v4, vm0, $0xb8;
	[tilespmem:$0x18200] =	vst v63  }
0x3df: {  	s25 =	simm.s32 $0x9200;
	v3 =	vadd.s32 v1, v3  }
0x3e0: {  	[tilespmem:s25], [sflag:$0x1] =	stream.indirect_vreg.gather [hbm4b:s9+s4], $0x80, v4, vm0, $0xb8;
	[tilespmem:$0x18200] =	vst v63  }
0x3e1: {  	s31 =	simm.s32 $0x9A00  }
0x3e2: {  	[tilespmem:s31], [sflag:$0x1] =	stream.indirect_vreg.gather [hbm4b:s11+s4], $0x80, v4, vm0, $0xb8;
	[tilespmem:$0x18200] =	vst v63  }
0x3e3: {  	s6 =	simm.s32 $0xA200  }
0x3e4: {  	[tilespmem:s6], [sflag:$0x1] =	stream.indirect_vreg.gather [hbm4b:s2+s4], $0x80, v3, vm0, $0xb8;
	[tilespmem:$0x18200] =	vst v63  }
0x3e5: {  	s7 =	simm.s32 $0xAA00  }
0x3e6: {  	[tilespmem:s7], [sflag:$0x1] =	stream.indirect_vreg.gather [hbm4b:s8+s4], $0x80, v3, vm0, $0xb8;
	[tilespmem:$0x18200] =	vst v63  }
0x3e7: {  	s25 =	simm.s32 $0xB200  }
0x3e8: {  	[tilespmem:s25], [sflag:$0x1] =	stream.indirect_vreg.gather [hbm4b:s9+s4], $0x80, v3, vm0, $0xb8;
	[tilespmem:$0x18200] =	vst v63  }
0x3e9: {  	s31 =	simm.s32 $0xBA00  }
0x3ea: {  	[tilespmem:s31], [sflag:$0x1] =	stream.indirect_vreg.gather [hbm4b:s11+s4], $0x80, v3, vm0, $0xb8;
	[tilespmem:$0x18200] =	vst v63  }
0x3eb: {  	v3 =	vld [tilespmem:$0x150];
	_ =	sdelay $0x4  }
0x3ec: {  	v63 =	vshll.u32 v3, $0x3  }
0x3ed: {  	v3 =	vand.u32 $0x7, v3;
	v4 =	vand.u32 $0xFFFFFFC0, v63  }
0x3ee: {  	v3 =	vor.u32 v3, v4  }
0x3ef: {  	v4 =	vperm.xlane v3, v0;
	_ =	sdelay $0x1  }
0x3f0: {  	v4 =	vadd.s32 v1, v4;
	_ =	sdelay $0x3  }
0x3f1: {  	s6 =	simm.s32 $0xC200  }
0x3f2: {  	[tilespmem:s6], [sflag:$0x1] =	stream.indirect_vreg.gather [hbm4b:s2+s4], $0x80, v4, vm0, $0xb8;
	[tilespmem:$0x18200] =	vst v63  }
0x3f3: {  	s7 =	simm.s32 $0xCA00;
	v3 =	vperm.xlane v3, v2  }
0x3f4: {  	[tilespmem:s7], [sflag:$0x1] =	stream.indirect_vreg.gather [hbm4b:s8+s4], $0x80, v4, vm0, $0xb8;
	[tilespmem:$0x18200] =	vst v63  }
0x3f5: {  	s25 =	simm.s32 $0xD200;
	v3 =	vadd.s32 v1, v3  }
0x3f6: {  	[tilespmem:s25], [sflag:$0x1] =	stream.indirect_vreg.gather [hbm4b:s9+s4], $0x80, v4, vm0, $0xb8;
	[tilespmem:$0x18200] =	vst v63  }
0x3f7: {  	s31 =	simm.s32 $0xDA00  }
0x3f8: {  	[tilespmem:s31], [sflag:$0x1] =	stream.indirect_vreg.gather [hbm4b:s11+s4], $0x80, v4, vm0, $0xb8;
	[tilespmem:$0x18200] =	vst v63  }
0x3f9: {  	s6 =	simm.s32 $0xE200  }
0x3fa: {  	[tilespmem:s6], [sflag:$0x1] =	stream.indirect_vreg.gather [hbm4b:s2+s4], $0x80, v3, vm0, $0xb8;
	[tilespmem:$0x18200] =	vst v63  }
0x3fb: {  	s7 =	simm.s32 $0xEA00  }
0x3fc: {  	[tilespmem:s7], [sflag:$0x1] =	stream.indirect_vreg.gather [hbm4b:s8+s4], $0x80, v3, vm0, $0xb8;
	[tilespmem:$0x18200] =	vst v63  }
0x3fd: {  	s25 =	simm.s32 $0xF200  }
0x3fe: {  	[tilespmem:s25], [sflag:$0x1] =	stream.indirect_vreg.gather [hbm4b:s9+s4], $0x80, v3, vm0, $0xb8;
	[tilespmem:$0x18200] =	vst v63  }
0x3ff: {  	s31 =	simm.s32 $0xFA00  }
0x400: {  	[tilespmem:s31], [sflag:$0x1] =	stream.indirect_vreg.gather [hbm4b:s11+s4], $0x80, v3, vm0, $0xb8;
	[tilespmem:$0x18200] =	vst v63  }
0x401: {  	_ =	swait.ge [sflag:s0], $0x8000  }
0x402: {  	[sflag:s0] =	ssyncset.done $0x0  }
0x403: {  	s5 =	simm.s32 $0x200;
	[sflag:s0] =	ssyncadd.s32 $0xFFFF8000  }
0x404: {  	[hbm4b:s20+s29] =	stream.strided.scatter [tilespmem:s5], [sflag:$0x2], $0x400, s30, s29, $0x38;
	[tilespmem:$0x18200] =	vst v63  }
0x405: {  	s6 =	simm.s32 $0x600;
	s7 =	sadd.s32 $0x40, s20  }
0x406: {  	[hbm4b:s7+s29] =	stream.strided.scatter [tilespmem:s6], [sflag:$0x2], $0x400, s30, s29, $0x38;
	[tilespmem:$0x18200] =	vst v63  }
0x407: {  	s25 =	simm.s32 $0xA00;
	s31 =	sadd.s32 $0x80, s20  }
0x408: {  	[hbm4b:s31+s29] =	stream.strided.scatter [tilespmem:s25], [sflag:$0x2], $0x400, s30, s29, $0x38;
	[tilespmem:$0x18200] =	vst v63  }
0x409: {  	s6 =	simm.s32 $0xE00;
	s7 =	sadd.s32 $0xC0, s20  }
0x40a: {  	[hbm4b:s7+s29] =	stream.strided.scatter [tilespmem:s6], [sflag:$0x2], $0x400, s30, s29, $0x38;
	[tilespmem:$0x18200] =	vst v63  }
0x40b: {  	s25 =	simm.s32 $0x1200;
	s31 =	sadd.s32 $0x100, s20  }
0x40c: {  	[hbm4b:s31+s29] =	stream.strided.scatter [tilespmem:s25], [sflag:$0x2], $0x400, s30, s29, $0x38;
	[tilespmem:$0x18200] =	vst v63  }
0x40d: {  	s4 =	sadd.s32 $0x1C0, s20;
	s6 =	simm.s32 $0x1600;
	s7 =	sadd.s32 $0x140, s20  }
0x40e: {  	[hbm4b:s7+s29] =	stream.strided.scatter [tilespmem:s6], [sflag:$0x2], $0x400, s30, s29, $0x38;
	[tilespmem:$0x18200] =	vst v63  }
0x40f: {  	s5 =	simm.s32 $0x2000;
	s25 =	simm.s32 $0x1A00;
	s31 =	sadd.s32 $0x180, s20  }
0x410: {  	[hbm4b:s31+s29] =	stream.strided.scatter [tilespmem:s25], [sflag:$0x2], $0x400, s30, s29, $0x38;
	[tilespmem:$0x18200] =	vst v63  }
0x411: {  	s7 =	simm.s32 $0x10000;
	s6 =	sadd.s32 $0x1000, s20;
	s25 =	simm.s32 $0x1E00  }
.LBB2_20:
0x412: {  	[hbm4b:s4+s29] =	stream.strided.scatter [tilespmem:s25], [sflag:$0x2], $0x400, s30, s29, $0x38;
	[tilespmem:$0x18200] =	vst v63  }
0x413: {  	s4 =	smov.u32 s5;
	s5 =	smov.u32 s7  }
0x414: {  	s31 =	sadd.s32 $0x8000, s7;
	s5 =	sshra.s32 s5, $0x2;
	s25 =	sadd.s32 $0x200, s4  }
0x415: {  	[hbm4b:s6+s29] =	stream.strided.scatter [tilespmem:s25], [sflag:$0x2], $0x400, s30, s29, $0x38;
	[tilespmem:$0x18200] =	vst v63  }
0x416: {  	p0 =	sne.s32 s7, $0x18000;
	s7 =	sadd.s32 $0x600, s4;
	s25 =	sadd.s32 $0x40, s6  }
0x417: {  	[hbm4b:s25+s29] =	stream.strided.scatter [tilespmem:s7], [sflag:$0x2], $0x400, s30, s29, $0x38;
	[tilespmem:$0x18200] =	vst v63  }
0x418: {  	s7 =	sadd.s32 $0xA00, s4;
	s25 =	sadd.s32 $0x80, s6  }
0x419: {  	[hbm4b:s25+s29] =	stream.strided.scatter [tilespmem:s7], [sflag:$0x2], $0x400, s30, s29, $0x38;
	[tilespmem:$0x18200] =	vst v63  }
0x41a: {  	s7 =	sadd.s32 $0xE00, s4;
	s25 =	sadd.s32 $0xC0, s6  }
0x41b: {  	[hbm4b:s25+s29] =	stream.strided.scatter [tilespmem:s7], [sflag:$0x2], $0x400, s30, s29, $0x38;
	[tilespmem:$0x18200] =	vst v63  }
0x41c: {  	s7 =	sadd.s32 $0x1200, s4;
	s25 =	sadd.s32 $0x100, s6  }
0x41d: {  	[hbm4b:s25+s29] =	stream.strided.scatter [tilespmem:s7], [sflag:$0x2], $0x400, s30, s29, $0x38;
	[tilespmem:$0x18200] =	vst v63  }
0x41e: {  	s7 =	sadd.s32 $0x1600, s4;
	s25 =	sadd.s32 $0x140, s6  }
0x41f: {  	[hbm4b:s25+s29] =	stream.strided.scatter [tilespmem:s7], [sflag:$0x2], $0x400, s30, s29, $0x38;
	[tilespmem:$0x18200] =	vst v63  }
.Ltmp9:
0x420: {  	_ = 	snop;
	(pc) =	sbr.rel @p0 .LBB2_20-.Ltmp9, $4  }
0x421: {  	s7 =	sadd.s32 $0x1A00, s4;
	s25 =	sadd.s32 $0x180, s6  }
0x422: {  	[hbm4b:s25+s29] =	stream.strided.scatter [tilespmem:s7], [sflag:$0x2], $0x400, s30, s29, $0x38;
	[tilespmem:$0x18200] =	vst v63  }
0x423: {  	s25 =	sadd.s32 $0x1E00, s4  }
0x424: {  	s4 =	sadd.s32 $0x1C0, s6;
	s6 =	sadd.s32 $0x1000, s6;
	s7 =	smov.u32 s31  }
0x425: {  	[hbm4b:s4+s29] =	stream.strided.scatter [tilespmem:s25], [sflag:$0x2], $0x400, s30, s29, $0x38;
	[tilespmem:$0x18200] =	vst v63  }
0x426: {  	s25 =	sadd.s32 $0x200, s5  }
0x427: {  	[hbm4b:s6+s29] =	stream.strided.scatter [tilespmem:s25], [sflag:$0x2], $0x400, s30, s29, $0x38;
	[tilespmem:$0x18200] =	vst v63  }
0x428: {  	s31 =	sadd.s32 $0x600, s5;
	s7 =	sadd.s32 $0x40, s6  }
0x429: {  	[hbm4b:s7+s29] =	stream.strided.scatter [tilespmem:s31], [sflag:$0x2], $0x400, s30, s29, $0x38;
	[tilespmem:$0x18200] =	vst v63  }
0x42a: {  	s25 =	sadd.s32 $0xA00, s5;
	s31 =	sadd.s32 $0x80, s6  }
0x42b: {  	[hbm4b:s31+s29] =	stream.strided.scatter [tilespmem:s25], [sflag:$0x2], $0x400, s30, s29, $0x38;
	[tilespmem:$0x18200] =	vst v63  }
0x42c: {  	s25 =	sadd.s32 $0xE00, s5;
	s31 =	sadd.s32 $0xC0, s6  }
0x42d: {  	[hbm4b:s31+s29] =	stream.strided.scatter [tilespmem:s25], [sflag:$0x2], $0x400, s30, s29, $0x38;
	[tilespmem:$0x18200] =	vst v63  }
0x42e: {  	s25 =	sadd.s32 $0x1200, s5;
	s31 =	sadd.s32 $0x100, s6  }
0x42f: {  	[hbm4b:s31+s29] =	stream.strided.scatter [tilespmem:s25], [sflag:$0x2], $0x400, s30, s29, $0x38;
	[tilespmem:$0x18200] =	vst v63  }
0x430: {  	s25 =	sadd.s32 $0x1600, s5;
	s31 =	sadd.s32 $0x140, s6  }
0x431: {  	[hbm4b:s31+s29] =	stream.strided.scatter [tilespmem:s25], [sflag:$0x2], $0x400, s30, s29, $0x38;
	[tilespmem:$0x18200] =	vst v63  }
0x432: {  	s25 =	sadd.s32 $0x1A00, s5;
	s31 =	sadd.s32 $0x180, s6  }
0x433: {  	[hbm4b:s31+s29] =	stream.strided.scatter [tilespmem:s25], [sflag:$0x2], $0x400, s30, s29, $0x38;
	[tilespmem:$0x18200] =	vst v63  }
0x434: {  	s25 =	sadd.s32 $0x1E00, s5;
	s31 =	sadd.s32 $0x1C0, s6  }
0x435: {  	[hbm4b:s31+s29] =	stream.strided.scatter [tilespmem:s25], [sflag:$0x2], $0x400, s30, s29, $0x38;
	[tilespmem:$0x18200] =	vst v63  }
0x436: {  	_ =	swait.ge [sflag:s1], $0x8000  }
0x437: {  	[sflag:s1] =	ssyncset.done $0x0  }
0x438: {  	[sflag:s1] =	ssyncadd.s32 $0xFFFF8000  }
0x439: {  	v3 =	vld [tilespmem:$0x1C0];
	_ =	sdelay $0x4  }
0x43a: {  	v4 =	vshll.u32 v3, $0x3  }
0x43b: {  	v3 =	vand.u32 $0x7, v3;
	v4 =	vand.u32 $0xFFFFFFC0, v4  }
0x43c: {  	v3 =	vor.u32 v3, v4  }
0x43d: {  	v4 =	vperm.xlane v3, v0;
	_ =	sdelay $0x1  }
0x43e: {  	v4 =	vadd.s32 v1, v4;
	_ =	sdelay $0x3  }
0x43f: {  	s4 =	simm.s32 $0x0;
	s6 =	simm.s32 $0x10200  }
0x440: {  	[tilespmem:s6], [sflag:$0x1] =	stream.indirect_vreg.gather [hbm4b:s2+s4], $0x80, v4, vm0, $0xb8;
	[tilespmem:$0x18200] =	vst v63  }
0x441: {  	s7 =	simm.s32 $0x10A00;
	v3 =	vperm.xlane v3, v2  }
0x442: {  	[tilespmem:s7], [sflag:$0x1] =	stream.indirect_vreg.gather [hbm4b:s8+s4], $0x80, v4, vm0, $0xb8;
	[tilespmem:$0x18200] =	vst v63  }
0x443: {  	s25 =	simm.s32 $0x11200;
	v3 =	vadd.s32 v1, v3  }
0x444: {  	[tilespmem:s25], [sflag:$0x1] =	stream.indirect_vreg.gather [hbm4b:s9+s4], $0x80, v4, vm0, $0xb8;
	[tilespmem:$0x18200] =	vst v63  }
0x445: {  	s31 =	simm.s32 $0x11A00  }
0x446: {  	[tilespmem:s31], [sflag:$0x1] =	stream.indirect_vreg.gather [hbm4b:s11+s4], $0x80, v4, vm0, $0xb8;
	[tilespmem:$0x18200] =	vst v63  }
0x447: {  	s6 =	simm.s32 $0x12200  }
0x448: {  	[tilespmem:s6], [sflag:$0x1] =	stream.indirect_vreg.gather [hbm4b:s2+s4], $0x80, v3, vm0, $0xb8;
	[tilespmem:$0x18200] =	vst v63  }
0x449: {  	s7 =	simm.s32 $0x12A00  }
0x44a: {  	[tilespmem:s7], [sflag:$0x1] =	stream.indirect_vreg.gather [hbm4b:s8+s4], $0x80, v3, vm0, $0xb8;
	[tilespmem:$0x18200] =	vst v63  }
0x44b: {  	s25 =	simm.s32 $0x13200  }
0x44c: {  	[tilespmem:s25], [sflag:$0x1] =	stream.indirect_vreg.gather [hbm4b:s9+s4], $0x80, v3, vm0, $0xb8;
	[tilespmem:$0x18200] =	vst v63  }
0x44d: {  	s31 =	simm.s32 $0x13A00  }
0x44e: {  	[tilespmem:s31], [sflag:$0x1] =	stream.indirect_vreg.gather [hbm4b:s11+s4], $0x80, v3, vm0, $0xb8;
	[tilespmem:$0x18200] =	vst v63  }
0x44f: {  	v3 =	vld [tilespmem:$0x1D0];
	_ =	sdelay $0x4  }
0x450: {  	v63 =	vshll.u32 v3, $0x3  }
0x451: {  	v3 =	vand.u32 $0x7, v3;
	v4 =	vand.u32 $0xFFFFFFC0, v63  }
0x452: {  	v3 =	vor.u32 v3, v4  }
0x453: {  	v4 =	vperm.xlane v3, v0;
	_ =	sdelay $0x1  }
0x454: {  	v4 =	vadd.s32 v1, v4;
	_ =	sdelay $0x3  }
0x455: {  	s6 =	simm.s32 $0x14200  }
0x456: {  	[tilespmem:s6], [sflag:$0x1] =	stream.indirect_vreg.gather [hbm4b:s2+s4], $0x80, v4, vm0, $0xb8;
	[tilespmem:$0x18200] =	vst v63  }
0x457: {  	s7 =	simm.s32 $0x14A00;
	v3 =	vperm.xlane v3, v2  }
0x458: {  	[tilespmem:s7], [sflag:$0x1] =	stream.indirect_vreg.gather [hbm4b:s8+s4], $0x80, v4, vm0, $0xb8;
	[tilespmem:$0x18200] =	vst v63  }
0x459: {  	s25 =	simm.s32 $0x15200;
	v3 =	vadd.s32 v1, v3  }
0x45a: {  	[tilespmem:s25], [sflag:$0x1] =	stream.indirect_vreg.gather [hbm4b:s9+s4], $0x80, v4, vm0, $0xb8;
	[tilespmem:$0x18200] =	vst v63  }
0x45b: {  	s31 =	simm.s32 $0x15A00  }
0x45c: {  	[tilespmem:s31], [sflag:$0x1] =	stream.indirect_vreg.gather [hbm4b:s11+s4], $0x80, v4, vm0, $0xb8;
	[tilespmem:$0x18200] =	vst v63  }
0x45d: {  	s6 =	simm.s32 $0x16200  }
0x45e: {  	[tilespmem:s6], [sflag:$0x1] =	stream.indirect_vreg.gather [hbm4b:s2+s4], $0x80, v3, vm0, $0xb8;
	[tilespmem:$0x18200] =	vst v63  }
0x45f: {  	s7 =	simm.s32 $0x16A00  }
0x460: {  	[tilespmem:s7], [sflag:$0x1] =	stream.indirect_vreg.gather [hbm4b:s8+s4], $0x80, v3, vm0, $0xb8;
	[tilespmem:$0x18200] =	vst v63  }
0x461: {  	s25 =	simm.s32 $0x17200  }
0x462: {  	[tilespmem:s25], [sflag:$0x1] =	stream.indirect_vreg.gather [hbm4b:s9+s4], $0x80, v3, vm0, $0xb8;
	[tilespmem:$0x18200] =	vst v63  }
0x463: {  	s31 =	simm.s32 $0x17A00  }
0x464: {  	[tilespmem:s31], [sflag:$0x1] =	stream.indirect_vreg.gather [hbm4b:s11+s4], $0x80, v3, vm0, $0xb8;
	[tilespmem:$0x18200] =	vst v63  }
0x465: {  	_ =	swait.ge [sflag:s0], $0x8000  }
0x466: {  	[sflag:s0] =	ssyncset.done $0x0  }
0x467: {  	s5 =	simm.s32 $0x8200;
	[sflag:s0] =	ssyncadd.s32 $0xFFFF8000  }
0x468: {  	[hbm4b:s21+s29] =	stream.strided.scatter [tilespmem:s5], [sflag:$0x2], $0x400, s30, s29, $0x38;
	[tilespmem:$0x18200] =	vst v63  }
0x469: {  	s6 =	simm.s32 $0x8600;
	s7 =	sadd.s32 $0x40, s21  }
0x46a: {  	[hbm4b:s7+s29] =	stream.strided.scatter [tilespmem:s6], [sflag:$0x2], $0x400, s30, s29, $0x38;
	[tilespmem:$0x18200] =	vst v63  }
0x46b: {  	s25 =	simm.s32 $0x8A00;
	s31 =	sadd.s32 $0x80, s21  }
0x46c: {  	[hbm4b:s31+s29] =	stream.strided.scatter [tilespmem:s25], [sflag:$0x2], $0x400, s30, s29, $0x38;
	[tilespmem:$0x18200] =	vst v63  }
0x46d: {  	s6 =	simm.s32 $0x8E00;
	s7 =	sadd.s32 $0xC0, s21  }
0x46e: {  	[hbm4b:s7+s29] =	stream.strided.scatter [tilespmem:s6], [sflag:$0x2], $0x400, s30, s29, $0x38;
	[tilespmem:$0x18200] =	vst v63  }
0x46f: {  	s25 =	simm.s32 $0x9200;
	s31 =	sadd.s32 $0x100, s21  }
0x470: {  	[hbm4b:s31+s29] =	stream.strided.scatter [tilespmem:s25], [sflag:$0x2], $0x400, s30, s29, $0x38;
	[tilespmem:$0x18200] =	vst v63  }
0x471: {  	s4 =	sadd.s32 $0x1C0, s21;
	s6 =	simm.s32 $0x9600;
	s7 =	sadd.s32 $0x140, s21  }
0x472: {  	[hbm4b:s7+s29] =	stream.strided.scatter [tilespmem:s6], [sflag:$0x2], $0x400, s30, s29, $0x38;
	[tilespmem:$0x18200] =	vst v63  }
0x473: {  	s5 =	simm.s32 $0x2000;
	s25 =	simm.s32 $0x9A00;
	s31 =	sadd.s32 $0x180, s21  }
0x474: {  	[hbm4b:s31+s29] =	stream.strided.scatter [tilespmem:s25], [sflag:$0x2], $0x400, s30, s29, $0x38;
	[tilespmem:$0x18200] =	vst v63  }
0x475: {  	s7 =	simm.s32 $0x10000;
	s6 =	sadd.s32 $0x1000, s21;
	s25 =	simm.s32 $0x9E00  }
.LBB2_22:
0x476: {  	[hbm4b:s4+s29] =	stream.strided.scatter [tilespmem:s25], [sflag:$0x2], $0x400, s30, s29, $0x38;
	[tilespmem:$0x18200] =	vst v63  }
0x477: {  	s4 =	smov.u32 s5;
	s5 =	smov.u32 s7  }
0x478: {  	s31 =	sadd.s32 $0x8000, s7;
	s5 =	sshra.s32 s5, $0x2;
	s25 =	sadd.s32 $0x8200, s4  }
0x479: {  	[hbm4b:s6+s29] =	stream.strided.scatter [tilespmem:s25], [sflag:$0x2], $0x400, s30, s29, $0x38;
	[tilespmem:$0x18200] =	vst v63  }
0x47a: {  	p0 =	sne.s32 s7, $0x18000;
	s7 =	sadd.s32 $0x8600, s4;
	s25 =	sadd.s32 $0x40, s6  }
0x47b: {  	[hbm4b:s25+s29] =	stream.strided.scatter [tilespmem:s7], [sflag:$0x2], $0x400, s30, s29, $0x38;
	[tilespmem:$0x18200] =	vst v63  }
0x47c: {  	s7 =	sadd.s32 $0x8A00, s4;
	s25 =	sadd.s32 $0x80, s6  }
0x47d: {  	[hbm4b:s25+s29] =	stream.strided.scatter [tilespmem:s7], [sflag:$0x2], $0x400, s30, s29, $0x38;
	[tilespmem:$0x18200] =	vst v63  }
0x47e: {  	s7 =	sadd.s32 $0x8E00, s4;
	s25 =	sadd.s32 $0xC0, s6  }
0x47f: {  	[hbm4b:s25+s29] =	stream.strided.scatter [tilespmem:s7], [sflag:$0x2], $0x400, s30, s29, $0x38;
	[tilespmem:$0x18200] =	vst v63  }
0x480: {  	s7 =	sadd.s32 $0x9200, s4;
	s25 =	sadd.s32 $0x100, s6  }
0x481: {  	[hbm4b:s25+s29] =	stream.strided.scatter [tilespmem:s7], [sflag:$0x2], $0x400, s30, s29, $0x38;
	[tilespmem:$0x18200] =	vst v63  }
0x482: {  	s7 =	sadd.s32 $0x9600, s4;
	s25 =	sadd.s32 $0x140, s6  }
0x483: {  	[hbm4b:s25+s29] =	stream.strided.scatter [tilespmem:s7], [sflag:$0x2], $0x400, s30, s29, $0x38;
	[tilespmem:$0x18200] =	vst v63  }
.Ltmp10:
0x484: {  	_ = 	snop;
	(pc) =	sbr.rel @p0 .LBB2_22-.Ltmp10, $4  }
0x485: {  	s7 =	sadd.s32 $0x9A00, s4;
	s25 =	sadd.s32 $0x180, s6  }
0x486: {  	[hbm4b:s25+s29] =	stream.strided.scatter [tilespmem:s7], [sflag:$0x2], $0x400, s30, s29, $0x38;
	[tilespmem:$0x18200] =	vst v63  }
0x487: {  	s25 =	sadd.s32 $0x9E00, s4  }
0x488: {  	s4 =	sadd.s32 $0x1C0, s6;
	s6 =	sadd.s32 $0x1000, s6;
	s7 =	smov.u32 s31  }
0x489: {  	[hbm4b:s4+s29] =	stream.strided.scatter [tilespmem:s25], [sflag:$0x2], $0x400, s30, s29, $0x38;
	[tilespmem:$0x18200] =	vst v63  }
0x48a: {  	s25 =	sadd.s32 $0x8200, s5  }
0x48b: {  	[hbm4b:s6+s29] =	stream.strided.scatter [tilespmem:s25], [sflag:$0x2], $0x400, s30, s29, $0x38;
	[tilespmem:$0x18200] =	vst v63  }
0x48c: {  	s31 =	sadd.s32 $0x8600, s5;
	s7 =	sadd.s32 $0x40, s6  }
0x48d: {  	[hbm4b:s7+s29] =	stream.strided.scatter [tilespmem:s31], [sflag:$0x2], $0x400, s30, s29, $0x38;
	[tilespmem:$0x18200] =	vst v63  }
0x48e: {  	s25 =	sadd.s32 $0x8A00, s5;
	s31 =	sadd.s32 $0x80, s6  }
0x48f: {  	[hbm4b:s31+s29] =	stream.strided.scatter [tilespmem:s25], [sflag:$0x2], $0x400, s30, s29, $0x38;
	[tilespmem:$0x18200] =	vst v63  }
0x490: {  	s25 =	sadd.s32 $0x8E00, s5;
	s31 =	sadd.s32 $0xC0, s6  }
0x491: {  	[hbm4b:s31+s29] =	stream.strided.scatter [tilespmem:s25], [sflag:$0x2], $0x400, s30, s29, $0x38;
	[tilespmem:$0x18200] =	vst v63  }
0x492: {  	s25 =	sadd.s32 $0x9200, s5;
	s31 =	sadd.s32 $0x100, s6  }
0x493: {  	[hbm4b:s31+s29] =	stream.strided.scatter [tilespmem:s25], [sflag:$0x2], $0x400, s30, s29, $0x38;
	[tilespmem:$0x18200] =	vst v63  }
0x494: {  	s25 =	sadd.s32 $0x9600, s5;
	s31 =	sadd.s32 $0x140, s6  }
0x495: {  	[hbm4b:s31+s29] =	stream.strided.scatter [tilespmem:s25], [sflag:$0x2], $0x400, s30, s29, $0x38;
	[tilespmem:$0x18200] =	vst v63  }
0x496: {  	s25 =	sadd.s32 $0x9A00, s5;
	s31 =	sadd.s32 $0x180, s6  }
0x497: {  	[hbm4b:s31+s29] =	stream.strided.scatter [tilespmem:s25], [sflag:$0x2], $0x400, s30, s29, $0x38;
	[tilespmem:$0x18200] =	vst v63  }
0x498: {  	s25 =	sadd.s32 $0x9E00, s5;
	s31 =	sadd.s32 $0x1C0, s6  }
0x499: {  	[hbm4b:s31+s29] =	stream.strided.scatter [tilespmem:s25], [sflag:$0x2], $0x400, s30, s29, $0x38;
	[tilespmem:$0x18200] =	vst v63  }
0x49a: {  	_ =	swait.ge [sflag:s1], $0x8000  }
0x49b: {  	[sflag:s1] =	ssyncset.done $0x0  }
0x49c: {  	[sflag:s1] =	ssyncadd.s32 $0xFFFF8000  }
0x49d: {  	v3 =	vld [tilespmem:$0x60];
	_ =	sdelay $0x4  }
0x49e: {  	v4 =	vshll.u32 v3, $0x3  }
0x49f: {  	v3 =	vand.u32 $0x7, v3;
	v4 =	vand.u32 $0xFFFFFFC0, v4  }
0x4a0: {  	v3 =	vor.u32 v3, v4  }
0x4a1: {  	v4 =	vperm.xlane v3, v0;
	_ =	sdelay $0x1  }
0x4a2: {  	v4 =	vadd.s32 v1, v4;
	_ =	sdelay $0x3  }
0x4a3: {  	s4 =	simm.s32 $0x0;
	s6 =	simm.s32 $0x200  }
0x4a4: {  	[tilespmem:s6], [sflag:$0x1] =	stream.indirect_vreg.gather [hbm4b:s2+s4], $0x80, v4, vm0, $0xb8;
	[tilespmem:$0x18200] =	vst v63  }
0x4a5: {  	s7 =	simm.s32 $0xA00;
	v3 =	vperm.xlane v3, v2  }
0x4a6: {  	[tilespmem:s7], [sflag:$0x1] =	stream.indirect_vreg.gather [hbm4b:s8+s4], $0x80, v4, vm0, $0xb8;
	[tilespmem:$0x18200] =	vst v63  }
0x4a7: {  	s25 =	simm.s32 $0x1200;
	v3 =	vadd.s32 v1, v3  }
0x4a8: {  	[tilespmem:s25], [sflag:$0x1] =	stream.indirect_vreg.gather [hbm4b:s9+s4], $0x80, v4, vm0, $0xb8;
	[tilespmem:$0x18200] =	vst v63  }
0x4a9: {  	s31 =	simm.s32 $0x1A00  }
0x4aa: {  	[tilespmem:s31], [sflag:$0x1] =	stream.indirect_vreg.gather [hbm4b:s11+s4], $0x80, v4, vm0, $0xb8;
	[tilespmem:$0x18200] =	vst v63  }
0x4ab: {  	s6 =	simm.s32 $0x2200  }
0x4ac: {  	[tilespmem:s6], [sflag:$0x1] =	stream.indirect_vreg.gather [hbm4b:s2+s4], $0x80, v3, vm0, $0xb8;
	[tilespmem:$0x18200] =	vst v63  }
0x4ad: {  	s7 =	simm.s32 $0x2A00  }
0x4ae: {  	[tilespmem:s7], [sflag:$0x1] =	stream.indirect_vreg.gather [hbm4b:s8+s4], $0x80, v3, vm0, $0xb8;
	[tilespmem:$0x18200] =	vst v63  }
0x4af: {  	s25 =	simm.s32 $0x3200  }
0x4b0: {  	[tilespmem:s25], [sflag:$0x1] =	stream.indirect_vreg.gather [hbm4b:s9+s4], $0x80, v3, vm0, $0xb8;
	[tilespmem:$0x18200] =	vst v63  }
0x4b1: {  	s31 =	simm.s32 $0x3A00  }
0x4b2: {  	[tilespmem:s31], [sflag:$0x1] =	stream.indirect_vreg.gather [hbm4b:s11+s4], $0x80, v3, vm0, $0xb8;
	[tilespmem:$0x18200] =	vst v63  }
0x4b3: {  	v3 =	vld [tilespmem:$0x70];
	_ =	sdelay $0x4  }
0x4b4: {  	v63 =	vshll.u32 v3, $0x3  }
0x4b5: {  	v3 =	vand.u32 $0x7, v3;
	v4 =	vand.u32 $0xFFFFFFC0, v63  }
0x4b6: {  	v3 =	vor.u32 v3, v4  }
0x4b7: {  	v4 =	vperm.xlane v3, v0;
	_ =	sdelay $0x1  }
0x4b8: {  	v4 =	vadd.s32 v1, v4;
	_ =	sdelay $0x3  }
0x4b9: {  	s6 =	simm.s32 $0x4200  }
0x4ba: {  	[tilespmem:s6], [sflag:$0x1] =	stream.indirect_vreg.gather [hbm4b:s2+s4], $0x80, v4, vm0, $0xb8;
	[tilespmem:$0x18200] =	vst v63  }
0x4bb: {  	s7 =	simm.s32 $0x4A00;
	v3 =	vperm.xlane v3, v2  }
0x4bc: {  	[tilespmem:s7], [sflag:$0x1] =	stream.indirect_vreg.gather [hbm4b:s8+s4], $0x80, v4, vm0, $0xb8;
	[tilespmem:$0x18200] =	vst v63  }
0x4bd: {  	s25 =	simm.s32 $0x5200;
	v3 =	vadd.s32 v1, v3  }
0x4be: {  	[tilespmem:s25], [sflag:$0x1] =	stream.indirect_vreg.gather [hbm4b:s9+s4], $0x80, v4, vm0, $0xb8;
	[tilespmem:$0x18200] =	vst v63  }
0x4bf: {  	s31 =	simm.s32 $0x5A00  }
0x4c0: {  	[tilespmem:s31], [sflag:$0x1] =	stream.indirect_vreg.gather [hbm4b:s11+s4], $0x80, v4, vm0, $0xb8;
	[tilespmem:$0x18200] =	vst v63  }
0x4c1: {  	s6 =	simm.s32 $0x6200  }
0x4c2: {  	[tilespmem:s6], [sflag:$0x1] =	stream.indirect_vreg.gather [hbm4b:s2+s4], $0x80, v3, vm0, $0xb8;
	[tilespmem:$0x18200] =	vst v63  }
0x4c3: {  	s7 =	simm.s32 $0x6A00  }
0x4c4: {  	[tilespmem:s7], [sflag:$0x1] =	stream.indirect_vreg.gather [hbm4b:s8+s4], $0x80, v3, vm0, $0xb8;
	[tilespmem:$0x18200] =	vst v63  }
0x4c5: {  	s25 =	simm.s32 $0x7200  }
0x4c6: {  	[tilespmem:s25], [sflag:$0x1] =	stream.indirect_vreg.gather [hbm4b:s9+s4], $0x80, v3, vm0, $0xb8;
	[tilespmem:$0x18200] =	vst v63  }
0x4c7: {  	s31 =	simm.s32 $0x7A00  }
0x4c8: {  	[tilespmem:s31], [sflag:$0x1] =	stream.indirect_vreg.gather [hbm4b:s11+s4], $0x80, v3, vm0, $0xb8;
	[tilespmem:$0x18200] =	vst v63  }
0x4c9: {  	_ =	swait.ge [sflag:s0], $0x8000  }
0x4ca: {  	[sflag:s0] =	ssyncset.done $0x0  }
0x4cb: {  	s5 =	simm.s32 $0x10200;
	[sflag:s0] =	ssyncadd.s32 $0xFFFF8000  }
0x4cc: {  	[hbm4b:s22+s29] =	stream.strided.scatter [tilespmem:s5], [sflag:$0x2], $0x400, s30, s29, $0x38;
	[tilespmem:$0x18200] =	vst v63  }
0x4cd: {  	s6 =	simm.s32 $0x10600;
	s7 =	sadd.s32 $0x40, s22  }
0x4ce: {  	[hbm4b:s7+s29] =	stream.strided.scatter [tilespmem:s6], [sflag:$0x2], $0x400, s30, s29, $0x38;
	[tilespmem:$0x18200] =	vst v63  }
0x4cf: {  	s25 =	simm.s32 $0x10A00;
	s31 =	sadd.s32 $0x80, s22  }
0x4d0: {  	[hbm4b:s31+s29] =	stream.strided.scatter [tilespmem:s25], [sflag:$0x2], $0x400, s30, s29, $0x38;
	[tilespmem:$0x18200] =	vst v63  }
0x4d1: {  	s6 =	simm.s32 $0x10E00;
	s7 =	sadd.s32 $0xC0, s22  }
0x4d2: {  	[hbm4b:s7+s29] =	stream.strided.scatter [tilespmem:s6], [sflag:$0x2], $0x400, s30, s29, $0x38;
	[tilespmem:$0x18200] =	vst v63  }
0x4d3: {  	s25 =	simm.s32 $0x11200;
	s31 =	sadd.s32 $0x100, s22  }
0x4d4: {  	[hbm4b:s31+s29] =	stream.strided.scatter [tilespmem:s25], [sflag:$0x2], $0x400, s30, s29, $0x38;
	[tilespmem:$0x18200] =	vst v63  }
0x4d5: {  	s4 =	sadd.s32 $0x1C0, s22;
	s6 =	simm.s32 $0x11600;
	s7 =	sadd.s32 $0x140, s22  }
0x4d6: {  	[hbm4b:s7+s29] =	stream.strided.scatter [tilespmem:s6], [sflag:$0x2], $0x400, s30, s29, $0x38;
	[tilespmem:$0x18200] =	vst v63  }
0x4d7: {  	s5 =	simm.s32 $0x2000;
	s25 =	simm.s32 $0x11A00;
	s31 =	sadd.s32 $0x180, s22  }
0x4d8: {  	[hbm4b:s31+s29] =	stream.strided.scatter [tilespmem:s25], [sflag:$0x2], $0x400, s30, s29, $0x38;
	[tilespmem:$0x18200] =	vst v63  }
0x4d9: {  	s7 =	simm.s32 $0x10000;
	s6 =	sadd.s32 $0x1000, s22;
	s25 =	simm.s32 $0x11E00  }
.LBB2_24:
0x4da: {  	[hbm4b:s4+s29] =	stream.strided.scatter [tilespmem:s25], [sflag:$0x2], $0x400, s30, s29, $0x38;
	[tilespmem:$0x18200] =	vst v63  }
0x4db: {  	s4 =	smov.u32 s5;
	s5 =	smov.u32 s7  }
0x4dc: {  	s31 =	sadd.s32 $0x8000, s7;
	s5 =	sshra.s32 s5, $0x2;
	s25 =	sadd.s32 $0x10200, s4  }
0x4dd: {  	[hbm4b:s6+s29] =	stream.strided.scatter [tilespmem:s25], [sflag:$0x2], $0x400, s30, s29, $0x38;
	[tilespmem:$0x18200] =	vst v63  }
0x4de: {  	p0 =	sne.s32 s7, $0x18000;
	s7 =	sadd.s32 $0x10600, s4;
	s25 =	sadd.s32 $0x40, s6  }
0x4df: {  	[hbm4b:s25+s29] =	stream.strided.scatter [tilespmem:s7], [sflag:$0x2], $0x400, s30, s29, $0x38;
	[tilespmem:$0x18200] =	vst v63  }
0x4e0: {  	s7 =	sadd.s32 $0x10A00, s4;
	s25 =	sadd.s32 $0x80, s6  }
0x4e1: {  	[hbm4b:s25+s29] =	stream.strided.scatter [tilespmem:s7], [sflag:$0x2], $0x400, s30, s29, $0x38;
	[tilespmem:$0x18200] =	vst v63  }
0x4e2: {  	s7 =	sadd.s32 $0x10E00, s4;
	s25 =	sadd.s32 $0xC0, s6  }
0x4e3: {  	[hbm4b:s25+s29] =	stream.strided.scatter [tilespmem:s7], [sflag:$0x2], $0x400, s30, s29, $0x38;
	[tilespmem:$0x18200] =	vst v63  }
0x4e4: {  	s7 =	sadd.s32 $0x11200, s4;
	s25 =	sadd.s32 $0x100, s6  }
0x4e5: {  	[hbm4b:s25+s29] =	stream.strided.scatter [tilespmem:s7], [sflag:$0x2], $0x400, s30, s29, $0x38;
	[tilespmem:$0x18200] =	vst v63  }
0x4e6: {  	s7 =	sadd.s32 $0x11600, s4;
	s25 =	sadd.s32 $0x140, s6  }
0x4e7: {  	[hbm4b:s25+s29] =	stream.strided.scatter [tilespmem:s7], [sflag:$0x2], $0x400, s30, s29, $0x38;
	[tilespmem:$0x18200] =	vst v63  }
.Ltmp11:
0x4e8: {  	_ = 	snop;
	(pc) =	sbr.rel @p0 .LBB2_24-.Ltmp11, $4  }
0x4e9: {  	s7 =	sadd.s32 $0x11A00, s4;
	s25 =	sadd.s32 $0x180, s6  }
0x4ea: {  	[hbm4b:s25+s29] =	stream.strided.scatter [tilespmem:s7], [sflag:$0x2], $0x400, s30, s29, $0x38;
	[tilespmem:$0x18200] =	vst v63  }
0x4eb: {  	s25 =	sadd.s32 $0x11E00, s4  }
0x4ec: {  	s4 =	sadd.s32 $0x1C0, s6;
	s6 =	sadd.s32 $0x1000, s6;
	s7 =	smov.u32 s31  }
0x4ed: {  	[hbm4b:s4+s29] =	stream.strided.scatter [tilespmem:s25], [sflag:$0x2], $0x400, s30, s29, $0x38;
	[tilespmem:$0x18200] =	vst v63  }
0x4ee: {  	s25 =	sadd.s32 $0x10200, s5  }
0x4ef: {  	[hbm4b:s6+s29] =	stream.strided.scatter [tilespmem:s25], [sflag:$0x2], $0x400, s30, s29, $0x38;
	[tilespmem:$0x18200] =	vst v63  }
0x4f0: {  	s31 =	sadd.s32 $0x10600, s5;
	s7 =	sadd.s32 $0x40, s6  }
0x4f1: {  	[hbm4b:s7+s29] =	stream.strided.scatter [tilespmem:s31], [sflag:$0x2], $0x400, s30, s29, $0x38;
	[tilespmem:$0x18200] =	vst v63  }
0x4f2: {  	s25 =	sadd.s32 $0x10A00, s5;
	s31 =	sadd.s32 $0x80, s6  }
0x4f3: {  	[hbm4b:s31+s29] =	stream.strided.scatter [tilespmem:s25], [sflag:$0x2], $0x400, s30, s29, $0x38;
	[tilespmem:$0x18200] =	vst v63  }
0x4f4: {  	s25 =	sadd.s32 $0x10E00, s5;
	s31 =	sadd.s32 $0xC0, s6  }
0x4f5: {  	[hbm4b:s31+s29] =	stream.strided.scatter [tilespmem:s25], [sflag:$0x2], $0x400, s30, s29, $0x38;
	[tilespmem:$0x18200] =	vst v63  }
0x4f6: {  	s25 =	sadd.s32 $0x11200, s5;
	s31 =	sadd.s32 $0x100, s6  }
0x4f7: {  	[hbm4b:s31+s29] =	stream.strided.scatter [tilespmem:s25], [sflag:$0x2], $0x400, s30, s29, $0x38;
	[tilespmem:$0x18200] =	vst v63  }
0x4f8: {  	s25 =	sadd.s32 $0x11600, s5;
	s31 =	sadd.s32 $0x140, s6  }
0x4f9: {  	[hbm4b:s31+s29] =	stream.strided.scatter [tilespmem:s25], [sflag:$0x2], $0x400, s30, s29, $0x38;
	[tilespmem:$0x18200] =	vst v63  }
0x4fa: {  	s25 =	sadd.s32 $0x11A00, s5;
	s31 =	sadd.s32 $0x180, s6  }
0x4fb: {  	[hbm4b:s31+s29] =	stream.strided.scatter [tilespmem:s25], [sflag:$0x2], $0x400, s30, s29, $0x38;
	[tilespmem:$0x18200] =	vst v63  }
0x4fc: {  	s25 =	sadd.s32 $0x11E00, s5;
	s31 =	sadd.s32 $0x1C0, s6  }
0x4fd: {  	[hbm4b:s31+s29] =	stream.strided.scatter [tilespmem:s25], [sflag:$0x2], $0x400, s30, s29, $0x38;
	[tilespmem:$0x18200] =	vst v63  }
0x4fe: {  	_ =	swait.ge [sflag:s1], $0x8000  }
0x4ff: {  	[sflag:s1] =	ssyncset.done $0x0  }
0x500: {  	[sflag:s1] =	ssyncadd.s32 $0xFFFF8000  }
0x501: {  	v3 =	vld [tilespmem:$0xE0];
	_ =	sdelay $0x4  }
0x502: {  	v4 =	vshll.u32 v3, $0x3  }
0x503: {  	v3 =	vand.u32 $0x7, v3;
	v4 =	vand.u32 $0xFFFFFFC0, v4  }
0x504: {  	v3 =	vor.u32 v3, v4  }
0x505: {  	v4 =	vperm.xlane v3, v0;
	_ =	sdelay $0x1  }
0x506: {  	v4 =	vadd.s32 v1, v4;
	_ =	sdelay $0x3  }
0x507: {  	s4 =	simm.s32 $0x0;
	s6 =	simm.s32 $0x8200  }
0x508: {  	[tilespmem:s6], [sflag:$0x1] =	stream.indirect_vreg.gather [hbm4b:s2+s4], $0x80, v4, vm0, $0xb8;
	[tilespmem:$0x18200] =	vst v63  }
0x509: {  	s7 =	simm.s32 $0x8A00;
	v3 =	vperm.xlane v3, v2  }
0x50a: {  	[tilespmem:s7], [sflag:$0x1] =	stream.indirect_vreg.gather [hbm4b:s8+s4], $0x80, v4, vm0, $0xb8;
	[tilespmem:$0x18200] =	vst v63  }
0x50b: {  	s25 =	simm.s32 $0x9200;
	v3 =	vadd.s32 v1, v3  }
0x50c: {  	[tilespmem:s25], [sflag:$0x1] =	stream.indirect_vreg.gather [hbm4b:s9+s4], $0x80, v4, vm0, $0xb8;
	[tilespmem:$0x18200] =	vst v63  }
0x50d: {  	s31 =	simm.s32 $0x9A00  }
0x50e: {  	[tilespmem:s31], [sflag:$0x1] =	stream.indirect_vreg.gather [hbm4b:s11+s4], $0x80, v4, vm0, $0xb8;
	[tilespmem:$0x18200] =	vst v63  }
0x50f: {  	s6 =	simm.s32 $0xA200  }
0x510: {  	[tilespmem:s6], [sflag:$0x1] =	stream.indirect_vreg.gather [hbm4b:s2+s4], $0x80, v3, vm0, $0xb8;
	[tilespmem:$0x18200] =	vst v63  }
0x511: {  	s7 =	simm.s32 $0xAA00  }
0x512: {  	[tilespmem:s7], [sflag:$0x1] =	stream.indirect_vreg.gather [hbm4b:s8+s4], $0x80, v3, vm0, $0xb8;
	[tilespmem:$0x18200] =	vst v63  }
0x513: {  	s25 =	simm.s32 $0xB200  }
0x514: {  	[tilespmem:s25], [sflag:$0x1] =	stream.indirect_vreg.gather [hbm4b:s9+s4], $0x80, v3, vm0, $0xb8;
	[tilespmem:$0x18200] =	vst v63  }
0x515: {  	s31 =	simm.s32 $0xBA00  }
0x516: {  	[tilespmem:s31], [sflag:$0x1] =	stream.indirect_vreg.gather [hbm4b:s11+s4], $0x80, v3, vm0, $0xb8;
	[tilespmem:$0x18200] =	vst v63  }
0x517: {  	v3 =	vld [tilespmem:$0xF0];
	_ =	sdelay $0x4  }
0x518: {  	v63 =	vshll.u32 v3, $0x3  }
0x519: {  	v3 =	vand.u32 $0x7, v3;
	v4 =	vand.u32 $0xFFFFFFC0, v63  }
0x51a: {  	v3 =	vor.u32 v3, v4  }
0x51b: {  	v4 =	vperm.xlane v3, v0;
	_ =	sdelay $0x1  }
0x51c: {  	v4 =	vadd.s32 v1, v4;
	_ =	sdelay $0x3  }
0x51d: {  	s6 =	simm.s32 $0xC200  }
0x51e: {  	[tilespmem:s6], [sflag:$0x1] =	stream.indirect_vreg.gather [hbm4b:s2+s4], $0x80, v4, vm0, $0xb8;
	[tilespmem:$0x18200] =	vst v63  }
0x51f: {  	s7 =	simm.s32 $0xCA00;
	v3 =	vperm.xlane v3, v2  }
0x520: {  	[tilespmem:s7], [sflag:$0x1] =	stream.indirect_vreg.gather [hbm4b:s8+s4], $0x80, v4, vm0, $0xb8;
	[tilespmem:$0x18200] =	vst v63  }
0x521: {  	s25 =	simm.s32 $0xD200;
	v3 =	vadd.s32 v1, v3  }
0x522: {  	[tilespmem:s25], [sflag:$0x1] =	stream.indirect_vreg.gather [hbm4b:s9+s4], $0x80, v4, vm0, $0xb8;
	[tilespmem:$0x18200] =	vst v63  }
0x523: {  	s31 =	simm.s32 $0xDA00  }
0x524: {  	[tilespmem:s31], [sflag:$0x1] =	stream.indirect_vreg.gather [hbm4b:s11+s4], $0x80, v4, vm0, $0xb8;
	[tilespmem:$0x18200] =	vst v63  }
0x525: {  	s6 =	simm.s32 $0xE200  }
0x526: {  	[tilespmem:s6], [sflag:$0x1] =	stream.indirect_vreg.gather [hbm4b:s2+s4], $0x80, v3, vm0, $0xb8;
	[tilespmem:$0x18200] =	vst v63  }
0x527: {  	s7 =	simm.s32 $0xEA00  }
0x528: {  	[tilespmem:s7], [sflag:$0x1] =	stream.indirect_vreg.gather [hbm4b:s8+s4], $0x80, v3, vm0, $0xb8;
	[tilespmem:$0x18200] =	vst v63  }
0x529: {  	s25 =	simm.s32 $0xF200  }
0x52a: {  	[tilespmem:s25], [sflag:$0x1] =	stream.indirect_vreg.gather [hbm4b:s9+s4], $0x80, v3, vm0, $0xb8;
	[tilespmem:$0x18200] =	vst v63  }
0x52b: {  	s31 =	simm.s32 $0xFA00  }
0x52c: {  	[tilespmem:s31], [sflag:$0x1] =	stream.indirect_vreg.gather [hbm4b:s11+s4], $0x80, v3, vm0, $0xb8;
	[tilespmem:$0x18200] =	vst v63  }
0x52d: {  	_ =	swait.ge [sflag:s0], $0x8000  }
0x52e: {  	[sflag:s0] =	ssyncset.done $0x0  }
0x52f: {  	s5 =	simm.s32 $0x200;
	[sflag:s0] =	ssyncadd.s32 $0xFFFF8000  }
0x530: {  	[hbm4b:s23+s29] =	stream.strided.scatter [tilespmem:s5], [sflag:$0x2], $0x400, s30, s29, $0x38;
	[tilespmem:$0x18200] =	vst v63  }
0x531: {  	s6 =	simm.s32 $0x600;
	s7 =	sadd.s32 $0x40, s23  }
0x532: {  	[hbm4b:s7+s29] =	stream.strided.scatter [tilespmem:s6], [sflag:$0x2], $0x400, s30, s29, $0x38;
	[tilespmem:$0x18200] =	vst v63  }
0x533: {  	s25 =	simm.s32 $0xA00;
	s31 =	sadd.s32 $0x80, s23  }
0x534: {  	[hbm4b:s31+s29] =	stream.strided.scatter [tilespmem:s25], [sflag:$0x2], $0x400, s30, s29, $0x38;
	[tilespmem:$0x18200] =	vst v63  }
0x535: {  	s6 =	simm.s32 $0xE00;
	s7 =	sadd.s32 $0xC0, s23  }
0x536: {  	[hbm4b:s7+s29] =	stream.strided.scatter [tilespmem:s6], [sflag:$0x2], $0x400, s30, s29, $0x38;
	[tilespmem:$0x18200] =	vst v63  }
0x537: {  	s25 =	simm.s32 $0x1200;
	s31 =	sadd.s32 $0x100, s23  }
0x538: {  	[hbm4b:s31+s29] =	stream.strided.scatter [tilespmem:s25], [sflag:$0x2], $0x400, s30, s29, $0x38;
	[tilespmem:$0x18200] =	vst v63  }
0x539: {  	s4 =	sadd.s32 $0x1C0, s23;
	s6 =	simm.s32 $0x1600;
	s7 =	sadd.s32 $0x140, s23  }
0x53a: {  	[hbm4b:s7+s29] =	stream.strided.scatter [tilespmem:s6], [sflag:$0x2], $0x400, s30, s29, $0x38;
	[tilespmem:$0x18200] =	vst v63  }
0x53b: {  	s5 =	simm.s32 $0x2000;
	s25 =	simm.s32 $0x1A00;
	s31 =	sadd.s32 $0x180, s23  }
0x53c: {  	[hbm4b:s31+s29] =	stream.strided.scatter [tilespmem:s25], [sflag:$0x2], $0x400, s30, s29, $0x38;
	[tilespmem:$0x18200] =	vst v63  }
0x53d: {  	s7 =	simm.s32 $0x10000;
	s6 =	sadd.s32 $0x1000, s23;
	s25 =	simm.s32 $0x1E00  }
.LBB2_26:
0x53e: {  	[hbm4b:s4+s29] =	stream.strided.scatter [tilespmem:s25], [sflag:$0x2], $0x400, s30, s29, $0x38;
	[tilespmem:$0x18200] =	vst v63  }
0x53f: {  	s4 =	smov.u32 s5;
	s5 =	smov.u32 s7  }
0x540: {  	s31 =	sadd.s32 $0x8000, s7;
	s5 =	sshra.s32 s5, $0x2;
	s25 =	sadd.s32 $0x200, s4  }
0x541: {  	[hbm4b:s6+s29] =	stream.strided.scatter [tilespmem:s25], [sflag:$0x2], $0x400, s30, s29, $0x38;
	[tilespmem:$0x18200] =	vst v63  }
0x542: {  	p0 =	sne.s32 s7, $0x18000;
	s7 =	sadd.s32 $0x600, s4;
	s25 =	sadd.s32 $0x40, s6  }
0x543: {  	[hbm4b:s25+s29] =	stream.strided.scatter [tilespmem:s7], [sflag:$0x2], $0x400, s30, s29, $0x38;
	[tilespmem:$0x18200] =	vst v63  }
0x544: {  	s7 =	sadd.s32 $0xA00, s4;
	s25 =	sadd.s32 $0x80, s6  }
0x545: {  	[hbm4b:s25+s29] =	stream.strided.scatter [tilespmem:s7], [sflag:$0x2], $0x400, s30, s29, $0x38;
	[tilespmem:$0x18200] =	vst v63  }
0x546: {  	s7 =	sadd.s32 $0xE00, s4;
	s25 =	sadd.s32 $0xC0, s6  }
0x547: {  	[hbm4b:s25+s29] =	stream.strided.scatter [tilespmem:s7], [sflag:$0x2], $0x400, s30, s29, $0x38;
	[tilespmem:$0x18200] =	vst v63  }
0x548: {  	s7 =	sadd.s32 $0x1200, s4;
	s25 =	sadd.s32 $0x100, s6  }
0x549: {  	[hbm4b:s25+s29] =	stream.strided.scatter [tilespmem:s7], [sflag:$0x2], $0x400, s30, s29, $0x38;
	[tilespmem:$0x18200] =	vst v63  }
0x54a: {  	s7 =	sadd.s32 $0x1600, s4;
	s25 =	sadd.s32 $0x140, s6  }
0x54b: {  	[hbm4b:s25+s29] =	stream.strided.scatter [tilespmem:s7], [sflag:$0x2], $0x400, s30, s29, $0x38;
	[tilespmem:$0x18200] =	vst v63  }
.Ltmp12:
0x54c: {  	_ = 	snop;
	(pc) =	sbr.rel @p0 .LBB2_26-.Ltmp12, $4  }
0x54d: {  	s7 =	sadd.s32 $0x1A00, s4;
	s25 =	sadd.s32 $0x180, s6  }
0x54e: {  	[hbm4b:s25+s29] =	stream.strided.scatter [tilespmem:s7], [sflag:$0x2], $0x400, s30, s29, $0x38;
	[tilespmem:$0x18200] =	vst v63  }
0x54f: {  	s25 =	sadd.s32 $0x1E00, s4  }
0x550: {  	s4 =	sadd.s32 $0x1C0, s6;
	s6 =	sadd.s32 $0x1000, s6;
	s7 =	smov.u32 s31  }
0x551: {  	[hbm4b:s4+s29] =	stream.strided.scatter [tilespmem:s25], [sflag:$0x2], $0x400, s30, s29, $0x38;
	[tilespmem:$0x18200] =	vst v63  }
0x552: {  	s25 =	sadd.s32 $0x200, s5  }
0x553: {  	[hbm4b:s6+s29] =	stream.strided.scatter [tilespmem:s25], [sflag:$0x2], $0x400, s30, s29, $0x38;
	[tilespmem:$0x18200] =	vst v63  }
0x554: {  	s31 =	sadd.s32 $0x600, s5;
	s7 =	sadd.s32 $0x40, s6  }
0x555: {  	[hbm4b:s7+s29] =	stream.strided.scatter [tilespmem:s31], [sflag:$0x2], $0x400, s30, s29, $0x38;
	[tilespmem:$0x18200] =	vst v63  }
0x556: {  	s25 =	sadd.s32 $0xA00, s5;
	s31 =	sadd.s32 $0x80, s6  }
0x557: {  	[hbm4b:s31+s29] =	stream.strided.scatter [tilespmem:s25], [sflag:$0x2], $0x400, s30, s29, $0x38;
	[tilespmem:$0x18200] =	vst v63  }
0x558: {  	s25 =	sadd.s32 $0xE00, s5;
	s31 =	sadd.s32 $0xC0, s6  }
0x559: {  	[hbm4b:s31+s29] =	stream.strided.scatter [tilespmem:s25], [sflag:$0x2], $0x400, s30, s29, $0x38;
	[tilespmem:$0x18200] =	vst v63  }
0x55a: {  	s25 =	sadd.s32 $0x1200, s5;
	s31 =	sadd.s32 $0x100, s6  }
0x55b: {  	[hbm4b:s31+s29] =	stream.strided.scatter [tilespmem:s25], [sflag:$0x2], $0x400, s30, s29, $0x38;
	[tilespmem:$0x18200] =	vst v63  }
0x55c: {  	s25 =	sadd.s32 $0x1600, s5;
	s31 =	sadd.s32 $0x140, s6  }
0x55d: {  	[hbm4b:s31+s29] =	stream.strided.scatter [tilespmem:s25], [sflag:$0x2], $0x400, s30, s29, $0x38;
	[tilespmem:$0x18200] =	vst v63  }
0x55e: {  	s25 =	sadd.s32 $0x1A00, s5;
	s31 =	sadd.s32 $0x180, s6  }
0x55f: {  	[hbm4b:s31+s29] =	stream.strided.scatter [tilespmem:s25], [sflag:$0x2], $0x400, s30, s29, $0x38;
	[tilespmem:$0x18200] =	vst v63  }
0x560: {  	s25 =	sadd.s32 $0x1E00, s5;
	s31 =	sadd.s32 $0x1C0, s6  }
0x561: {  	[hbm4b:s31+s29] =	stream.strided.scatter [tilespmem:s25], [sflag:$0x2], $0x400, s30, s29, $0x38;
	[tilespmem:$0x18200] =	vst v63  }
0x562: {  	_ =	swait.ge [sflag:s1], $0x8000  }
0x563: {  	[sflag:s1] =	ssyncset.done $0x0  }
0x564: {  	[sflag:s1] =	ssyncadd.s32 $0xFFFF8000  }
0x565: {  	v3 =	vld [tilespmem:$0x160];
	_ =	sdelay $0x4  }
0x566: {  	v4 =	vshll.u32 v3, $0x3  }
0x567: {  	v3 =	vand.u32 $0x7, v3;
	v4 =	vand.u32 $0xFFFFFFC0, v4  }
0x568: {  	v3 =	vor.u32 v3, v4  }
0x569: {  	v4 =	vperm.xlane v3, v0;
	_ =	sdelay $0x1  }
0x56a: {  	v4 =	vadd.s32 v1, v4;
	_ =	sdelay $0x3  }
0x56b: {  	s4 =	simm.s32 $0x0;
	s6 =	simm.s32 $0x10200  }
0x56c: {  	[tilespmem:s6], [sflag:$0x1] =	stream.indirect_vreg.gather [hbm4b:s2+s4], $0x80, v4, vm0, $0xb8;
	[tilespmem:$0x18200] =	vst v63  }
0x56d: {  	s7 =	simm.s32 $0x10A00;
	v3 =	vperm.xlane v3, v2  }
0x56e: {  	[tilespmem:s7], [sflag:$0x1] =	stream.indirect_vreg.gather [hbm4b:s8+s4], $0x80, v4, vm0, $0xb8;
	[tilespmem:$0x18200] =	vst v63  }
0x56f: {  	s25 =	simm.s32 $0x11200;
	v3 =	vadd.s32 v1, v3  }
0x570: {  	[tilespmem:s25], [sflag:$0x1] =	stream.indirect_vreg.gather [hbm4b:s9+s4], $0x80, v4, vm0, $0xb8;
	[tilespmem:$0x18200] =	vst v63  }
0x571: {  	s31 =	simm.s32 $0x11A00  }
0x572: {  	[tilespmem:s31], [sflag:$0x1] =	stream.indirect_vreg.gather [hbm4b:s11+s4], $0x80, v4, vm0, $0xb8;
	[tilespmem:$0x18200] =	vst v63  }
0x573: {  	s6 =	simm.s32 $0x12200  }
0x574: {  	[tilespmem:s6], [sflag:$0x1] =	stream.indirect_vreg.gather [hbm4b:s2+s4], $0x80, v3, vm0, $0xb8;
	[tilespmem:$0x18200] =	vst v63  }
0x575: {  	s7 =	simm.s32 $0x12A00  }
0x576: {  	[tilespmem:s7], [sflag:$0x1] =	stream.indirect_vreg.gather [hbm4b:s8+s4], $0x80, v3, vm0, $0xb8;
	[tilespmem:$0x18200] =	vst v63  }
0x577: {  	s25 =	simm.s32 $0x13200  }
0x578: {  	[tilespmem:s25], [sflag:$0x1] =	stream.indirect_vreg.gather [hbm4b:s9+s4], $0x80, v3, vm0, $0xb8;
	[tilespmem:$0x18200] =	vst v63  }
0x579: {  	s31 =	simm.s32 $0x13A00  }
0x57a: {  	[tilespmem:s31], [sflag:$0x1] =	stream.indirect_vreg.gather [hbm4b:s11+s4], $0x80, v3, vm0, $0xb8;
	[tilespmem:$0x18200] =	vst v63  }
0x57b: {  	v3 =	vld [tilespmem:$0x170];
	_ =	sdelay $0x4  }
0x57c: {  	v63 =	vshll.u32 v3, $0x3  }
0x57d: {  	v3 =	vand.u32 $0x7, v3;
	v4 =	vand.u32 $0xFFFFFFC0, v63  }
0x57e: {  	v3 =	vor.u32 v3, v4  }
0x57f: {  	v4 =	vperm.xlane v3, v0;
	_ =	sdelay $0x1  }
0x580: {  	v4 =	vadd.s32 v1, v4;
	_ =	sdelay $0x3  }
0x581: {  	s6 =	simm.s32 $0x14200  }
0x582: {  	[tilespmem:s6], [sflag:$0x1] =	stream.indirect_vreg.gather [hbm4b:s2+s4], $0x80, v4, vm0, $0xb8;
	[tilespmem:$0x18200] =	vst v63  }
0x583: {  	s7 =	simm.s32 $0x14A00;
	v3 =	vperm.xlane v3, v2  }
0x584: {  	[tilespmem:s7], [sflag:$0x1] =	stream.indirect_vreg.gather [hbm4b:s8+s4], $0x80, v4, vm0, $0xb8;
	[tilespmem:$0x18200] =	vst v63  }
0x585: {  	s25 =	simm.s32 $0x15200;
	v3 =	vadd.s32 v1, v3  }
0x586: {  	[tilespmem:s25], [sflag:$0x1] =	stream.indirect_vreg.gather [hbm4b:s9+s4], $0x80, v4, vm0, $0xb8;
	[tilespmem:$0x18200] =	vst v63  }
0x587: {  	s31 =	simm.s32 $0x15A00  }
0x588: {  	[tilespmem:s31], [sflag:$0x1] =	stream.indirect_vreg.gather [hbm4b:s11+s4], $0x80, v4, vm0, $0xb8;
	[tilespmem:$0x18200] =	vst v63  }
0x589: {  	s6 =	simm.s32 $0x16200  }
0x58a: {  	[tilespmem:s6], [sflag:$0x1] =	stream.indirect_vreg.gather [hbm4b:s2+s4], $0x80, v3, vm0, $0xb8;
	[tilespmem:$0x18200] =	vst v63  }
0x58b: {  	s7 =	simm.s32 $0x16A00  }
0x58c: {  	[tilespmem:s7], [sflag:$0x1] =	stream.indirect_vreg.gather [hbm4b:s8+s4], $0x80, v3, vm0, $0xb8;
	[tilespmem:$0x18200] =	vst v63  }
0x58d: {  	s25 =	simm.s32 $0x17200  }
0x58e: {  	[tilespmem:s25], [sflag:$0x1] =	stream.indirect_vreg.gather [hbm4b:s9+s4], $0x80, v3, vm0, $0xb8;
	[tilespmem:$0x18200] =	vst v63  }
0x58f: {  	s31 =	simm.s32 $0x17A00  }
0x590: {  	[tilespmem:s31], [sflag:$0x1] =	stream.indirect_vreg.gather [hbm4b:s11+s4], $0x80, v3, vm0, $0xb8;
	[tilespmem:$0x18200] =	vst v63  }
0x591: {  	_ =	swait.ge [sflag:s0], $0x8000  }
0x592: {  	[sflag:s0] =	ssyncset.done $0x0  }
0x593: {  	s5 =	simm.s32 $0x8200;
	[sflag:s0] =	ssyncadd.s32 $0xFFFF8000  }
0x594: {  	[hbm4b:s24+s29] =	stream.strided.scatter [tilespmem:s5], [sflag:$0x2], $0x400, s30, s29, $0x38;
	[tilespmem:$0x18200] =	vst v63  }
0x595: {  	s6 =	simm.s32 $0x8600;
	s7 =	sadd.s32 $0x40, s24  }
0x596: {  	[hbm4b:s7+s29] =	stream.strided.scatter [tilespmem:s6], [sflag:$0x2], $0x400, s30, s29, $0x38;
	[tilespmem:$0x18200] =	vst v63  }
0x597: {  	s25 =	simm.s32 $0x8A00;
	s31 =	sadd.s32 $0x80, s24  }
0x598: {  	[hbm4b:s31+s29] =	stream.strided.scatter [tilespmem:s25], [sflag:$0x2], $0x400, s30, s29, $0x38;
	[tilespmem:$0x18200] =	vst v63  }
0x599: {  	s6 =	simm.s32 $0x8E00;
	s7 =	sadd.s32 $0xC0, s24  }
0x59a: {  	[hbm4b:s7+s29] =	stream.strided.scatter [tilespmem:s6], [sflag:$0x2], $0x400, s30, s29, $0x38;
	[tilespmem:$0x18200] =	vst v63  }
0x59b: {  	s25 =	simm.s32 $0x9200;
	s31 =	sadd.s32 $0x100, s24  }
0x59c: {  	[hbm4b:s31+s29] =	stream.strided.scatter [tilespmem:s25], [sflag:$0x2], $0x400, s30, s29, $0x38;
	[tilespmem:$0x18200] =	vst v63  }
0x59d: {  	s4 =	sadd.s32 $0x1C0, s24;
	s6 =	simm.s32 $0x9600;
	s7 =	sadd.s32 $0x140, s24  }
0x59e: {  	[hbm4b:s7+s29] =	stream.strided.scatter [tilespmem:s6], [sflag:$0x2], $0x400, s30, s29, $0x38;
	[tilespmem:$0x18200] =	vst v63  }
0x59f: {  	s5 =	simm.s32 $0x2000;
	s25 =	simm.s32 $0x9A00;
	s31 =	sadd.s32 $0x180, s24  }
0x5a0: {  	[hbm4b:s31+s29] =	stream.strided.scatter [tilespmem:s25], [sflag:$0x2], $0x400, s30, s29, $0x38;
	[tilespmem:$0x18200] =	vst v63  }
0x5a1: {  	s7 =	simm.s32 $0x10000;
	s6 =	sadd.s32 $0x1000, s24;
	s25 =	simm.s32 $0x9E00  }
.LBB2_28:
0x5a2: {  	[hbm4b:s4+s29] =	stream.strided.scatter [tilespmem:s25], [sflag:$0x2], $0x400, s30, s29, $0x38;
	[tilespmem:$0x18200] =	vst v63  }
0x5a3: {  	s4 =	smov.u32 s5;
	s5 =	smov.u32 s7  }
0x5a4: {  	s31 =	sadd.s32 $0x8000, s7;
	s5 =	sshra.s32 s5, $0x2;
	s25 =	sadd.s32 $0x8200, s4  }
0x5a5: {  	[hbm4b:s6+s29] =	stream.strided.scatter [tilespmem:s25], [sflag:$0x2], $0x400, s30, s29, $0x38;
	[tilespmem:$0x18200] =	vst v63  }
0x5a6: {  	p0 =	sne.s32 s7, $0x18000;
	s7 =	sadd.s32 $0x8600, s4;
	s25 =	sadd.s32 $0x40, s6  }
0x5a7: {  	[hbm4b:s25+s29] =	stream.strided.scatter [tilespmem:s7], [sflag:$0x2], $0x400, s30, s29, $0x38;
	[tilespmem:$0x18200] =	vst v63  }
0x5a8: {  	s7 =	sadd.s32 $0x8A00, s4;
	s25 =	sadd.s32 $0x80, s6  }
0x5a9: {  	[hbm4b:s25+s29] =	stream.strided.scatter [tilespmem:s7], [sflag:$0x2], $0x400, s30, s29, $0x38;
	[tilespmem:$0x18200] =	vst v63  }
0x5aa: {  	s7 =	sadd.s32 $0x8E00, s4;
	s25 =	sadd.s32 $0xC0, s6  }
0x5ab: {  	[hbm4b:s25+s29] =	stream.strided.scatter [tilespmem:s7], [sflag:$0x2], $0x400, s30, s29, $0x38;
	[tilespmem:$0x18200] =	vst v63  }
0x5ac: {  	s7 =	sadd.s32 $0x9200, s4;
	s25 =	sadd.s32 $0x100, s6  }
0x5ad: {  	[hbm4b:s25+s29] =	stream.strided.scatter [tilespmem:s7], [sflag:$0x2], $0x400, s30, s29, $0x38;
	[tilespmem:$0x18200] =	vst v63  }
0x5ae: {  	s7 =	sadd.s32 $0x9600, s4;
	s25 =	sadd.s32 $0x140, s6  }
0x5af: {  	[hbm4b:s25+s29] =	stream.strided.scatter [tilespmem:s7], [sflag:$0x2], $0x400, s30, s29, $0x38;
	[tilespmem:$0x18200] =	vst v63  }
.Ltmp13:
0x5b0: {  	_ = 	snop;
	(pc) =	sbr.rel @p0 .LBB2_28-.Ltmp13, $4  }
0x5b1: {  	s7 =	sadd.s32 $0x9A00, s4;
	s25 =	sadd.s32 $0x180, s6  }
0x5b2: {  	[hbm4b:s25+s29] =	stream.strided.scatter [tilespmem:s7], [sflag:$0x2], $0x400, s30, s29, $0x38;
	[tilespmem:$0x18200] =	vst v63  }
0x5b3: {  	s25 =	sadd.s32 $0x9E00, s4  }
0x5b4: {  	s4 =	sadd.s32 $0x1C0, s6;
	s6 =	sadd.s32 $0x1000, s6;
	s7 =	smov.u32 s31  }
0x5b5: {  	[hbm4b:s4+s29] =	stream.strided.scatter [tilespmem:s25], [sflag:$0x2], $0x400, s30, s29, $0x38;
	[tilespmem:$0x18200] =	vst v63  }
0x5b6: {  	s25 =	sadd.s32 $0x8200, s5  }
0x5b7: {  	[hbm4b:s6+s29] =	stream.strided.scatter [tilespmem:s25], [sflag:$0x2], $0x400, s30, s29, $0x38;
	[tilespmem:$0x18200] =	vst v63  }
0x5b8: {  	s31 =	sadd.s32 $0x8600, s5;
	s7 =	sadd.s32 $0x40, s6  }
0x5b9: {  	[hbm4b:s7+s29] =	stream.strided.scatter [tilespmem:s31], [sflag:$0x2], $0x400, s30, s29, $0x38;
	[tilespmem:$0x18200] =	vst v63  }
0x5ba: {  	s25 =	sadd.s32 $0x8A00, s5;
	s31 =	sadd.s32 $0x80, s6  }
0x5bb: {  	[hbm4b:s31+s29] =	stream.strided.scatter [tilespmem:s25], [sflag:$0x2], $0x400, s30, s29, $0x38;
	[tilespmem:$0x18200] =	vst v63  }
0x5bc: {  	s25 =	sadd.s32 $0x8E00, s5;
	s31 =	sadd.s32 $0xC0, s6  }
0x5bd: {  	[hbm4b:s31+s29] =	stream.strided.scatter [tilespmem:s25], [sflag:$0x2], $0x400, s30, s29, $0x38;
	[tilespmem:$0x18200] =	vst v63  }
0x5be: {  	s25 =	sadd.s32 $0x9200, s5;
	s31 =	sadd.s32 $0x100, s6  }
0x5bf: {  	[hbm4b:s31+s29] =	stream.strided.scatter [tilespmem:s25], [sflag:$0x2], $0x400, s30, s29, $0x38;
	[tilespmem:$0x18200] =	vst v63  }
0x5c0: {  	s25 =	sadd.s32 $0x9600, s5;
	s31 =	sadd.s32 $0x140, s6  }
0x5c1: {  	[hbm4b:s31+s29] =	stream.strided.scatter [tilespmem:s25], [sflag:$0x2], $0x400, s30, s29, $0x38;
	[tilespmem:$0x18200] =	vst v63  }
0x5c2: {  	s25 =	sadd.s32 $0x9A00, s5;
	s31 =	sadd.s32 $0x180, s6  }
0x5c3: {  	[hbm4b:s31+s29] =	stream.strided.scatter [tilespmem:s25], [sflag:$0x2], $0x400, s30, s29, $0x38;
	[tilespmem:$0x18200] =	vst v63  }
0x5c4: {  	s25 =	sadd.s32 $0x9E00, s5;
	s31 =	sadd.s32 $0x1C0, s6  }
0x5c5: {  	[hbm4b:s31+s29] =	stream.strided.scatter [tilespmem:s25], [sflag:$0x2], $0x400, s30, s29, $0x38;
	[tilespmem:$0x18200] =	vst v63  }
0x5c6: {  	_ =	swait.ge [sflag:s1], $0x8000  }
0x5c7: {  	[sflag:s1] =	ssyncset.done $0x0  }
0x5c8: {  	[sflag:s1] =	ssyncadd.s32 $0xFFFF8000  }
0x5c9: {  	v3 =	vld [tilespmem:$0x1E0];
	_ =	sdelay $0x4  }
0x5ca: {  	v4 =	vshll.u32 v3, $0x3  }
0x5cb: {  	v3 =	vand.u32 $0x7, v3;
	v4 =	vand.u32 $0xFFFFFFC0, v4  }
0x5cc: {  	v3 =	vor.u32 v3, v4  }
0x5cd: {  	v4 =	vperm.xlane v3, v0;
	_ =	sdelay $0x1  }
0x5ce: {  	v4 =	vadd.s32 v1, v4;
	_ =	sdelay $0x3  }
0x5cf: {  	s4 =	simm.s32 $0x0;
	s6 =	simm.s32 $0x200  }
0x5d0: {  	[tilespmem:s6], [sflag:$0x1] =	stream.indirect_vreg.gather [hbm4b:s2+s4], $0x80, v4, vm0, $0xb8;
	[tilespmem:$0x18200] =	vst v63  }
0x5d1: {  	s7 =	simm.s32 $0xA00;
	v3 =	vperm.xlane v3, v2  }
0x5d2: {  	[tilespmem:s7], [sflag:$0x1] =	stream.indirect_vreg.gather [hbm4b:s8+s4], $0x80, v4, vm0, $0xb8;
	[tilespmem:$0x18200] =	vst v63  }
0x5d3: {  	s25 =	simm.s32 $0x1200;
	v3 =	vadd.s32 v1, v3  }
0x5d4: {  	[tilespmem:s25], [sflag:$0x1] =	stream.indirect_vreg.gather [hbm4b:s9+s4], $0x80, v4, vm0, $0xb8;
	[tilespmem:$0x18200] =	vst v63  }
0x5d5: {  	s31 =	simm.s32 $0x1A00  }
0x5d6: {  	[tilespmem:s31], [sflag:$0x1] =	stream.indirect_vreg.gather [hbm4b:s11+s4], $0x80, v4, vm0, $0xb8;
	[tilespmem:$0x18200] =	vst v63  }
0x5d7: {  	s6 =	simm.s32 $0x2200  }
0x5d8: {  	[tilespmem:s6], [sflag:$0x1] =	stream.indirect_vreg.gather [hbm4b:s2+s4], $0x80, v3, vm0, $0xb8;
	[tilespmem:$0x18200] =	vst v63  }
0x5d9: {  	s7 =	simm.s32 $0x2A00  }
0x5da: {  	[tilespmem:s7], [sflag:$0x1] =	stream.indirect_vreg.gather [hbm4b:s8+s4], $0x80, v3, vm0, $0xb8;
	[tilespmem:$0x18200] =	vst v63  }
0x5db: {  	s25 =	simm.s32 $0x3200  }
0x5dc: {  	[tilespmem:s25], [sflag:$0x1] =	stream.indirect_vreg.gather [hbm4b:s9+s4], $0x80, v3, vm0, $0xb8;
	[tilespmem:$0x18200] =	vst v63  }
0x5dd: {  	s31 =	simm.s32 $0x3A00  }
0x5de: {  	[tilespmem:s31], [sflag:$0x1] =	stream.indirect_vreg.gather [hbm4b:s11+s4], $0x80, v3, vm0, $0xb8;
	[tilespmem:$0x18200] =	vst v63  }
0x5df: {  	v3 =	vld [tilespmem:$0x1F0];
	_ =	sdelay $0x4  }
0x5e0: {  	v63 =	vshll.u32 v3, $0x3  }
0x5e1: {  	v3 =	vand.u32 $0x7, v3;
	v4 =	vand.u32 $0xFFFFFFC0, v63  }
0x5e2: {  	v3 =	vor.u32 v3, v4  }
0x5e3: {  	v4 =	vperm.xlane v3, v0;
	_ =	sdelay $0x1  }
0x5e4: {  	v4 =	vadd.s32 v1, v4;
	_ =	sdelay $0x3  }
0x5e5: {  	s6 =	simm.s32 $0x4200  }
0x5e6: {  	[tilespmem:s6], [sflag:$0x1] =	stream.indirect_vreg.gather [hbm4b:s2+s4], $0x80, v4, vm0, $0xb8;
	[tilespmem:$0x18200] =	vst v63  }
0x5e7: {  	s7 =	simm.s32 $0x4A00;
	v3 =	vperm.xlane v3, v2  }
0x5e8: {  	[tilespmem:s7], [sflag:$0x1] =	stream.indirect_vreg.gather [hbm4b:s8+s4], $0x80, v4, vm0, $0xb8;
	[tilespmem:$0x18200] =	vst v63  }
0x5e9: {  	s25 =	simm.s32 $0x5200;
	v3 =	vadd.s32 v1, v3  }
0x5ea: {  	[tilespmem:s25], [sflag:$0x1] =	stream.indirect_vreg.gather [hbm4b:s9+s4], $0x80, v4, vm0, $0xb8;
	[tilespmem:$0x18200] =	vst v63  }
0x5eb: {  	s31 =	simm.s32 $0x5A00  }
0x5ec: {  	[tilespmem:s31], [sflag:$0x1] =	stream.indirect_vreg.gather [hbm4b:s11+s4], $0x80, v4, vm0, $0xb8;
	[tilespmem:$0x18200] =	vst v63  }
0x5ed: {  	s6 =	simm.s32 $0x6200  }
0x5ee: {  	[tilespmem:s6], [sflag:$0x1] =	stream.indirect_vreg.gather [hbm4b:s2+s4], $0x80, v3, vm0, $0xb8;
	[tilespmem:$0x18200] =	vst v63  }
0x5ef: {  	s7 =	simm.s32 $0x6A00  }
0x5f0: {  	[tilespmem:s7], [sflag:$0x1] =	stream.indirect_vreg.gather [hbm4b:s8+s4], $0x80, v3, vm0, $0xb8;
	[tilespmem:$0x18200] =	vst v63  }
0x5f1: {  	s25 =	simm.s32 $0x7200  }
0x5f2: {  	[tilespmem:s25], [sflag:$0x1] =	stream.indirect_vreg.gather [hbm4b:s9+s4], $0x80, v3, vm0, $0xb8;
	[tilespmem:$0x18200] =	vst v63  }
0x5f3: {  	s31 =	simm.s32 $0x7A00  }
0x5f4: {  	[tilespmem:s31], [sflag:$0x1] =	stream.indirect_vreg.gather [hbm4b:s11+s4], $0x80, v3, vm0, $0xb8;
	[tilespmem:$0x18200] =	vst v63  }
0x5f5: {  	_ =	swait.ge [sflag:s0], $0x8000  }
0x5f6: {  	[sflag:s0] =	ssyncset.done $0x0  }
0x5f7: {  	s5 =	simm.s32 $0x10200;
	[sflag:s0] =	ssyncadd.s32 $0xFFFF8000  }
0x5f8: {  	[hbm4b:s26+s29] =	stream.strided.scatter [tilespmem:s5], [sflag:$0x2], $0x400, s30, s29, $0x38;
	[tilespmem:$0x18200] =	vst v63  }
0x5f9: {  	s6 =	simm.s32 $0x10600;
	s7 =	sadd.s32 $0x40, s26  }
0x5fa: {  	[hbm4b:s7+s29] =	stream.strided.scatter [tilespmem:s6], [sflag:$0x2], $0x400, s30, s29, $0x38;
	[tilespmem:$0x18200] =	vst v63  }
0x5fb: {  	s25 =	simm.s32 $0x10A00;
	s31 =	sadd.s32 $0x80, s26  }
0x5fc: {  	[hbm4b:s31+s29] =	stream.strided.scatter [tilespmem:s25], [sflag:$0x2], $0x400, s30, s29, $0x38;
	[tilespmem:$0x18200] =	vst v63  }
0x5fd: {  	s6 =	simm.s32 $0x10E00;
	s7 =	sadd.s32 $0xC0, s26  }
0x5fe: {  	[hbm4b:s7+s29] =	stream.strided.scatter [tilespmem:s6], [sflag:$0x2], $0x400, s30, s29, $0x38;
	[tilespmem:$0x18200] =	vst v63  }
0x5ff: {  	s25 =	simm.s32 $0x11200;
	s31 =	sadd.s32 $0x100, s26  }
0x600: {  	[hbm4b:s31+s29] =	stream.strided.scatter [tilespmem:s25], [sflag:$0x2], $0x400, s30, s29, $0x38;
	[tilespmem:$0x18200] =	vst v63  }
0x601: {  	s4 =	sadd.s32 $0x1C0, s26;
	s6 =	simm.s32 $0x11600;
	s7 =	sadd.s32 $0x140, s26  }
0x602: {  	[hbm4b:s7+s29] =	stream.strided.scatter [tilespmem:s6], [sflag:$0x2], $0x400, s30, s29, $0x38;
	[tilespmem:$0x18200] =	vst v63  }
0x603: {  	s5 =	simm.s32 $0x2000;
	s25 =	simm.s32 $0x11A00;
	s31 =	sadd.s32 $0x180, s26  }
0x604: {  	[hbm4b:s31+s29] =	stream.strided.scatter [tilespmem:s25], [sflag:$0x2], $0x400, s30, s29, $0x38;
	[tilespmem:$0x18200] =	vst v63  }
0x605: {  	s7 =	simm.s32 $0x10000;
	s6 =	sadd.s32 $0x1000, s26;
	s25 =	simm.s32 $0x11E00  }
.LBB2_30:
0x606: {  	[hbm4b:s4+s29] =	stream.strided.scatter [tilespmem:s25], [sflag:$0x2], $0x400, s30, s29, $0x38;
	[tilespmem:$0x18200] =	vst v63  }
0x607: {  	s4 =	smov.u32 s5;
	s5 =	smov.u32 s7  }
0x608: {  	s31 =	sadd.s32 $0x8000, s7;
	s5 =	sshra.s32 s5, $0x2;
	s25 =	sadd.s32 $0x10200, s4  }
0x609: {  	[hbm4b:s6+s29] =	stream.strided.scatter [tilespmem:s25], [sflag:$0x2], $0x400, s30, s29, $0x38;
	[tilespmem:$0x18200] =	vst v63  }
0x60a: {  	p0 =	sne.s32 s7, $0x18000;
	s7 =	sadd.s32 $0x10600, s4;
	s25 =	sadd.s32 $0x40, s6  }
0x60b: {  	[hbm4b:s25+s29] =	stream.strided.scatter [tilespmem:s7], [sflag:$0x2], $0x400, s30, s29, $0x38;
	[tilespmem:$0x18200] =	vst v63  }
0x60c: {  	s7 =	sadd.s32 $0x10A00, s4;
	s25 =	sadd.s32 $0x80, s6  }
0x60d: {  	[hbm4b:s25+s29] =	stream.strided.scatter [tilespmem:s7], [sflag:$0x2], $0x400, s30, s29, $0x38;
	[tilespmem:$0x18200] =	vst v63  }
0x60e: {  	s7 =	sadd.s32 $0x10E00, s4;
	s25 =	sadd.s32 $0xC0, s6  }
0x60f: {  	[hbm4b:s25+s29] =	stream.strided.scatter [tilespmem:s7], [sflag:$0x2], $0x400, s30, s29, $0x38;
	[tilespmem:$0x18200] =	vst v63  }
0x610: {  	s7 =	sadd.s32 $0x11200, s4;
	s25 =	sadd.s32 $0x100, s6  }
0x611: {  	[hbm4b:s25+s29] =	stream.strided.scatter [tilespmem:s7], [sflag:$0x2], $0x400, s30, s29, $0x38;
	[tilespmem:$0x18200] =	vst v63  }
0x612: {  	s7 =	sadd.s32 $0x11600, s4;
	s25 =	sadd.s32 $0x140, s6  }
0x613: {  	[hbm4b:s25+s29] =	stream.strided.scatter [tilespmem:s7], [sflag:$0x2], $0x400, s30, s29, $0x38;
	[tilespmem:$0x18200] =	vst v63  }
.Ltmp14:
0x614: {  	_ = 	snop;
	(pc) =	sbr.rel @p0 .LBB2_30-.Ltmp14, $4  }
0x615: {  	s7 =	sadd.s32 $0x11A00, s4;
	s25 =	sadd.s32 $0x180, s6  }
0x616: {  	[hbm4b:s25+s29] =	stream.strided.scatter [tilespmem:s7], [sflag:$0x2], $0x400, s30, s29, $0x38;
	[tilespmem:$0x18200] =	vst v63  }
0x617: {  	s25 =	sadd.s32 $0x11E00, s4  }
0x618: {  	s4 =	sadd.s32 $0x1C0, s6;
	s6 =	sadd.s32 $0x1000, s6;
	s7 =	smov.u32 s31  }
0x619: {  	[hbm4b:s4+s29] =	stream.strided.scatter [tilespmem:s25], [sflag:$0x2], $0x400, s30, s29, $0x38;
	[tilespmem:$0x18200] =	vst v63  }
0x61a: {  	s25 =	sadd.s32 $0x10200, s5  }
0x61b: {  	[hbm4b:s6+s29] =	stream.strided.scatter [tilespmem:s25], [sflag:$0x2], $0x400, s30, s29, $0x38;
	[tilespmem:$0x18200] =	vst v63  }
0x61c: {  	s31 =	sadd.s32 $0x10600, s5;
	s7 =	sadd.s32 $0x40, s6  }
0x61d: {  	[hbm4b:s7+s29] =	stream.strided.scatter [tilespmem:s31], [sflag:$0x2], $0x400, s30, s29, $0x38;
	[tilespmem:$0x18200] =	vst v63  }
0x61e: {  	s25 =	sadd.s32 $0x10A00, s5;
	s31 =	sadd.s32 $0x80, s6  }
0x61f: {  	[hbm4b:s31+s29] =	stream.strided.scatter [tilespmem:s25], [sflag:$0x2], $0x400, s30, s29, $0x38;
	[tilespmem:$0x18200] =	vst v63  }
0x620: {  	s25 =	sadd.s32 $0x10E00, s5;
	s31 =	sadd.s32 $0xC0, s6  }
0x621: {  	[hbm4b:s31+s29] =	stream.strided.scatter [tilespmem:s25], [sflag:$0x2], $0x400, s30, s29, $0x38;
	[tilespmem:$0x18200] =	vst v63  }
0x622: {  	s25 =	sadd.s32 $0x11200, s5;
	s31 =	sadd.s32 $0x100, s6  }
0x623: {  	[hbm4b:s31+s29] =	stream.strided.scatter [tilespmem:s25], [sflag:$0x2], $0x400, s30, s29, $0x38;
	[tilespmem:$0x18200] =	vst v63  }
0x624: {  	s25 =	sadd.s32 $0x11600, s5;
	s31 =	sadd.s32 $0x140, s6  }
0x625: {  	[hbm4b:s31+s29] =	stream.strided.scatter [tilespmem:s25], [sflag:$0x2], $0x400, s30, s29, $0x38;
	[tilespmem:$0x18200] =	vst v63  }
0x626: {  	s25 =	sadd.s32 $0x11A00, s5;
	s31 =	sadd.s32 $0x180, s6  }
0x627: {  	[hbm4b:s31+s29] =	stream.strided.scatter [tilespmem:s25], [sflag:$0x2], $0x400, s30, s29, $0x38;
	[tilespmem:$0x18200] =	vst v63  }
0x628: {  	s25 =	sadd.s32 $0x11E00, s5;
	s31 =	sadd.s32 $0x1C0, s6  }
0x629: {  	[hbm4b:s31+s29] =	stream.strided.scatter [tilespmem:s25], [sflag:$0x2], $0x400, s30, s29, $0x38;
	[tilespmem:$0x18200] =	vst v63  }
0x62a: {  	_ =	swait.ge [sflag:s0], $0x8000  }
0x62b: {  	[sflag:s0] =	ssyncset.done $0x0  }
0x62c: {  	s5 =	simm.s32 $0x200;
	[sflag:s0] =	ssyncadd.s32 $0xFFFF8000  }
0x62d: {  	[hbm4b:s28+s29] =	stream.strided.scatter [tilespmem:s5], [sflag:$0x2], $0x400, s30, s29, $0x38;
	[tilespmem:$0x18200] =	vst v63  }
0x62e: {  	s7 =	sadd.s32 $0x40, s28;
	s6 =	simm.s32 $0x600  }
0x62f: {  	[hbm4b:s7+s29] =	stream.strided.scatter [tilespmem:s6], [sflag:$0x2], $0x400, s30, s29, $0x38;
	[tilespmem:$0x18200] =	vst v63  }
0x630: {  	s25 =	simm.s32 $0xA00;
	s31 =	sadd.s32 $0x80, s28  }
0x631: {  	[hbm4b:s31+s29] =	stream.strided.scatter [tilespmem:s25], [sflag:$0x2], $0x400, s30, s29, $0x38;
	[tilespmem:$0x18200] =	vst v63  }
0x632: {  	s6 =	simm.s32 $0xE00;
	s7 =	sadd.s32 $0xC0, s28  }
0x633: {  	[hbm4b:s7+s29] =	stream.strided.scatter [tilespmem:s6], [sflag:$0x2], $0x400, s30, s29, $0x38;
	[tilespmem:$0x18200] =	vst v63  }
0x634: {  	s25 =	simm.s32 $0x1200;
	s31 =	sadd.s32 $0x100, s28  }
0x635: {  	[hbm4b:s31+s29] =	stream.strided.scatter [tilespmem:s25], [sflag:$0x2], $0x400, s30, s29, $0x38;
	[tilespmem:$0x18200] =	vst v63  }
0x636: {  	s4 =	sadd.s32 $0x1C0, s28;
	s6 =	simm.s32 $0x1600;
	s7 =	sadd.s32 $0x140, s28  }
0x637: {  	[hbm4b:s7+s29] =	stream.strided.scatter [tilespmem:s6], [sflag:$0x2], $0x400, s30, s29, $0x38;
	[tilespmem:$0x18200] =	vst v63  }
0x638: {  	s5 =	simm.s32 $0x2000;
	s25 =	simm.s32 $0x1A00;
	s31 =	sadd.s32 $0x180, s28  }
0x639: {  	[hbm4b:s31+s29] =	stream.strided.scatter [tilespmem:s25], [sflag:$0x2], $0x400, s30, s29, $0x38;
	[tilespmem:$0x18200] =	vst v63  }
0x63a: {  	s7 =	simm.s32 $0x10000;
	s6 =	sadd.s32 $0x1000, s28;
	s25 =	simm.s32 $0x1E00  }
.LBB2_32:
0x63b: {  	[hbm4b:s4+s29] =	stream.strided.scatter [tilespmem:s25], [sflag:$0x2], $0x400, s30, s29, $0x38;
	[tilespmem:$0x18200] =	vst v63  }
0x63c: {  	s4 =	smov.u32 s5;
	s5 =	smov.u32 s7  }
0x63d: {  	s31 =	sadd.s32 $0x8000, s7;
	s5 =	sshra.s32 s5, $0x2;
	s25 =	sadd.s32 $0x200, s4  }
0x63e: {  	[hbm4b:s6+s29] =	stream.strided.scatter [tilespmem:s25], [sflag:$0x2], $0x400, s30, s29, $0x38;
	[tilespmem:$0x18200] =	vst v63  }
0x63f: {  	p0 =	sne.s32 s7, $0x18000;
	s7 =	sadd.s32 $0x600, s4;
	s25 =	sadd.s32 $0x40, s6  }
0x640: {  	[hbm4b:s25+s29] =	stream.strided.scatter [tilespmem:s7], [sflag:$0x2], $0x400, s30, s29, $0x38;
	[tilespmem:$0x18200] =	vst v63  }
0x641: {  	s7 =	sadd.s32 $0xA00, s4;
	s25 =	sadd.s32 $0x80, s6  }
0x642: {  	[hbm4b:s25+s29] =	stream.strided.scatter [tilespmem:s7], [sflag:$0x2], $0x400, s30, s29, $0x38;
	[tilespmem:$0x18200] =	vst v63  }
0x643: {  	s7 =	sadd.s32 $0xE00, s4;
	s25 =	sadd.s32 $0xC0, s6  }
0x644: {  	[hbm4b:s25+s29] =	stream.strided.scatter [tilespmem:s7], [sflag:$0x2], $0x400, s30, s29, $0x38;
	[tilespmem:$0x18200] =	vst v63  }
0x645: {  	s7 =	sadd.s32 $0x1200, s4;
	s25 =	sadd.s32 $0x100, s6  }
0x646: {  	[hbm4b:s25+s29] =	stream.strided.scatter [tilespmem:s7], [sflag:$0x2], $0x400, s30, s29, $0x38;
	[tilespmem:$0x18200] =	vst v63  }
0x647: {  	s7 =	sadd.s32 $0x1600, s4;
	s25 =	sadd.s32 $0x140, s6  }
0x648: {  	[hbm4b:s25+s29] =	stream.strided.scatter [tilespmem:s7], [sflag:$0x2], $0x400, s30, s29, $0x38;
	[tilespmem:$0x18200] =	vst v63  }
.Ltmp15:
0x649: {  	_ = 	snop;
	(pc) =	sbr.rel @p0 .LBB2_32-.Ltmp15, $4  }
0x64a: {  	s7 =	sadd.s32 $0x1A00, s4;
	s25 =	sadd.s32 $0x180, s6  }
0x64b: {  	[hbm4b:s25+s29] =	stream.strided.scatter [tilespmem:s7], [sflag:$0x2], $0x400, s30, s29, $0x38;
	[tilespmem:$0x18200] =	vst v63  }
0x64c: {  	s25 =	sadd.s32 $0x1E00, s4  }
0x64d: {  	s4 =	sadd.s32 $0x1C0, s6;
	s6 =	sadd.s32 $0x1000, s6;
	s7 =	smov.u32 s31  }
0x64e: {  	[hbm4b:s4+s29] =	stream.strided.scatter [tilespmem:s25], [sflag:$0x2], $0x400, s30, s29, $0x38;
	[tilespmem:$0x18200] =	vst v63  }
0x64f: {  	s25 =	sadd.s32 $0x200, s5  }
0x650: {  	[hbm4b:s6+s29] =	stream.strided.scatter [tilespmem:s25], [sflag:$0x2], $0x400, s30, s29, $0x38;
	[tilespmem:$0x18200] =	vst v63  }
0x651: {  	s31 =	sadd.s32 $0x600, s5;
	s7 =	sadd.s32 $0x40, s6  }
0x652: {  	[hbm4b:s7+s29] =	stream.strided.scatter [tilespmem:s31], [sflag:$0x2], $0x400, s30, s29, $0x38;
	[tilespmem:$0x18200] =	vst v63  }
0x653: {  	s25 =	sadd.s32 $0xA00, s5;
	s31 =	sadd.s32 $0x80, s6  }
0x654: {  	[hbm4b:s31+s29] =	stream.strided.scatter [tilespmem:s25], [sflag:$0x2], $0x400, s30, s29, $0x38;
	[tilespmem:$0x18200] =	vst v63  }
0x655: {  	s25 =	sadd.s32 $0xE00, s5;
	s31 =	sadd.s32 $0xC0, s6  }
0x656: {  	[hbm4b:s31+s29] =	stream.strided.scatter [tilespmem:s25], [sflag:$0x2], $0x400, s30, s29, $0x38;
	[tilespmem:$0x18200] =	vst v63  }
0x657: {  	s25 =	sadd.s32 $0x1200, s5;
	s31 =	sadd.s32 $0x100, s6  }
0x658: {  	[hbm4b:s31+s29] =	stream.strided.scatter [tilespmem:s25], [sflag:$0x2], $0x400, s30, s29, $0x38;
	[tilespmem:$0x18200] =	vst v63  }
0x659: {  	s25 =	sadd.s32 $0x1600, s5;
	s31 =	sadd.s32 $0x140, s6  }
0x65a: {  	[hbm4b:s31+s29] =	stream.strided.scatter [tilespmem:s25], [sflag:$0x2], $0x400, s30, s29, $0x38;
	[tilespmem:$0x18200] =	vst v63  }
0x65b: {  	s25 =	sadd.s32 $0x1A00, s5;
	s31 =	sadd.s32 $0x180, s6  }
0x65c: {  	[hbm4b:s31+s29] =	stream.strided.scatter [tilespmem:s25], [sflag:$0x2], $0x400, s30, s29, $0x38;
	[tilespmem:$0x18200] =	vst v63  }
0x65d: {  	s7 =	sadd.s32 $0x1C0, s6;
	s5 =	sadd.s32 $0x1E00, s5  }
0x65e: {  	[hbm4b:s7+s29] =	stream.strided.scatter [tilespmem:s5], [sflag:$0x2], $0x400, s30, s29, $0x38;
	[tilespmem:$0x18200] =	vst v63  }
0x65f: {  	_ =	swait.ge [sflag:s1], $0x8000  }
0x660: {  	[sflag:s1] =	ssyncset.done $0x0  }
0x661: {  	[sflag:s1] =	ssyncadd.s32 $0xFFFF8000  }
0x662: {  	_ =	swait.ge [sflag:s1], $0x8000  }
0x663: {  	[sflag:s1] =	ssyncset.done $0x0  }
0x664: {  	[sflag:s1] =	ssyncadd.s32 $0xFFFF8000  }
0x665: {  	_ =	swait.ge [sflag:s1], $0x8000  }
0x666: {  	s25 =	rddreg [dreg:$0x9]  }
0x667: {  	s31 =	rddreg [dreg:$0x8];
	s5 =	sadd.s32 $0x1, s25  }
0x668: {  	p0 =	sne.s32 s5, s31  }
.Ltmp16:
0x669: {  	_ = 	snop;
	(pc) =	sbr.rel @p0 .LBB2_1-.Ltmp16, $3  }
0x66a: {  	_ =	sdelay $0x1  }
0x66b: {  	[sflag:s1] =	ssyncset.done $0x0  }
0x66c: {  	[sflag:s1] =	ssyncadd.s32 $0xFFFF8000  }
0x66d: {  	_ =	sfence.sel $0x180000  }
0x66e: {  	[bflag:$0x0] =	sbarrier.arrive $0xFFFF  }
0x66f: {  	_ =	strace $0x90000047  }
0x670: {  	s0 =	stileid.u32;
	[bflag:$0x2] =	sbarrier.arrive $0xFFFF  }
0x671: {  	p0 =	sne.s32 s0, $0x0;
	s0 =	rddreg [dreg:$0x3]  }
0x672: {  	s0 =	sadd.s32 @!p0 $0x100000, s0  }
0x673: {  	[sflag:s0] =	ssyncadd.tile.s32 @!p0 $0x1;
	_ =	shalt  }
.Lfunc_end2:
_tile_overlayer_lowered:
.L_overlay_start_2:
0x674: {  	(tag) =	ssettag $0x2  }
0x675: {  	s0 =	rddreg [dreg:$0x0];
	s2 =	stileid.u32  }
0x676: {  	s1 =	rddreg [dreg:$0x1];
	p0 =	sne.s32 s2, $0x0  }
0x677: {  	s3 =	rddreg [dreg:$0x2];
	[bflag:$0x3] =	sbarrier.arrive $0xFFFF;
	s2 =	simm.s32 @!p0 $0x1C03  }
0x678: {  	[timem:s3], [sflag:s2] =	dma.local @!p0 [hbm:s0], s1  }
0x679: {  	s0 =	simm.s32 @!p0 $0x3  }
0x67a: {  	_ =	swait.ge @!p0 [sflag:s0], s1  }
0x67b: {  	s1 =	ssub.s32 @!p0 $0x0, s1;
	[sflag:s0] =	ssyncset.done @!p0 $0x0  }
0x67c: {  	[sflag:s0] =	ssyncadd.s32 @!p0 s1  }
0x67d: {  	[bflag:$0x3] =	sbarrier.arrive $0xFFFF  }
0x67e: {  	_ =	shalt  }

</sc_bundles>
